<compile_context>
chip_gen: v7x
topology: tpu7x:2x2x1
jax: 0.10.2.dev20260603
libtpu: 0.0.44.dev20260713+nightly
codegen_flags: <defaults>
</compile_context>

<pallas_src>
import functools

import jax
import jax.numpy as jnp
from jax import lax
from jax.experimental import pallas as pl
from jax.experimental.pallas import tpu as pltpu
from jax.experimental.pallas import tpu_sc as plsc

N = 10000
E = 640000
NUM_FEATURES = 128
EMBED_DIM = 150
HIDDEN = 150
HEADS = 2
HH = HEADS * HIDDEN
PAD = 160
NS = 16
NC = 2
EPT = E // NS
CH = 80
NCHUNK = EPT // CH

_mesh = plsc.VectorSubcoreMesh(
    core_axis_name="c", subcore_axis_name="s", num_cores=NC, num_subcores=NS
)


def _edge_body(src_hbm, dst_hbm, ew_hbm, als0_hbm, als1_hbm, ald0_hbm,
               ald1_hbm, h_hbm, acc_hbm, t_hbm,
               sidx, didx, ewb, coef, asb, adb, denb, rows,
               als_sh, ald_sh, den_sh, acc_sh, sem):
  c = lax.axis_index("c")
  s = lax.axis_index("s")
  base = s * EPT

  @pl.when(s == 0)
  def _():
    @pl.when(c == 0)
    def _():
      pltpu.sync_copy(als0_hbm, als_sh)
      pltpu.sync_copy(ald0_hbm, ald_sh)

    @pl.when(c == 1)
    def _():
      pltpu.sync_copy(als1_hbm, als_sh)
      pltpu.sync_copy(ald1_hbm, ald_sh)

    def _zd(i, _):
      ewb[pl.ds(i * 16, 16)] = jnp.zeros((16,), jnp.float32)
      return 0
    lax.fori_loop(0, CH // 16, _zd, 0)

    def _zcpy(j, _):
      pltpu.sync_copy(ewb, den_sh.at[pl.ds(j * CH, CH)])
      return 0
    lax.fori_loop(0, N // CH, _zcpy, 0)

  def _zrow(r, _):
    for g in range(PAD // 16):
      rows[r, pl.ds(g * 16, 16)] = jnp.zeros((16,), jnp.float32)
    return 0
  lax.fori_loop(0, CH, _zrow, 0)

  @pl.when(s < 15)
  def _():
    for j in range(8):
      pltpu.sync_copy(rows, acc_sh.at[pl.ds(s * 640 + j * 80, 80)])

  @pl.when(s == 15)
  def _():
    for j in range(5):
      pltpu.sync_copy(rows, acc_sh.at[pl.ds(9600 + j * 80, 80)])

  plsc.subcore_barrier()

  def _p1(k, _):
    off = base + k * CH
    pltpu.sync_copy(src_hbm.at[pl.ds(off, CH)], sidx)
    pltpu.sync_copy(dst_hbm.at[pl.ds(off, CH)], didx)
    pltpu.async_copy(als_sh.at[sidx], asb, sem).wait()
    pltpu.async_copy(ald_sh.at[didx], adb, sem).wait()

    def _t16(i, _):
      e = asb[pl.ds(i * 16, 16)] + adb[pl.ds(i * 16, 16)]
      e = jnp.where(e > 0, e, 0.2 * e)
      coef[pl.ds(i * 16, 16)] = jnp.exp(e)
      return 0
    lax.fori_loop(0, CH // 16, _t16, 0)
    pltpu.sync_copy(coef, den_sh.at[didx], add=True)
    pltpu.sync_copy(coef, t_hbm.at[pl.ds(c * E + off, CH)])
    return 0
  lax.fori_loop(0, NCHUNK, _p1, 0)

  plsc.subcore_barrier()

  def _p2(k, _):
    off = base + k * CH
    pltpu.sync_copy(src_hbm.at[pl.ds(off, CH)], sidx)
    pltpu.sync_copy(dst_hbm.at[pl.ds(off, CH)], didx)
    pltpu.sync_copy(ew_hbm.at[pl.ds(off, CH)], ewb)
    pltpu.sync_copy(t_hbm.at[pl.ds(c * E + off, CH)], coef)
    pltpu.async_copy(den_sh.at[didx], denb, sem).wait()

    def _c16(i, _):
      t = coef[pl.ds(i * 16, 16)]
      den_v = denb[pl.ds(i * 16, 16)]
      ew_v = ewb[pl.ds(i * 16, 16)]
      coef[pl.ds(i * 16, 16)] = t / (den_v + 1e-16) * ew_v
      sidx[pl.ds(i * 16, 16)] = sidx[pl.ds(i * 16, 16)] + c * N
      return 0
    lax.fori_loop(0, CH // 16, _c16, 0)

    pltpu.async_copy(h_hbm.at[sidx], rows, sem).wait()

    def _mul(j, _):
      cj = plsc.load_gather(coef, [lax.broadcast(j, (16,))])
      for g in range(PAD // 16):
        rows[j, pl.ds(g * 16, 16)] = rows[j, pl.ds(g * 16, 16)] * cj
      return 0
    lax.fori_loop(0, CH, _mul, 0)

    pltpu.sync_copy(rows, acc_sh.at[didx], add=True)
    return 0
  lax.fori_loop(0, NCHUNK, _p2, 0)

  plsc.subcore_barrier()
  @pl.when(s < 15)
  def _():
    pltpu.sync_copy(acc_sh.at[pl.ds(s * 640, 640)],
                    acc_hbm.at[pl.ds(c * N + s * 640, 640)])

  @pl.when(s == 15)
  def _():
    pltpu.sync_copy(acc_sh.at[pl.ds(9600, 400)],
                    acc_hbm.at[pl.ds(c * N + 9600, 400)])


_edge_call = pl.kernel(
    _edge_body,
    out_type=(
        jax.ShapeDtypeStruct((NC * N, PAD), jnp.float32),
        jax.ShapeDtypeStruct((NC * E,), jnp.float32),
    ),
    mesh=_mesh,
    compiler_params=pltpu.CompilerParams(
        needs_layout_passes=False, use_tc_tiling_on_sc=False),
    scratch_types=[
        pltpu.VMEM((CH,), jnp.int32),
        pltpu.VMEM((CH,), jnp.int32),
        pltpu.VMEM((CH,), jnp.float32),
        pltpu.VMEM((CH,), jnp.float32),
        pltpu.VMEM((CH,), jnp.float32),
        pltpu.VMEM((CH,), jnp.float32),
        pltpu.VMEM((CH,), jnp.float32),
        pltpu.VMEM((CH, PAD), jnp.float32),
        pltpu.VMEM_SHARED((N,), jnp.float32),
        pltpu.VMEM_SHARED((N,), jnp.float32),
        pltpu.VMEM_SHARED((N,), jnp.float32),
        pltpu.VMEM_SHARED((N, PAD), jnp.float32),
        pltpu.SemaphoreType.DMA,
    ],
)



_BR = 1000


def _pre_body(x_ref, emb_ref, w1_ref, as_ref, ad_ref,
              hp0_ref, hp1_ref, als0_ref, als1_ref, ald0_ref, ald1_ref):
  x = x_ref[...]
  m = jnp.max(x, axis=1, keepdims=True)
  cols = lax.broadcasted_iota(jnp.int32, x.shape, 1)
  cand = jnp.where(x == m, cols, NUM_FEATURES)
  idx = jnp.min(cand, axis=1, keepdims=True)
  oh = (cols == idx).astype(jnp.float32)
  h0 = jnp.dot(oh, emb_ref[...], preferred_element_type=jnp.float32)
  h = jnp.dot(h0, w1_ref[...], preferred_element_type=jnp.float32)
  h_a = h[:, :HIDDEN]
  h_b = h[:, HIDDEN:]
  zpad = jnp.zeros((h.shape[0], PAD - HIDDEN), jnp.float32)
  hp0_ref[...] = jnp.concatenate([h_a, zpad], axis=1)
  hp1_ref[...] = jnp.concatenate([h_b, zpad], axis=1)
  a_s = as_ref[...]
  a_d = ad_ref[...]
  als0_ref[...] = jnp.sum(h_a * a_s[0:1, :], axis=1)[:, None]
  als1_ref[...] = jnp.sum(h_b * a_s[1:2, :], axis=1)[:, None]
  ald0_ref[...] = jnp.sum(h_a * a_d[0:1, :], axis=1)[:, None]
  ald1_ref[...] = jnp.sum(h_b * a_d[1:2, :], axis=1)[:, None]


_pre_call = pl.pallas_call(
    _pre_body,
    grid=(N // _BR,),
    in_specs=[
        pl.BlockSpec((_BR, NUM_FEATURES), lambda i: (i, 0)),
        pl.BlockSpec((NUM_FEATURES, EMBED_DIM), lambda i: (0, 0)),
        pl.BlockSpec((EMBED_DIM, HH), lambda i: (0, 0)),
        pl.BlockSpec((HEADS, HIDDEN), lambda i: (0, 0)),
        pl.BlockSpec((HEADS, HIDDEN), lambda i: (0, 0)),
    ],
    out_specs=[
        pl.BlockSpec((_BR, PAD), lambda i: (i, 0)),
        pl.BlockSpec((_BR, PAD), lambda i: (i, 0)),
        pl.BlockSpec((_BR, 1), lambda i: (i, 0)),
        pl.BlockSpec((_BR, 1), lambda i: (i, 0)),
        pl.BlockSpec((_BR, 1), lambda i: (i, 0)),
        pl.BlockSpec((_BR, 1), lambda i: (i, 0)),
    ],
    out_shape=[
        jax.ShapeDtypeStruct((N, PAD), jnp.float32),
        jax.ShapeDtypeStruct((N, PAD), jnp.float32),
        jax.ShapeDtypeStruct((N, 1), jnp.float32),
        jax.ShapeDtypeStruct((N, 1), jnp.float32),
        jax.ShapeDtypeStruct((N, 1), jnp.float32),
        jax.ShapeDtypeStruct((N, 1), jnp.float32),
    ],
)


def _mid_body(a0_ref, a1_ref, b1_ref, g1_ref, be1_ref, w2_ref, as_ref, ad_ref,
              hp0_ref, hp1_ref, als0_ref, als1_ref, ald0_ref, ald1_ref):
  hcat = jnp.concatenate([a0_ref[:, :HIDDEN], a1_ref[:, :HIDDEN]], axis=1)
  hcat = hcat + b1_ref[...]
  mu = jnp.mean(hcat, axis=1, keepdims=True)
  var = jnp.mean(jnp.square(hcat - mu), axis=1, keepdims=True)
  hn = (hcat - mu) / jnp.sqrt(var + 1e-5) * g1_ref[...] + be1_ref[...]
  hn = jnp.where(hn > 0, hn, 0.01 * hn)
  h = jnp.dot(hn, w2_ref[...], preferred_element_type=jnp.float32)
  h_a = h[:, :HIDDEN]
  h_b = h[:, HIDDEN:]
  zpad = jnp.zeros((h.shape[0], PAD - HIDDEN), jnp.float32)
  hp0_ref[...] = jnp.concatenate([h_a, zpad], axis=1)
  hp1_ref[...] = jnp.concatenate([h_b, zpad], axis=1)
  a_s = as_ref[...]
  a_d = ad_ref[...]
  als0_ref[...] = jnp.sum(h_a * a_s[0:1, :], axis=1)[:, None]
  als1_ref[...] = jnp.sum(h_b * a_s[1:2, :], axis=1)[:, None]
  ald0_ref[...] = jnp.sum(h_a * a_d[0:1, :], axis=1)[:, None]
  ald1_ref[...] = jnp.sum(h_b * a_d[1:2, :], axis=1)[:, None]


_mid_call = pl.pallas_call(
    _mid_body,
    grid=(N // _BR,),
    in_specs=[
        pl.BlockSpec((_BR, PAD), lambda i: (i, 0)),
        pl.BlockSpec((_BR, PAD), lambda i: (i, 0)),
        pl.BlockSpec((1, HH), lambda i: (0, 0)),
        pl.BlockSpec((1, HH), lambda i: (0, 0)),
        pl.BlockSpec((1, HH), lambda i: (0, 0)),
        pl.BlockSpec((HH, HH), lambda i: (0, 0)),
        pl.BlockSpec((HEADS, HIDDEN), lambda i: (0, 0)),
        pl.BlockSpec((HEADS, HIDDEN), lambda i: (0, 0)),
    ],
    out_specs=[
        pl.BlockSpec((_BR, PAD), lambda i: (i, 0)),
        pl.BlockSpec((_BR, PAD), lambda i: (i, 0)),
        pl.BlockSpec((_BR, 1), lambda i: (i, 0)),
        pl.BlockSpec((_BR, 1), lambda i: (i, 0)),
        pl.BlockSpec((_BR, 1), lambda i: (i, 0)),
        pl.BlockSpec((_BR, 1), lambda i: (i, 0)),
    ],
    out_shape=[
        jax.ShapeDtypeStruct((N, PAD), jnp.float32),
        jax.ShapeDtypeStruct((N, PAD), jnp.float32),
        jax.ShapeDtypeStruct((N, 1), jnp.float32),
        jax.ShapeDtypeStruct((N, 1), jnp.float32),
        jax.ShapeDtypeStruct((N, 1), jnp.float32),
        jax.ShapeDtypeStruct((N, 1), jnp.float32),
    ],
)


def _post_body(a0_ref, a1_ref, b2_ref, wf_ref, bf_ref, y_ref):
  hcat = jnp.concatenate([a0_ref[:, :HIDDEN], a1_ref[:, :HIDDEN]], axis=1)
  hcat = hcat + b2_ref[...]
  h = jnp.where(hcat > 0, hcat, 0.01 * hcat)
  y = jnp.sum(h * wf_ref[...], axis=1) + bf_ref[0, 0]
  y_ref[...] = y[:, None]


_post_call = pl.pallas_call(
    _post_body,
    grid=(N // _BR,),
    in_specs=[
        pl.BlockSpec((_BR, PAD), lambda i: (i, 0)),
        pl.BlockSpec((_BR, PAD), lambda i: (i, 0)),
        pl.BlockSpec((1, HH), lambda i: (0, 0)),
        pl.BlockSpec((1, HH), lambda i: (0, 0)),
        pl.BlockSpec((1, 1), lambda i: (0, 0)),
    ],
    out_specs=pl.BlockSpec((_BR, 1), lambda i: (i, 0)),
    out_shape=jax.ShapeDtypeStruct((N, 1), jnp.float32),
)


def kernel(x, edge_index, edge_weight, emb, W1, a_src1, a_dst1, b1, g1, be1,
           W2, a_src2, a_dst2, b2, Wf, bf):
  src = edge_index[0]
  dst = edge_index[1]

  hp0, hp1, als0, als1, ald0, ald1 = _pre_call(x, emb, W1, a_src1, a_dst1)
  hpad1 = jnp.concatenate([hp0, hp1], axis=0)
  acc1, _ = _edge_call(src, dst, edge_weight, als0.reshape(N), als1.reshape(N),
                       ald0.reshape(N), ald1.reshape(N), hpad1)

  hp20, hp21, als20, als21, ald20, ald21 = _mid_call(
      acc1[:N], acc1[N:], b1.reshape(1, HH), g1.reshape(1, HH),
      be1.reshape(1, HH), W2, a_src2, a_dst2)
  hpad2 = jnp.concatenate([hp20, hp21], axis=0)
  acc2, _ = _edge_call(src, dst, edge_weight, als20.reshape(N), als21.reshape(N),
                       ald20.reshape(N), ald21.reshape(N), hpad2)

  y = _post_call(acc2[:N], acc2[N:], b2.reshape(1, HH),
                 Wf.reshape(1, HH), bf.reshape(1, 1))
  return y.reshape(N)

# --- scband reference (transcript-rebuilt; emitter-appended) ---
"""Pipeline reference for scband-flux-gat-32238024523924 (READ-ONLY COPY).

The authoritative reference and input builder live on the scoring server;
editing this copy changes nothing except your own understanding.
"""

import jax, jax.numpy as jnp
import numpy as np

N = 10000
E = 640000
NUM_FEATURES = 128
EMBED_DIM = 150
HIDDEN = 150
HEADS = 2


def setup_inputs(seed: int = 0) -> dict:
    key = jax.random.key(seed)
    ks = jax.random.split(key, 16)
    s = 0.1
    inp = {}
    inp["x"] = jax.random.normal(ks[0], (N, NUM_FEATURES), dtype=jnp.float32)
    inp["edge_index"] = jax.random.randint(ks[1], (2, E), 0, N, dtype=jnp.int32)
    inp["edge_weight"] = jax.random.uniform(ks[2], (E,), dtype=jnp.float32)
    inp["emb"] = jax.random.normal(ks[3], (NUM_FEATURES, EMBED_DIM), dtype=jnp.float32) * s
    inp["W1"] = jax.random.normal(ks[4], (EMBED_DIM, HEADS * HIDDEN), dtype=jnp.float32) * s
    inp["a_src1"] = jax.random.normal(ks[5], (HEADS, HIDDEN), dtype=jnp.float32) * s
    inp["a_dst1"] = jax.random.normal(ks[6], (HEADS, HIDDEN), dtype=jnp.float32) * s
    inp["b1"] = jnp.zeros((HEADS * HIDDEN,), dtype=jnp.float32)
    inp["g1"] = jnp.ones((HEADS * HIDDEN,), dtype=jnp.float32)
    inp["be1"] = jnp.zeros((HEADS * HIDDEN,), dtype=jnp.float32)
    inp["W2"] = jax.random.normal(ks[7], (HEADS * HIDDEN, HEADS * HIDDEN), dtype=jnp.float32) * s
    inp["a_src2"] = jax.random.normal(ks[8], (HEADS, HIDDEN), dtype=jnp.float32) * s
    inp["a_dst2"] = jax.random.normal(ks[9], (HEADS, HIDDEN), dtype=jnp.float32) * s
    inp["b2"] = jnp.zeros((HEADS * HIDDEN,), dtype=jnp.float32)
    inp["Wf"] = jax.random.normal(ks[10], (HEADS * HIDDEN, 1), dtype=jnp.float32) * s
    inp["bf"] = jnp.zeros((1,), dtype=jnp.float32)
    return inp


def _layernorm(x, g, b):
    mu = jnp.mean(x, axis=-1, keepdims=True)
    var = jnp.var(x, axis=-1, keepdims=True)
    return (x - mu) / jnp.sqrt(var + 1e-5) * g + b


def _gat(h_in, src, dst, ew, W, a_s, a_d, b):
    h = (h_in @ W).reshape(h_in.shape[0], HEADS, HIDDEN)
    al_s = jnp.sum(h * a_s[None], axis=-1)  # [N, H]
    al_d = jnp.sum(h * a_d[None], axis=-1)  # [N, H]
    e = jax.nn.leaky_relu(al_s[src] + al_d[dst], 0.2)  # [E, H]
    m = jax.ops.segment_max(e, dst, num_segments=N)
    m = jax.lax.stop_gradient(jnp.where(jnp.isfinite(m), m, 0.0))
    ex = jnp.exp(e - m[dst])
    den = jax.ops.segment_sum(ex, dst, num_segments=N)
    alpha = ex / (den[dst] + 1e-16)
    msg = alpha[:, :, None] * h[src] * ew[:, None, None]
    out = jax.ops.segment_sum(msg, dst, num_segments=N)
    return out.reshape(N, HEADS * HIDDEN) + b


def reference(x, edge_index, edge_weight, emb, W1, a_src1, a_dst1, b1, g1, be1, W2, a_src2, a_dst2, b2, Wf, bf):
    src, dst = edge_index[0], edge_index[1]
    idx = jnp.argmax(x, axis=1)
    h = jnp.take(emb, idx, axis=0)
    h = jax.nn.leaky_relu(_layernorm(_gat(h, src, dst, edge_weight, W1, a_src1, a_dst1, b1), g1, be1), 0.01)
    # dropout p=0.2 is identity in eval mode
    h = jax.nn.leaky_relu(_gat(h, src, dst, edge_weight, W2, a_src2, a_dst2, b2), 0.01)
    # dropout p=0.5 is identity in eval mode
    return (h @ Wf + bf).squeeze(-1)

if __name__ == "__main__":
    import jax
    _d = setup_inputs()
    print(jax.jit(kernel)(*tuple(_d.values())))

</pallas_src>

<mosaic_0001>
#map = affine_map<(d0, d1) -> (0)>
#map1 = affine_map<(d0, d1) -> (0, 0)>
module attributes {stable_mosaic.version = 14 : i64} {
  func.func @_edge_body(%arg0: i32, %arg1: i32, %arg2: memref<640000xi32, #tpu.memory_space<hbm>>, %arg3: memref<640000xi32, #tpu.memory_space<hbm>>, %arg4: memref<640000xf32, #tpu.memory_space<hbm>>, %arg5: memref<10000xf32, #tpu.memory_space<hbm>>, %arg6: memref<10000xf32, #tpu.memory_space<hbm>>, %arg7: memref<10000xf32, #tpu.memory_space<hbm>>, %arg8: memref<10000xf32, #tpu.memory_space<hbm>>, %arg9: memref<20000x160xf32, #tpu.memory_space<hbm>>, %arg10: memref<20000x160xf32, #tpu.memory_space<hbm>>, %arg11: memref<1280000xf32, #tpu.memory_space<hbm>>, %arg12: memref<80xi32, #tpu.memory_space<vmem>>, %arg13: memref<80xi32, #tpu.memory_space<vmem>>, %arg14: memref<80xf32, #tpu.memory_space<vmem>>, %arg15: memref<80xf32, #tpu.memory_space<vmem>>, %arg16: memref<80xf32, #tpu.memory_space<vmem>>, %arg17: memref<80xf32, #tpu.memory_space<vmem>>, %arg18: memref<80xf32, #tpu.memory_space<vmem>>, %arg19: memref<80x160xf32, #tpu.memory_space<vmem>>, %arg20: memref<10000xf32, #tpu.memory_space<vmem_shared>>, %arg21: memref<10000xf32, #tpu.memory_space<vmem_shared>>, %arg22: memref<10000xf32, #tpu.memory_space<vmem_shared>>, %arg23: memref<10000x160xf32, #tpu.memory_space<vmem_shared>>, %arg24: memref<!tpu.dma_semaphore, #tpu.memory_space<semaphore_mem>>) attributes {dimension_semantics = [#tpu.dimension_semantics<core_parallel>, #tpu.dimension_semantics<subcore_parallel>], iteration_bounds = array<i64: 2, 16>, scalar_prefetch = 0 : i64, scratch_operands = 13 : i64, tpu.core_type = #tpu.core_type<sc_vector_subcore>, window_params = [{transform_indices = #map}, {transform_indices = #map}, {transform_indices = #map}, {transform_indices = #map}, {transform_indices = #map}, {transform_indices = #map}, {transform_indices = #map}, {transform_indices = #map1}, {transform_indices = #map1}, {transform_indices = #map}]} {
    %mul3A = arith.constant 40000 : i32
    %mul3A_0 = arith.muli %arg1, %mul3A : i32
    %eq3A = arith.constant 0 : i32
    %eq3A_1 = arith.cmpi eq, %arg1, %eq3A : i32
    %convert_element_type3A = arith.extui %eq3A_1 : i1 to i32
    %cond3A = arith.constant 0 : i32
    %cond3A_2 = arith.cmpi ne, %convert_element_type3A, %cond3A : i32
    scf.if %cond3A_2 {
      %eq3A_44 = arith.constant 0 : i32
      %eq3A_45 = arith.cmpi eq, %arg0, %eq3A_44 : i32
      %convert_element_type3A_46 = arith.extui %eq3A_45 : i1 to i32
      %cond3A_47 = arith.constant 0 : i32
      %cond3A_48 = arith.cmpi ne, %convert_element_type3A_46, %cond3A_47 : i32
      scf.if %cond3A_48 {
        "tpu.region"() ({
          %run_scoped3A = tpu.sem_alloc : memref<!tpu.dma_semaphore, #tpu.memory_space<semaphore_mem>>
          tpu.enqueue_dma source(%arg5 : memref<10000xf32, #tpu.memory_space<hbm>>) target(%arg20 : memref<10000xf32, #tpu.memory_space<vmem_shared>>) target_semaphore(%run_scoped3A : memref<!tpu.dma_semaphore, #tpu.memory_space<semaphore_mem>>)
          tpu.wait_dma2 semaphore(%run_scoped3A : memref<!tpu.dma_semaphore, #tpu.memory_space<semaphore_mem>>) src(%arg5 : memref<10000xf32, #tpu.memory_space<hbm>>) dst(%arg20 : memref<10000xf32, #tpu.memory_space<vmem_shared>>)
          tpu.yield
        }) : () -> ()
        "tpu.region"() ({
          %run_scoped3A = tpu.sem_alloc : memref<!tpu.dma_semaphore, #tpu.memory_space<semaphore_mem>>
          tpu.enqueue_dma source(%arg7 : memref<10000xf32, #tpu.memory_space<hbm>>) target(%arg21 : memref<10000xf32, #tpu.memory_space<vmem_shared>>) target_semaphore(%run_scoped3A : memref<!tpu.dma_semaphore, #tpu.memory_space<semaphore_mem>>)
          tpu.wait_dma2 semaphore(%run_scoped3A : memref<!tpu.dma_semaphore, #tpu.memory_space<semaphore_mem>>) src(%arg7 : memref<10000xf32, #tpu.memory_space<hbm>>) dst(%arg21 : memref<10000xf32, #tpu.memory_space<vmem_shared>>)
          tpu.yield
        }) : () -> ()
      } else {
      }
      %eq3A_49 = arith.constant 1 : i32
      %eq3A_50 = arith.cmpi eq, %arg0, %eq3A_49 : i32
      %convert_element_type3A_51 = arith.extui %eq3A_50 : i1 to i32
      %cond3A_52 = arith.constant 0 : i32
      %cond3A_53 = arith.cmpi ne, %convert_element_type3A_51, %cond3A_52 : i32
      scf.if %cond3A_53 {
        "tpu.region"() ({
          %run_scoped3A = tpu.sem_alloc : memref<!tpu.dma_semaphore, #tpu.memory_space<semaphore_mem>>
          tpu.enqueue_dma source(%arg6 : memref<10000xf32, #tpu.memory_space<hbm>>) target(%arg20 : memref<10000xf32, #tpu.memory_space<vmem_shared>>) target_semaphore(%run_scoped3A : memref<!tpu.dma_semaphore, #tpu.memory_space<semaphore_mem>>)
          tpu.wait_dma2 semaphore(%run_scoped3A : memref<!tpu.dma_semaphore, #tpu.memory_space<semaphore_mem>>) src(%arg6 : memref<10000xf32, #tpu.memory_space<hbm>>) dst(%arg20 : memref<10000xf32, #tpu.memory_space<vmem_shared>>)
          tpu.yield
        }) : () -> ()
        "tpu.region"() ({
          %run_scoped3A = tpu.sem_alloc : memref<!tpu.dma_semaphore, #tpu.memory_space<semaphore_mem>>
          tpu.enqueue_dma source(%arg8 : memref<10000xf32, #tpu.memory_space<hbm>>) target(%arg21 : memref<10000xf32, #tpu.memory_space<vmem_shared>>) target_semaphore(%run_scoped3A : memref<!tpu.dma_semaphore, #tpu.memory_space<semaphore_mem>>)
          tpu.wait_dma2 semaphore(%run_scoped3A : memref<!tpu.dma_semaphore, #tpu.memory_space<semaphore_mem>>) src(%arg8 : memref<10000xf32, #tpu.memory_space<hbm>>) dst(%arg21 : memref<10000xf32, #tpu.memory_space<vmem_shared>>)
          tpu.yield
        }) : () -> ()
      } else {
      }
      %scan3A_54 = arith.constant 0 : i32
      %scan3A_55 = arith.constant 0 : i32
      %scan3A_56 = arith.constant 5 : i32
      %scan3A_57 = arith.addi %scan3A_55, %scan3A_56 : i32
      %scan3A_58 = arith.constant 1 : i32
      %scan3A_59 = scf.for %scan3A_68 = %scan3A_55 to %scan3A_57 step %scan3A_58 iter_args(%scan3A_69 = %scan3A_54) -> (i32)  : i32 {
        %broadcast_in_dim3A = arith.constant 0.000000e+00 : f32
        %broadcast_in_dim3A_70 = vector.broadcast %broadcast_in_dim3A : f32 to vector<16xf32>
        %mul3A_71 = arith.constant 16 : i32
        %mul3A_72 = arith.muli %scan3A_68, %mul3A_71 : i32
        %swap3A = arith.index_cast %mul3A_72 : i32 to index
        %swap3A_73 = tpu.vector_load %arg14[%swap3A] {strides = array<i32>} : memref<80xf32, #tpu.memory_space<vmem>>, vector<16xf32>,
        tpu.vector_store %arg14[%swap3A], %broadcast_in_dim3A_70 {strides = array<i32>} : memref<80xf32, #tpu.memory_space<vmem>>, vector<16xf32>,
        %scan3A_74 = arith.constant 0 : i32
        scf.yield %scan3A_74 : i32
      }
      %scan3A_60 = arith.constant 5 : i32
      %scan3A_61 = arith.constant 0 : i32
      %scan3A_62 = arith.constant 0 : i32
      %scan3A_63 = arith.constant 125 : i32
      %scan3A_64 = arith.addi %scan3A_62, %scan3A_63 : i32
      %scan3A_65 = arith.constant 1 : i32
      %scan3A_66 = scf.for %scan3A_68 = %scan3A_62 to %scan3A_64 step %scan3A_65 iter_args(%scan3A_69 = %scan3A_61) -> (i32)  : i32 {
        %mul3A_70 = arith.constant 80 : i32
        %mul3A_71 = arith.muli %scan3A_68, %mul3A_70 : i32
        "tpu.region"() ({
          %run_scoped3A = tpu.sem_alloc : memref<!tpu.dma_semaphore, #tpu.memory_space<semaphore_mem>>
          %dma_start3A = tpu.memref_slice %arg22[%mul3A_71] : memref<10000xf32, #tpu.memory_space<vmem_shared>> -> memref<80xf32, #tpu.memory_space<vmem_shared>>
          %dma_start3A_73 = tpu.memref_slice %arg22[%mul3A_71] : memref<10000xf32, #tpu.memory_space<vmem_shared>> -> memref<80xf32, #tpu.memory_space<vmem_shared>>
          tpu.enqueue_dma source(%arg14 : memref<80xf32, #tpu.memory_space<vmem>>) target(%dma_start3A_73 : memref<80xf32, #tpu.memory_space<vmem_shared>>) target_semaphore(%run_scoped3A : memref<!tpu.dma_semaphore, #tpu.memory_space<semaphore_mem>>)
          %dma_wait3A = tpu.memref_slice %arg22[%mul3A_71] : memref<10000xf32, #tpu.memory_space<vmem_shared>> -> memref<80xf32, #tpu.memory_space<vmem_shared>>
          %dma_wait3A_74 = tpu.memref_slice %arg22[%mul3A_71] : memref<10000xf32, #tpu.memory_space<vmem_shared>> -> memref<80xf32, #tpu.memory_space<vmem_shared>>
          tpu.wait_dma2 semaphore(%run_scoped3A : memref<!tpu.dma_semaphore, #tpu.memory_space<semaphore_mem>>) src(%arg14 : memref<80xf32, #tpu.memory_space<vmem>>) dst(%dma_wait3A_74 : memref<80xf32, #tpu.memory_space<vmem_shared>>)
          tpu.yield
        }) : () -> ()
        %scan3A_72 = arith.constant 0 : i32
        scf.yield %scan3A_72 : i32
      }
      %scan3A_67 = arith.constant 125 : i32
    } else {
    }
    %scan3A = arith.constant 0 : i32
    %scan3A_3 = arith.constant 0 : i32
    %scan3A_4 = arith.constant 80 : i32
    %scan3A_5 = arith.addi %scan3A_3, %scan3A_4 : i32
    %scan3A_6 = arith.constant 1 : i32
    %scan3A_7 = scf.for %scan3A_44 = %scan3A_3 to %scan3A_5 step %scan3A_6 iter_args(%scan3A_45 = %scan3A) -> (i32)  : i32 {
      %broadcast_in_dim3A = arith.constant 0.000000e+00 : f32
      %broadcast_in_dim3A_46 = vector.broadcast %broadcast_in_dim3A : f32 to vector<16xf32>
      %swap3A = arith.index_cast %scan3A_44 : i32 to index
      %swap3A_47 = arith.constant 0 : index
      %swap3A_48 = tpu.vector_load %arg19[%swap3A, %swap3A_47] {strides = array<i32>} : memref<80x160xf32, #tpu.memory_space<vmem>>, vector<16xf32>,
      tpu.vector_store %arg19[%swap3A, %swap3A_47], %broadcast_in_dim3A_46 {strides = array<i32>} : memref<80x160xf32, #tpu.memory_space<vmem>>, vector<16xf32>,
      %broadcast_in_dim3A_49 = arith.constant 0.000000e+00 : f32
      %broadcast_in_dim3A_50 = vector.broadcast %broadcast_in_dim3A_49 : f32 to vector<16xf32>
      %swap3A_51 = arith.index_cast %scan3A_44 : i32 to index
      %swap3A_52 = arith.constant 16 : index
      %swap3A_53 = tpu.vector_load %arg19[%swap3A_51, %swap3A_52] {strides = array<i32>} : memref<80x160xf32, #tpu.memory_space<vmem>>, vector<16xf32>,
      tpu.vector_store %arg19[%swap3A_51, %swap3A_52], %broadcast_in_dim3A_50 {strides = array<i32>} : memref<80x160xf32, #tpu.memory_space<vmem>>, vector<16xf32>,
      %broadcast_in_dim3A_54 = arith.constant 0.000000e+00 : f32
      %broadcast_in_dim3A_55 = vector.broadcast %broadcast_in_dim3A_54 : f32 to vector<16xf32>
      %swap3A_56 = arith.index_cast %scan3A_44 : i32 to index
      %swap3A_57 = arith.constant 32 : index
      %swap3A_58 = tpu.vector_load %arg19[%swap3A_56, %swap3A_57] {strides = array<i32>} : memref<80x160xf32, #tpu.memory_space<vmem>>, vector<16xf32>,
      tpu.vector_store %arg19[%swap3A_56, %swap3A_57], %broadcast_in_dim3A_55 {strides = array<i32>} : memref<80x160xf32, #tpu.memory_space<vmem>>, vector<16xf32>,
      %broadcast_in_dim3A_59 = arith.constant 0.000000e+00 : f32
      %broadcast_in_dim3A_60 = vector.broadcast %broadcast_in_dim3A_59 : f32 to vector<16xf32>
      %swap3A_61 = arith.index_cast %scan3A_44 : i32 to index
      %swap3A_62 = arith.constant 48 : index
      %swap3A_63 = tpu.vector_load %arg19[%swap3A_61, %swap3A_62] {strides = array<i32>} : memref<80x160xf32, #tpu.memory_space<vmem>>, vector<16xf32>,
      tpu.vector_store %arg19[%swap3A_61, %swap3A_62], %broadcast_in_dim3A_60 {strides = array<i32>} : memref<80x160xf32, #tpu.memory_space<vmem>>, vector<16xf32>,
      %broadcast_in_dim3A_64 = arith.constant 0.000000e+00 : f32
      %broadcast_in_dim3A_65 = vector.broadcast %broadcast_in_dim3A_64 : f32 to vector<16xf32>
      %swap3A_66 = arith.index_cast %scan3A_44 : i32 to index
      %swap3A_67 = arith.constant 64 : index
      %swap3A_68 = tpu.vector_load %arg19[%swap3A_66, %swap3A_67] {strides = array<i32>} : memref<80x160xf32, #tpu.memory_space<vmem>>, vector<16xf32>,
      tpu.vector_store %arg19[%swap3A_66, %swap3A_67], %broadcast_in_dim3A_65 {strides = array<i32>} : memref<80x160xf32, #tpu.memory_space<vmem>>, vector<16xf32>,
      %broadcast_in_dim3A_69 = arith.constant 0.000000e+00 : f32
      %broadcast_in_dim3A_70 = vector.broadcast %broadcast_in_dim3A_69 : f32 to vector<16xf32>
      %swap3A_71 = arith.index_cast %scan3A_44 : i32 to index
      %swap3A_72 = arith.constant 80 : index
      %swap3A_73 = tpu.vector_load %arg19[%swap3A_71, %swap3A_72] {strides = array<i32>} : memref<80x160xf32, #tpu.memory_space<vmem>>, vector<16xf32>,
      tpu.vector_store %arg19[%swap3A_71, %swap3A_72], %broadcast_in_dim3A_70 {strides = array<i32>} : memref<80x160xf32, #tpu.memory_space<vmem>>, vector<16xf32>,
      %broadcast_in_dim3A_74 = arith.constant 0.000000e+00 : f32
      %broadcast_in_dim3A_75 = vector.broadcast %broadcast_in_dim3A_74 : f32 to vector<16xf32>
      %swap3A_76 = arith.index_cast %scan3A_44 : i32 to index
      %swap3A_77 = arith.constant 96 : index
      %swap3A_78 = tpu.vector_load %arg19[%swap3A_76, %swap3A_77] {strides = array<i32>} : memref<80x160xf32, #tpu.memory_space<vmem>>, vector<16xf32>,
      tpu.vector_store %arg19[%swap3A_76, %swap3A_77], %broadcast_in_dim3A_75 {strides = array<i32>} : memref<80x160xf32, #tpu.memory_space<vmem>>, vector<16xf32>,
      %broadcast_in_dim3A_79 = arith.constant 0.000000e+00 : f32
      %broadcast_in_dim3A_80 = vector.broadcast %broadcast_in_dim3A_79 : f32 to vector<16xf32>
      %swap3A_81 = arith.index_cast %scan3A_44 : i32 to index
      %swap3A_82 = arith.constant 112 : index
      %swap3A_83 = tpu.vector_load %arg19[%swap3A_81, %swap3A_82] {strides = array<i32>} : memref<80x160xf32, #tpu.memory_space<vmem>>, vector<16xf32>,
      tpu.vector_store %arg19[%swap3A_81, %swap3A_82], %broadcast_in_dim3A_80 {strides = array<i32>} : memref<80x160xf32, #tpu.memory_space<vmem>>, vector<16xf32>,
      %broadcast_in_dim3A_84 = arith.constant 0.000000e+00 : f32
      %broadcast_in_dim3A_85 = vector.broadcast %broadcast_in_dim3A_84 : f32 to vector<16xf32>
      %swap3A_86 = arith.index_cast %scan3A_44 : i32 to index
      %swap3A_87 = arith.constant 128 : index
      %swap3A_88 = tpu.vector_load %arg19[%swap3A_86, %swap3A_87] {strides = array<i32>} : memref<80x160xf32, #tpu.memory_space<vmem>>, vector<16xf32>,
      tpu.vector_store %arg19[%swap3A_86, %swap3A_87], %broadcast_in_dim3A_85 {strides = array<i32>} : memref<80x160xf32, #tpu.memory_space<vmem>>, vector<16xf32>,
      %broadcast_in_dim3A_89 = arith.constant 0.000000e+00 : f32
      %broadcast_in_dim3A_90 = vector.broadcast %broadcast_in_dim3A_89 : f32 to vector<16xf32>
      %swap3A_91 = arith.index_cast %scan3A_44 : i32 to index
      %swap3A_92 = arith.constant 144 : index
      %swap3A_93 = tpu.vector_load %arg19[%swap3A_91, %swap3A_92] {strides = array<i32>} : memref<80x160xf32, #tpu.memory_space<vmem>>, vector<16xf32>,
      tpu.vector_store %arg19[%swap3A_91, %swap3A_92], %broadcast_in_dim3A_90 {strides = array<i32>} : memref<80x160xf32, #tpu.memory_space<vmem>>, vector<16xf32>,
      %scan3A_94 = arith.constant 0 : i32
      scf.yield %scan3A_94 : i32
    }
    %scan3A_8 = arith.constant 80 : i32
    %lt3A = arith.constant 15 : i32
    %lt3A_9 = arith.cmpi slt, %arg1, %lt3A : i32
    %convert_element_type3A_10 = arith.extui %lt3A_9 : i1 to i32
    %cond3A_11 = arith.constant 0 : i32
    %cond3A_12 = arith.cmpi ne, %convert_element_type3A_10, %cond3A_11 : i32
    scf.if %cond3A_12 {
      %mul3A_44 = arith.constant 640 : i32
      %mul3A_45 = arith.muli %arg1, %mul3A_44 : i32
      %add3A = arith.constant 0 : i32
      %add3A_46 = arith.addi %mul3A_45, %add3A : i32
      "tpu.region"() ({
        %run_scoped3A = tpu.sem_alloc : memref<!tpu.dma_semaphore, #tpu.memory_space<semaphore_mem>>
        %dma_start3A = arith.constant 0 : i32
        %dma_start3A_75 = tpu.memref_slice %arg23[%add3A_46, %dma_start3A] : memref<10000x160xf32, #tpu.memory_space<vmem_shared>> -> memref<80x160xf32, #tpu.memory_space<vmem_shared>>
        %dma_start3A_76 = arith.constant 0 : i32
        %dma_start3A_77 = tpu.memref_slice %arg23[%add3A_46, %dma_start3A_76] : memref<10000x160xf32, #tpu.memory_space<vmem_shared>> -> memref<80x160xf32, #tpu.memory_space<vmem_shared>>
        tpu.enqueue_dma source(%arg19 : memref<80x160xf32, #tpu.memory_space<vmem>>) target(%dma_start3A_77 : memref<80x160xf32, #tpu.memory_space<vmem_shared>>) target_semaphore(%run_scoped3A : memref<!tpu.dma_semaphore, #tpu.memory_space<semaphore_mem>>)
        %dma_wait3A = arith.constant 0 : i32
        %dma_wait3A_78 = tpu.memref_slice %arg23[%add3A_46, %dma_wait3A] : memref<10000x160xf32, #tpu.memory_space<vmem_shared>> -> memref<80x160xf32, #tpu.memory_space<vmem_shared>>
        %dma_wait3A_79 = arith.constant 0 : i32
        %dma_wait3A_80 = tpu.memref_slice %arg23[%add3A_46, %dma_wait3A_79] : memref<10000x160xf32, #tpu.memory_space<vmem_shared>> -> memref<80x160xf32, #tpu.memory_space<vmem_shared>>
        tpu.wait_dma2 semaphore(%run_scoped3A : memref<!tpu.dma_semaphore, #tpu.memory_space<semaphore_mem>>) src(%arg19 : memref<80x160xf32, #tpu.memory_space<vmem>>) dst(%dma_wait3A_80 : memref<80x160xf32, #tpu.memory_space<vmem_shared>>)
        tpu.yield
      }) : () -> ()
      %mul3A_47 = arith.constant 640 : i32
      %mul3A_48 = arith.muli %arg1, %mul3A_47 : i32
      %add3A_49 = arith.constant 80 : i32
      %add3A_50 = arith.addi %mul3A_48, %add3A_49 : i32
      "tpu.region"() ({
        %run_scoped3A = tpu.sem_alloc : memref<!tpu.dma_semaphore, #tpu.memory_space<semaphore_mem>>
        %dma_start3A = arith.constant 0 : i32
        %dma_start3A_75 = tpu.memref_slice %arg23[%add3A_50, %dma_start3A] : memref<10000x160xf32, #tpu.memory_space<vmem_shared>> -> memref<80x160xf32, #tpu.memory_space<vmem_shared>>
        %dma_start3A_76 = arith.constant 0 : i32
        %dma_start3A_77 = tpu.memref_slice %arg23[%add3A_50, %dma_start3A_76] : memref<10000x160xf32, #tpu.memory_space<vmem_shared>> -> memref<80x160xf32, #tpu.memory_space<vmem_shared>>
        tpu.enqueue_dma source(%arg19 : memref<80x160xf32, #tpu.memory_space<vmem>>) target(%dma_start3A_77 : memref<80x160xf32, #tpu.memory_space<vmem_shared>>) target_semaphore(%run_scoped3A : memref<!tpu.dma_semaphore, #tpu.memory_space<semaphore_mem>>)
        %dma_wait3A = arith.constant 0 : i32
        %dma_wait3A_78 = tpu.memref_slice %arg23[%add3A_50, %dma_wait3A] : memref<10000x160xf32, #tpu.memory_space<vmem_shared>> -> memref<80x160xf32, #tpu.memory_space<vmem_shared>>
        %dma_wait3A_79 = arith.constant 0 : i32
        %dma_wait3A_80 = tpu.memref_slice %arg23[%add3A_50, %dma_wait3A_79] : memref<10000x160xf32, #tpu.memory_space<vmem_shared>> -> memref<80x160xf32, #tpu.memory_space<vmem_shared>>
        tpu.wait_dma2 semaphore(%run_scoped3A : memref<!tpu.dma_semaphore, #tpu.memory_space<semaphore_mem>>) src(%arg19 : memref<80x160xf32, #tpu.memory_space<vmem>>) dst(%dma_wait3A_80 : memref<80x160xf32, #tpu.memory_space<vmem_shared>>)
        tpu.yield
      }) : () -> ()
      %mul3A_51 = arith.constant 640 : i32
      %mul3A_52 = arith.muli %arg1, %mul3A_51 : i32
      %add3A_53 = arith.constant 160 : i32
      %add3A_54 = arith.addi %mul3A_52, %add3A_53 : i32
      "tpu.region"() ({
        %run_scoped3A = tpu.sem_alloc : memref<!tpu.dma_semaphore, #tpu.memory_space<semaphore_mem>>
        %dma_start3A = arith.constant 0 : i32
        %dma_start3A_75 = tpu.memref_slice %arg23[%add3A_54, %dma_start3A] : memref<10000x160xf32, #tpu.memory_space<vmem_shared>> -> memref<80x160xf32, #tpu.memory_space<vmem_shared>>
        %dma_start3A_76 = arith.constant 0 : i32
        %dma_start3A_77 = tpu.memref_slice %arg23[%add3A_54, %dma_start3A_76] : memref<10000x160xf32, #tpu.memory_space<vmem_shared>> -> memref<80x160xf32, #tpu.memory_space<vmem_shared>>
        tpu.enqueue_dma source(%arg19 : memref<80x160xf32, #tpu.memory_space<vmem>>) target(%dma_start3A_77 : memref<80x160xf32, #tpu.memory_space<vmem_shared>>) target_semaphore(%run_scoped3A : memref<!tpu.dma_semaphore, #tpu.memory_space<semaphore_mem>>)
        %dma_wait3A = arith.constant 0 : i32
        %dma_wait3A_78 = tpu.memref_slice %arg23[%add3A_54, %dma_wait3A] : memref<10000x160xf32, #tpu.memory_space<vmem_shared>> -> memref<80x160xf32, #tpu.memory_space<vmem_shared>>
        %dma_wait3A_79 = arith.constant 0 : i32
        %dma_wait3A_80 = tpu.memref_slice %arg23[%add3A_54, %dma_wait3A_79] : memref<10000x160xf32, #tpu.memory_space<vmem_shared>> -> memref<80x160xf32, #tpu.memory_space<vmem_shared>>
        tpu.wait_dma2 semaphore(%run_scoped3A : memref<!tpu.dma_semaphore, #tpu.memory_space<semaphore_mem>>) src(%arg19 : memref<80x160xf32, #tpu.memory_space<vmem>>) dst(%dma_wait3A_80 : memref<80x160xf32, #tpu.memory_space<vmem_shared>>)
        tpu.yield
      }) : () -> ()
      %mul3A_55 = arith.constant 640 : i32
      %mul3A_56 = arith.muli %arg1, %mul3A_55 : i32
      %add3A_57 = arith.constant 240 : i32
      %add3A_58 = arith.addi %mul3A_56, %add3A_57 : i32
      "tpu.region"() ({
        %run_scoped3A = tpu.sem_alloc : memref<!tpu.dma_semaphore, #tpu.memory_space<semaphore_mem>>
        %dma_start3A = arith.constant 0 : i32
        %dma_start3A_75 = tpu.memref_slice %arg23[%add3A_58, %dma_start3A] : memref<10000x160xf32, #tpu.memory_space<vmem_shared>> -> memref<80x160xf32, #tpu.memory_space<vmem_shared>>
        %dma_start3A_76 = arith.constant 0 : i32
        %dma_start3A_77 = tpu.memref_slice %arg23[%add3A_58, %dma_start3A_76] : memref<10000x160xf32, #tpu.memory_space<vmem_shared>> -> memref<80x160xf32, #tpu.memory_space<vmem_shared>>
        tpu.enqueue_dma source(%arg19 : memref<80x160xf32, #tpu.memory_space<vmem>>) target(%dma_start3A_77 : memref<80x160xf32, #tpu.memory_space<vmem_shared>>) target_semaphore(%run_scoped3A : memref<!tpu.dma_semaphore, #tpu.memory_space<semaphore_mem>>)
        %dma_wait3A = arith.constant 0 : i32
        %dma_wait3A_78 = tpu.memref_slice %arg23[%add3A_58, %dma_wait3A] : memref<10000x160xf32, #tpu.memory_space<vmem_shared>> -> memref<80x160xf32, #tpu.memory_space<vmem_shared>>
        %dma_wait3A_79 = arith.constant 0 : i32
        %dma_wait3A_80 = tpu.memref_slice %arg23[%add3A_58, %dma_wait3A_79] : memref<10000x160xf32, #tpu.memory_space<vmem_shared>> -> memref<80x160xf32, #tpu.memory_space<vmem_shared>>
        tpu.wait_dma2 semaphore(%run_scoped3A : memref<!tpu.dma_semaphore, #tpu.memory_space<semaphore_mem>>) src(%arg19 : memref<80x160xf32, #tpu.memory_space<vmem>>) dst(%dma_wait3A_80 : memref<80x160xf32, #tpu.memory_space<vmem_shared>>)
        tpu.yield
      }) : () -> ()
      %mul3A_59 = arith.constant 640 : i32
      %mul3A_60 = arith.muli %arg1, %mul3A_59 : i32
      %add3A_61 = arith.constant 320 : i32
      %add3A_62 = arith.addi %mul3A_60, %add3A_61 : i32
      "tpu.region"() ({
        %run_scoped3A = tpu.sem_alloc : memref<!tpu.dma_semaphore, #tpu.memory_space<semaphore_mem>>
        %dma_start3A = arith.constant 0 : i32
        %dma_start3A_75 = tpu.memref_slice %arg23[%add3A_62, %dma_start3A] : memref<10000x160xf32, #tpu.memory_space<vmem_shared>> -> memref<80x160xf32, #tpu.memory_space<vmem_shared>>
        %dma_start3A_76 = arith.constant 0 : i32
        %dma_start3A_77 = tpu.memref_slice %arg23[%add3A_62, %dma_start3A_76] : memref<10000x160xf32, #tpu.memory_space<vmem_shared>> -> memref<80x160xf32, #tpu.memory_space<vmem_shared>>
        tpu.enqueue_dma source(%arg19 : memref<80x160xf32, #tpu.memory_space<vmem>>) target(%dma_start3A_77 : memref<80x160xf32, #tpu.memory_space<vmem_shared>>) target_semaphore(%run_scoped3A : memref<!tpu.dma_semaphore, #tpu.memory_space<semaphore_mem>>)
        %dma_wait3A = arith.constant 0 : i32
        %dma_wait3A_78 = tpu.memref_slice %arg23[%add3A_62, %dma_wait3A] : memref<10000x160xf32, #tpu.memory_space<vmem_shared>> -> memref<80x160xf32, #tpu.memory_space<vmem_shared>>
        %dma_wait3A_79 = arith.constant 0 : i32
        %dma_wait3A_80 = tpu.memref_slice %arg23[%add3A_62, %dma_wait3A_79] : memref<10000x160xf32, #tpu.memory_space<vmem_shared>> -> memref<80x160xf32, #tpu.memory_space<vmem_shared>>
        tpu.wait_dma2 semaphore(%run_scoped3A : memref<!tpu.dma_semaphore, #tpu.memory_space<semaphore_mem>>) src(%arg19 : memref<80x160xf32, #tpu.memory_space<vmem>>) dst(%dma_wait3A_80 : memref<80x160xf32, #tpu.memory_space<vmem_shared>>)
        tpu.yield
      }) : () -> ()
      %mul3A_63 = arith.constant 640 : i32
      %mul3A_64 = arith.muli %arg1, %mul3A_63 : i32
      %add3A_65 = arith.constant 400 : i32
      %add3A_66 = arith.addi %mul3A_64, %add3A_65 : i32
      "tpu.region"() ({
        %run_scoped3A = tpu.sem_alloc : memref<!tpu.dma_semaphore, #tpu.memory_space<semaphore_mem>>
        %dma_start3A = arith.constant 0 : i32
        %dma_start3A_75 = tpu.memref_slice %arg23[%add3A_66, %dma_start3A] : memref<10000x160xf32, #tpu.memory_space<vmem_shared>> -> memref<80x160xf32, #tpu.memory_space<vmem_shared>>
        %dma_start3A_76 = arith.constant 0 : i32
        %dma_start3A_77 = tpu.memref_slice %arg23[%add3A_66, %dma_start3A_76] : memref<10000x160xf32, #tpu.memory_space<vmem_shared>> -> memref<80x160xf32, #tpu.memory_space<vmem_shared>>
        tpu.enqueue_dma source(%arg19 : memref<80x160xf32, #tpu.memory_space<vmem>>) target(%dma_start3A_77 : memref<80x160xf32, #tpu.memory_space<vmem_shared>>) target_semaphore(%run_scoped3A : memref<!tpu.dma_semaphore, #tpu.memory_space<semaphore_mem>>)
        %dma_wait3A = arith.constant 0 : i32
        %dma_wait3A_78 = tpu.memref_slice %arg23[%add3A_66, %dma_wait3A] : memref<10000x160xf32, #tpu.memory_space<vmem_shared>> -> memref<80x160xf32, #tpu.memory_space<vmem_shared>>
        %dma_wait3A_79 = arith.constant 0 : i32
        %dma_wait3A_80 = tpu.memref_slice %arg23[%add3A_66, %dma_wait3A_79] : memref<10000x160xf32, #tpu.memory_space<vmem_shared>> -> memref<80x160xf32, #tpu.memory_space<vmem_shared>>
        tpu.wait_dma2 semaphore(%run_scoped3A : memref<!tpu.dma_semaphore, #tpu.memory_space<semaphore_mem>>) src(%arg19 : memref<80x160xf32, #tpu.memory_space<vmem>>) dst(%dma_wait3A_80 : memref<80x160xf32, #tpu.memory_space<vmem_shared>>)
        tpu.yield
      }) : () -> ()
      %mul3A_67 = arith.constant 640 : i32
      %mul3A_68 = arith.muli %arg1, %mul3A_67 : i32
      %add3A_69 = arith.constant 480 : i32
      %add3A_70 = arith.addi %mul3A_68, %add3A_69 : i32
      "tpu.region"() ({
        %run_scoped3A = tpu.sem_alloc : memref<!tpu.dma_semaphore, #tpu.memory_space<semaphore_mem>>
        %dma_start3A = arith.constant 0 : i32
        %dma_start3A_75 = tpu.memref_slice %arg23[%add3A_70, %dma_start3A] : memref<10000x160xf32, #tpu.memory_space<vmem_shared>> -> memref<80x160xf32, #tpu.memory_space<vmem_shared>>
        %dma_start3A_76 = arith.constant 0 : i32
        %dma_start3A_77 = tpu.memref_slice %arg23[%add3A_70, %dma_start3A_76] : memref<10000x160xf32, #tpu.memory_space<vmem_shared>> -> memref<80x160xf32, #tpu.memory_space<vmem_shared>>
        tpu.enqueue_dma source(%arg19 : memref<80x160xf32, #tpu.memory_space<vmem>>) target(%dma_start3A_77 : memref<80x160xf32, #tpu.memory_space<vmem_shared>>) target_semaphore(%run_scoped3A : memref<!tpu.dma_semaphore, #tpu.memory_space<semaphore_mem>>)
        %dma_wait3A = arith.constant 0 : i32
        %dma_wait3A_78 = tpu.memref_slice %arg23[%add3A_70, %dma_wait3A] : memref<10000x160xf32, #tpu.memory_space<vmem_shared>> -> memref<80x160xf32, #tpu.memory_space<vmem_shared>>
        %dma_wait3A_79 = arith.constant 0 : i32
        %dma_wait3A_80 = tpu.memref_slice %arg23[%add3A_70, %dma_wait3A_79] : memref<10000x160xf32, #tpu.memory_space<vmem_shared>> -> memref<80x160xf32, #tpu.memory_space<vmem_shared>>
        tpu.wait_dma2 semaphore(%run_scoped3A : memref<!tpu.dma_semaphore, #tpu.memory_space<semaphore_mem>>) src(%arg19 : memref<80x160xf32, #tpu.memory_space<vmem>>) dst(%dma_wait3A_80 : memref<80x160xf32, #tpu.memory_space<vmem_shared>>)
        tpu.yield
      }) : () -> ()
      %mul3A_71 = arith.constant 640 : i32
      %mul3A_72 = arith.muli %arg1, %mul3A_71 : i32
      %add3A_73 = arith.constant 560 : i32
      %add3A_74 = arith.addi %mul3A_72, %add3A_73 : i32
      "tpu.region"() ({
        %run_scoped3A = tpu.sem_alloc : memref<!tpu.dma_semaphore, #tpu.memory_space<semaphore_mem>>
        %dma_start3A = arith.constant 0 : i32
        %dma_start3A_75 = tpu.memref_slice %arg23[%add3A_74, %dma_start3A] : memref<10000x160xf32, #tpu.memory_space<vmem_shared>> -> memref<80x160xf32, #tpu.memory_space<vmem_shared>>
        %dma_start3A_76 = arith.constant 0 : i32
        %dma_start3A_77 = tpu.memref_slice %arg23[%add3A_74, %dma_start3A_76] : memref<10000x160xf32, #tpu.memory_space<vmem_shared>> -> memref<80x160xf32, #tpu.memory_space<vmem_shared>>
        tpu.enqueue_dma source(%arg19 : memref<80x160xf32, #tpu.memory_space<vmem>>) target(%dma_start3A_77 : memref<80x160xf32, #tpu.memory_space<vmem_shared>>) target_semaphore(%run_scoped3A : memref<!tpu.dma_semaphore, #tpu.memory_space<semaphore_mem>>)
        %dma_wait3A = arith.constant 0 : i32
        %dma_wait3A_78 = tpu.memref_slice %arg23[%add3A_74, %dma_wait3A] : memref<10000x160xf32, #tpu.memory_space<vmem_shared>> -> memref<80x160xf32, #tpu.memory_space<vmem_shared>>
        %dma_wait3A_79 = arith.constant 0 : i32
        %dma_wait3A_80 = tpu.memref_slice %arg23[%add3A_74, %dma_wait3A_79] : memref<10000x160xf32, #tpu.memory_space<vmem_shared>> -> memref<80x160xf32, #tpu.memory_space<vmem_shared>>
        tpu.wait_dma2 semaphore(%run_scoped3A : memref<!tpu.dma_semaphore, #tpu.memory_space<semaphore_mem>>) src(%arg19 : memref<80x160xf32, #tpu.memory_space<vmem>>) dst(%dma_wait3A_80 : memref<80x160xf32, #tpu.memory_space<vmem_shared>>)
        tpu.yield
      }) : () -> ()
    } else {
    }
    %eq3A_13 = arith.constant 15 : i32
    %eq3A_14 = arith.cmpi eq, %arg1, %eq3A_13 : i32
    %convert_element_type3A_15 = arith.extui %eq3A_14 : i1 to i32
    %cond3A_16 = arith.constant 0 : i32
    %cond3A_17 = arith.cmpi ne, %convert_element_type3A_15, %cond3A_16 : i32
    scf.if %cond3A_17 {
      "tpu.region"() ({
        %run_scoped3A = tpu.sem_alloc : memref<!tpu.dma_semaphore, #tpu.memory_space<semaphore_mem>>
        %dma_start3A = arith.constant 9600 : i32
        %dma_start3A_44 = arith.constant 0 : i32
        %dma_start3A_45 = tpu.memref_slice %arg23[%dma_start3A, %dma_start3A_44] : memref<10000x160xf32, #tpu.memory_space<vmem_shared>> -> memref<80x160xf32, #tpu.memory_space<vmem_shared>>
        %dma_start3A_46 = arith.constant 9600 : i32
        %dma_start3A_47 = arith.constant 0 : i32
        %dma_start3A_48 = tpu.memref_slice %arg23[%dma_start3A_46, %dma_start3A_47] : memref<10000x160xf32, #tpu.memory_space<vmem_shared>> -> memref<80x160xf32, #tpu.memory_space<vmem_shared>>
        tpu.enqueue_dma source(%arg19 : memref<80x160xf32, #tpu.memory_space<vmem>>) target(%dma_start3A_48 : memref<80x160xf32, #tpu.memory_space<vmem_shared>>) target_semaphore(%run_scoped3A : memref<!tpu.dma_semaphore, #tpu.memory_space<semaphore_mem>>)
        %dma_wait3A = arith.constant 9600 : i32
        %dma_wait3A_49 = arith.constant 0 : i32
        %dma_wait3A_50 = tpu.memref_slice %arg23[%dma_wait3A, %dma_wait3A_49] : memref<10000x160xf32, #tpu.memory_space<vmem_shared>> -> memref<80x160xf32, #tpu.memory_space<vmem_shared>>
        %dma_wait3A_51 = arith.constant 9600 : i32
        %dma_wait3A_52 = arith.constant 0 : i32
        %dma_wait3A_53 = tpu.memref_slice %arg23[%dma_wait3A_51, %dma_wait3A_52] : memref<10000x160xf32, #tpu.memory_space<vmem_shared>> -> memref<80x160xf32, #tpu.memory_space<vmem_shared>>
        tpu.wait_dma2 semaphore(%run_scoped3A : memref<!tpu.dma_semaphore, #tpu.memory_space<semaphore_mem>>) src(%arg19 : memref<80x160xf32, #tpu.memory_space<vmem>>) dst(%dma_wait3A_53 : memref<80x160xf32, #tpu.memory_space<vmem_shared>>)
        tpu.yield
      }) : () -> ()
      "tpu.region"() ({
        %run_scoped3A = tpu.sem_alloc : memref<!tpu.dma_semaphore, #tpu.memory_space<semaphore_mem>>
        %dma_start3A = arith.constant 9680 : i32
        %dma_start3A_44 = arith.constant 0 : i32
        %dma_start3A_45 = tpu.memref_slice %arg23[%dma_start3A, %dma_start3A_44] : memref<10000x160xf32, #tpu.memory_space<vmem_shared>> -> memref<80x160xf32, #tpu.memory_space<vmem_shared>>
        %dma_start3A_46 = arith.constant 9680 : i32
        %dma_start3A_47 = arith.constant 0 : i32
        %dma_start3A_48 = tpu.memref_slice %arg23[%dma_start3A_46, %dma_start3A_47] : memref<10000x160xf32, #tpu.memory_space<vmem_shared>> -> memref<80x160xf32, #tpu.memory_space<vmem_shared>>
        tpu.enqueue_dma source(%arg19 : memref<80x160xf32, #tpu.memory_space<vmem>>) target(%dma_start3A_48 : memref<80x160xf32, #tpu.memory_space<vmem_shared>>) target_semaphore(%run_scoped3A : memref<!tpu.dma_semaphore, #tpu.memory_space<semaphore_mem>>)
        %dma_wait3A = arith.constant 9680 : i32
        %dma_wait3A_49 = arith.constant 0 : i32
        %dma_wait3A_50 = tpu.memref_slice %arg23[%dma_wait3A, %dma_wait3A_49] : memref<10000x160xf32, #tpu.memory_space<vmem_shared>> -> memref<80x160xf32, #tpu.memory_space<vmem_shared>>
        %dma_wait3A_51 = arith.constant 9680 : i32
        %dma_wait3A_52 = arith.constant 0 : i32
        %dma_wait3A_53 = tpu.memref_slice %arg23[%dma_wait3A_51, %dma_wait3A_52] : memref<10000x160xf32, #tpu.memory_space<vmem_shared>> -> memref<80x160xf32, #tpu.memory_space<vmem_shared>>
        tpu.wait_dma2 semaphore(%run_scoped3A : memref<!tpu.dma_semaphore, #tpu.memory_space<semaphore_mem>>) src(%arg19 : memref<80x160xf32, #tpu.memory_space<vmem>>) dst(%dma_wait3A_53 : memref<80x160xf32, #tpu.memory_space<vmem_shared>>)
        tpu.yield
      }) : () -> ()
      "tpu.region"() ({
        %run_scoped3A = tpu.sem_alloc : memref<!tpu.dma_semaphore, #tpu.memory_space<semaphore_mem>>
        %dma_start3A = arith.constant 9760 : i32
        %dma_start3A_44 = arith.constant 0 : i32
        %dma_start3A_45 = tpu.memref_slice %arg23[%dma_start3A, %dma_start3A_44] : memref<10000x160xf32, #tpu.memory_space<vmem_shared>> -> memref<80x160xf32, #tpu.memory_space<vmem_shared>>
        %dma_start3A_46 = arith.constant 9760 : i32
        %dma_start3A_47 = arith.constant 0 : i32
        %dma_start3A_48 = tpu.memref_slice %arg23[%dma_start3A_46, %dma_start3A_47] : memref<10000x160xf32, #tpu.memory_space<vmem_shared>> -> memref<80x160xf32, #tpu.memory_space<vmem_shared>>
        tpu.enqueue_dma source(%arg19 : memref<80x160xf32, #tpu.memory_space<vmem>>) target(%dma_start3A_48 : memref<80x160xf32, #tpu.memory_space<vmem_shared>>) target_semaphore(%run_scoped3A : memref<!tpu.dma_semaphore, #tpu.memory_space<semaphore_mem>>)
        %dma_wait3A = arith.constant 9760 : i32
        %dma_wait3A_49 = arith.constant 0 : i32
        %dma_wait3A_50 = tpu.memref_slice %arg23[%dma_wait3A, %dma_wait3A_49] : memref<10000x160xf32, #tpu.memory_space<vmem_shared>> -> memref<80x160xf32, #tpu.memory_space<vmem_shared>>
        %dma_wait3A_51 = arith.constant 9760 : i32
        %dma_wait3A_52 = arith.constant 0 : i32
        %dma_wait3A_53 = tpu.memref_slice %arg23[%dma_wait3A_51, %dma_wait3A_52] : memref<10000x160xf32, #tpu.memory_space<vmem_shared>> -> memref<80x160xf32, #tpu.memory_space<vmem_shared>>
        tpu.wait_dma2 semaphore(%run_scoped3A : memref<!tpu.dma_semaphore, #tpu.memory_space<semaphore_mem>>) src(%arg19 : memref<80x160xf32, #tpu.memory_space<vmem>>) dst(%dma_wait3A_53 : memref<80x160xf32, #tpu.memory_space<vmem_shared>>)
        tpu.yield
      }) : () -> ()
      "tpu.region"() ({
        %run_scoped3A = tpu.sem_alloc : memref<!tpu.dma_semaphore, #tpu.memory_space<semaphore_mem>>
        %dma_start3A = arith.constant 9840 : i32
        %dma_start3A_44 = arith.constant 0 : i32
        %dma_start3A_45 = tpu.memref_slice %arg23[%dma_start3A, %dma_start3A_44] : memref<10000x160xf32, #tpu.memory_space<vmem_shared>> -> memref<80x160xf32, #tpu.memory_space<vmem_shared>>
        %dma_start3A_46 = arith.constant 9840 : i32
        %dma_start3A_47 = arith.constant 0 : i32
        %dma_start3A_48 = tpu.memref_slice %arg23[%dma_start3A_46, %dma_start3A_47] : memref<10000x160xf32, #tpu.memory_space<vmem_shared>> -> memref<80x160xf32, #tpu.memory_space<vmem_shared>>
        tpu.enqueue_dma source(%arg19 : memref<80x160xf32, #tpu.memory_space<vmem>>) target(%dma_start3A_48 : memref<80x160xf32, #tpu.memory_space<vmem_shared>>) target_semaphore(%run_scoped3A : memref<!tpu.dma_semaphore, #tpu.memory_space<semaphore_mem>>)
        %dma_wait3A = arith.constant 9840 : i32
        %dma_wait3A_49 = arith.constant 0 : i32
        %dma_wait3A_50 = tpu.memref_slice %arg23[%dma_wait3A, %dma_wait3A_49] : memref<10000x160xf32, #tpu.memory_space<vmem_shared>> -> memref<80x160xf32, #tpu.memory_space<vmem_shared>>
        %dma_wait3A_51 = arith.constant 9840 : i32
        %dma_wait3A_52 = arith.constant 0 : i32
        %dma_wait3A_53 = tpu.memref_slice %arg23[%dma_wait3A_51, %dma_wait3A_52] : memref<10000x160xf32, #tpu.memory_space<vmem_shared>> -> memref<80x160xf32, #tpu.memory_space<vmem_shared>>
        tpu.wait_dma2 semaphore(%run_scoped3A : memref<!tpu.dma_semaphore, #tpu.memory_space<semaphore_mem>>) src(%arg19 : memref<80x160xf32, #tpu.memory_space<vmem>>) dst(%dma_wait3A_53 : memref<80x160xf32, #tpu.memory_space<vmem_shared>>)
        tpu.yield
      }) : () -> ()
      "tpu.region"() ({
        %run_scoped3A = tpu.sem_alloc : memref<!tpu.dma_semaphore, #tpu.memory_space<semaphore_mem>>
        %dma_start3A = arith.constant 9920 : i32
        %dma_start3A_44 = arith.constant 0 : i32
        %dma_start3A_45 = tpu.memref_slice %arg23[%dma_start3A, %dma_start3A_44] : memref<10000x160xf32, #tpu.memory_space<vmem_shared>> -> memref<80x160xf32, #tpu.memory_space<vmem_shared>>
        %dma_start3A_46 = arith.constant 9920 : i32
        %dma_start3A_47 = arith.constant 0 : i32
        %dma_start3A_48 = tpu.memref_slice %arg23[%dma_start3A_46, %dma_start3A_47] : memref<10000x160xf32, #tpu.memory_space<vmem_shared>> -> memref<80x160xf32, #tpu.memory_space<vmem_shared>>
        tpu.enqueue_dma source(%arg19 : memref<80x160xf32, #tpu.memory_space<vmem>>) target(%dma_start3A_48 : memref<80x160xf32, #tpu.memory_space<vmem_shared>>) target_semaphore(%run_scoped3A : memref<!tpu.dma_semaphore, #tpu.memory_space<semaphore_mem>>)
        %dma_wait3A = arith.constant 9920 : i32
        %dma_wait3A_49 = arith.constant 0 : i32
        %dma_wait3A_50 = tpu.memref_slice %arg23[%dma_wait3A, %dma_wait3A_49] : memref<10000x160xf32, #tpu.memory_space<vmem_shared>> -> memref<80x160xf32, #tpu.memory_space<vmem_shared>>
        %dma_wait3A_51 = arith.constant 9920 : i32
        %dma_wait3A_52 = arith.constant 0 : i32
        %dma_wait3A_53 = tpu.memref_slice %arg23[%dma_wait3A_51, %dma_wait3A_52] : memref<10000x160xf32, #tpu.memory_space<vmem_shared>> -> memref<80x160xf32, #tpu.memory_space<vmem_shared>>
        tpu.wait_dma2 semaphore(%run_scoped3A : memref<!tpu.dma_semaphore, #tpu.memory_space<semaphore_mem>>) src(%arg19 : memref<80x160xf32, #tpu.memory_space<vmem>>) dst(%dma_wait3A_53 : memref<80x160xf32, #tpu.memory_space<vmem_shared>>)
        tpu.yield
      }) : () -> ()
    } else {
    }
    %barrier3A = arith.constant 0 : index
    tpu.barrier barrier_id(%barrier3A)
    %scan3A_18 = arith.constant 0 : i32
    %scan3A_19 = arith.constant 0 : i32
    %scan3A_20 = arith.constant 500 : i32
    %scan3A_21 = arith.addi %scan3A_19, %scan3A_20 : i32
    %scan3A_22 = arith.constant 1 : i32
    %scan3A_23 = scf.for %scan3A_44 = %scan3A_19 to %scan3A_21 step %scan3A_22 iter_args(%scan3A_45 = %scan3A_18) -> (i32)  : i32 {
      %mul3A_46 = arith.constant 80 : i32
      %mul3A_47 = arith.muli %scan3A_44, %mul3A_46 : i32
      %add3A = arith.addi %mul3A_0, %mul3A_47 : i32
      "tpu.region"() ({
        %run_scoped3A = tpu.sem_alloc : memref<!tpu.dma_semaphore, #tpu.memory_space<semaphore_mem>>
        %dma_start3A_65 = tpu.memref_slice %arg2[%add3A] : memref<640000xi32, #tpu.memory_space<hbm>> -> memref<80xi32, #tpu.memory_space<hbm>>
        %dma_start3A_66 = tpu.memref_slice %arg2[%add3A] : memref<640000xi32, #tpu.memory_space<hbm>> -> memref<80xi32, #tpu.memory_space<hbm>>
        tpu.enqueue_dma source(%dma_start3A_66 : memref<80xi32, #tpu.memory_space<hbm>>) target(%arg12 : memref<80xi32, #tpu.memory_space<vmem>>) target_semaphore(%run_scoped3A : memref<!tpu.dma_semaphore, #tpu.memory_space<semaphore_mem>>)
        %dma_wait3A_67 = tpu.memref_slice %arg2[%add3A] : memref<640000xi32, #tpu.memory_space<hbm>> -> memref<80xi32, #tpu.memory_space<hbm>>
        %dma_wait3A_68 = tpu.memref_slice %arg2[%add3A] : memref<640000xi32, #tpu.memory_space<hbm>> -> memref<80xi32, #tpu.memory_space<hbm>>
        tpu.wait_dma2 semaphore(%run_scoped3A : memref<!tpu.dma_semaphore, #tpu.memory_space<semaphore_mem>>) src(%dma_wait3A_68 : memref<80xi32, #tpu.memory_space<hbm>>) dst(%arg12 : memref<80xi32, #tpu.memory_space<vmem>>)
        tpu.yield
      }) : () -> ()
      "tpu.region"() ({
        %run_scoped3A = tpu.sem_alloc : memref<!tpu.dma_semaphore, #tpu.memory_space<semaphore_mem>>
        %dma_start3A_65 = tpu.memref_slice %arg3[%add3A] : memref<640000xi32, #tpu.memory_space<hbm>> -> memref<80xi32, #tpu.memory_space<hbm>>
        %dma_start3A_66 = tpu.memref_slice %arg3[%add3A] : memref<640000xi32, #tpu.memory_space<hbm>> -> memref<80xi32, #tpu.memory_space<hbm>>
        tpu.enqueue_dma source(%dma_start3A_66 : memref<80xi32, #tpu.memory_space<hbm>>) target(%arg13 : memref<80xi32, #tpu.memory_space<vmem>>) target_semaphore(%run_scoped3A : memref<!tpu.dma_semaphore, #tpu.memory_space<semaphore_mem>>)
        %dma_wait3A_67 = tpu.memref_slice %arg3[%add3A] : memref<640000xi32, #tpu.memory_space<hbm>> -> memref<80xi32, #tpu.memory_space<hbm>>
        %dma_wait3A_68 = tpu.memref_slice %arg3[%add3A] : memref<640000xi32, #tpu.memory_space<hbm>> -> memref<80xi32, #tpu.memory_space<hbm>>
        tpu.wait_dma2 semaphore(%run_scoped3A : memref<!tpu.dma_semaphore, #tpu.memory_space<semaphore_mem>>) src(%dma_wait3A_68 : memref<80xi32, #tpu.memory_space<hbm>>) dst(%arg13 : memref<80xi32, #tpu.memory_space<vmem>>)
        tpu.yield
      }) : () -> ()
      %dma_start3A = arith.constant 0 : i32
      %dma_start3A_48 = tpu.memref_slice %arg20[%dma_start3A] : memref<10000xf32, #tpu.memory_space<vmem_shared>> -> memref<10000xf32, #tpu.memory_space<vmem_shared>>
      tpu.enqueue_indirect_dma source(%dma_start3A_48 : memref<10000xf32, #tpu.memory_space<vmem_shared>>) target(%arg16 : memref<80xf32, #tpu.memory_space<vmem>>) offsets(%arg12 : memref<80xi32, #tpu.memory_space<vmem>>) semaphore(%arg24 : memref<!tpu.dma_semaphore, #tpu.memory_space<semaphore_mem>>)
      %dma_wait3A = arith.constant 0 : i32
      %dma_wait3A_49 = tpu.memref_slice %arg20[%dma_wait3A] : memref<10000xf32, #tpu.memory_space<vmem_shared>> -> memref<10000xf32, #tpu.memory_space<vmem_shared>>
      tpu.wait_indirect_dma semaphore(%arg24 : memref<!tpu.dma_semaphore, #tpu.memory_space<semaphore_mem>>) src(%dma_wait3A_49 : memref<10000xf32, #tpu.memory_space<vmem_shared>>) dst(%arg16 : memref<80xf32, #tpu.memory_space<vmem>>)
      %dma_start3A_50 = arith.constant 0 : i32
      %dma_start3A_51 = tpu.memref_slice %arg21[%dma_start3A_50] : memref<10000xf32, #tpu.memory_space<vmem_shared>> -> memref<10000xf32, #tpu.memory_space<vmem_shared>>
      tpu.enqueue_indirect_dma source(%dma_start3A_51 : memref<10000xf32, #tpu.memory_space<vmem_shared>>) target(%arg17 : memref<80xf32, #tpu.memory_space<vmem>>) offsets(%arg13 : memref<80xi32, #tpu.memory_space<vmem>>) semaphore(%arg24 : memref<!tpu.dma_semaphore, #tpu.memory_space<semaphore_mem>>)
      %dma_wait3A_52 = arith.constant 0 : i32
      %dma_wait3A_53 = tpu.memref_slice %arg21[%dma_wait3A_52] : memref<10000xf32, #tpu.memory_space<vmem_shared>> -> memref<10000xf32, #tpu.memory_space<vmem_shared>>
      tpu.wait_indirect_dma semaphore(%arg24 : memref<!tpu.dma_semaphore, #tpu.memory_space<semaphore_mem>>) src(%dma_wait3A_53 : memref<10000xf32, #tpu.memory_space<vmem_shared>>) dst(%arg17 : memref<80xf32, #tpu.memory_space<vmem>>)
      %scan3A_54 = arith.constant 0 : i32
      %scan3A_55 = arith.constant 0 : i32
      %scan3A_56 = arith.constant 5 : i32
      %scan3A_57 = arith.addi %scan3A_55, %scan3A_56 : i32
      %scan3A_58 = arith.constant 1 : i32
      %scan3A_59 = scf.for %scan3A_65 = %scan3A_55 to %scan3A_57 step %scan3A_58 iter_args(%scan3A_66 = %scan3A_54) -> (i32)  : i32 {
        %mul3A_67 = arith.constant 16 : i32
        %mul3A_68 = arith.muli %scan3A_65, %mul3A_67 : i32
        %get3A = arith.index_cast %mul3A_68 : i32 to index
        %get3A_69 = tpu.vector_load %arg16[%get3A] {strides = array<i32>} : memref<80xf32, #tpu.memory_space<vmem>>, vector<16xf32>,
        %mul3A_70 = arith.constant 16 : i32
        %mul3A_71 = arith.muli %scan3A_65, %mul3A_70 : i32
        %get3A_72 = arith.index_cast %mul3A_71 : i32 to index
        %get3A_73 = tpu.vector_load %arg17[%get3A_72] {strides = array<i32>} : memref<80xf32, #tpu.memory_space<vmem>>, vector<16xf32>,
        %add3A_74 = arith.addf %get3A_69, %get3A_73 : vector<16xf32>
        %gt3A = arith.constant 0.000000e+00 : f32
        %gt3A_75 = vector.broadcast %gt3A : f32 to vector<16xf32>
        %gt3A_76 = arith.cmpf ogt, %add3A_74, %gt3A_75 : vector<16xf32>
        %mul3A_77 = arith.constant 2.000000e-01 : f32
        %mul3A_78 = vector.broadcast %mul3A_77 : f32 to vector<16xf32>
        %mul3A_79 = arith.mulf %mul3A_78, %add3A_74 : vector<16xf32>
        %select_n3A = arith.select %gt3A_76, %add3A_74, %mul3A_79 : vector<16xi1>, vector<16xf32>
        %exp3A = math.exp %select_n3A : vector<16xf32>
        %mul3A_80 = arith.constant 16 : i32
        %mul3A_81 = arith.muli %scan3A_65, %mul3A_80 : i32
        %swap3A = arith.index_cast %mul3A_81 : i32 to index
        %swap3A_82 = tpu.vector_load %arg15[%swap3A] {strides = array<i32>} : memref<80xf32, #tpu.memory_space<vmem>>, vector<16xf32>,
        tpu.vector_store %arg15[%swap3A], %exp3A {strides = array<i32>} : memref<80xf32, #tpu.memory_space<vmem>>, vector<16xf32>,
        %scan3A_83 = arith.constant 0 : i32
        scf.yield %scan3A_83 : i32
      }
      %scan3A_60 = arith.constant 5 : i32
      "tpu.region"() ({
        %run_scoped3A = tpu.sem_alloc : memref<!tpu.dma_semaphore, #tpu.memory_space<semaphore_mem>>
        %dma_start3A_65 = arith.constant 0 : i32
        %dma_start3A_66 = tpu.memref_slice %arg22[%dma_start3A_65] : memref<10000xf32, #tpu.memory_space<vmem_shared>> -> memref<10000xf32, #tpu.memory_space<vmem_shared>>
        tpu.enqueue_indirect_dma source(%arg15 : memref<80xf32, #tpu.memory_space<vmem>>) target(%dma_start3A_66 : memref<10000xf32, #tpu.memory_space<vmem_shared>>) offsets(%arg13 : memref<80xi32, #tpu.memory_space<vmem>>) semaphore(%run_scoped3A : memref<!tpu.dma_semaphore, #tpu.memory_space<semaphore_mem>>) {add = true}
        %dma_wait3A_67 = arith.constant 0 : i32
        %dma_wait3A_68 = tpu.memref_slice %arg22[%dma_wait3A_67] : memref<10000xf32, #tpu.memory_space<vmem_shared>> -> memref<10000xf32, #tpu.memory_space<vmem_shared>>
        tpu.wait_indirect_dma semaphore(%run_scoped3A : memref<!tpu.dma_semaphore, #tpu.memory_space<semaphore_mem>>) src(%arg15 : memref<80xf32, #tpu.memory_space<vmem>>) dst(%dma_wait3A_68 : memref<10000xf32, #tpu.memory_space<vmem_shared>>)
        tpu.yield
      }) : () -> ()
      %mul3A_61 = arith.constant 640000 : i32
      %mul3A_62 = arith.muli %arg0, %mul3A_61 : i32
      %add3A_63 = arith.addi %mul3A_62, %add3A : i32
      "tpu.region"() ({
        %run_scoped3A = tpu.sem_alloc : memref<!tpu.dma_semaphore, #tpu.memory_space<semaphore_mem>>
        %dma_start3A_65 = tpu.memref_slice %arg11[%add3A_63] : memref<1280000xf32, #tpu.memory_space<hbm>> -> memref<80xf32, #tpu.memory_space<hbm>>
        %dma_start3A_66 = tpu.memref_slice %arg11[%add3A_63] : memref<1280000xf32, #tpu.memory_space<hbm>> -> memref<80xf32, #tpu.memory_space<hbm>>
        tpu.enqueue_dma source(%arg15 : memref<80xf32, #tpu.memory_space<vmem>>) target(%dma_start3A_66 : memref<80xf32, #tpu.memory_space<hbm>>) target_semaphore(%run_scoped3A : memref<!tpu.dma_semaphore, #tpu.memory_space<semaphore_mem>>)
        %dma_wait3A_67 = tpu.memref_slice %arg11[%add3A_63] : memref<1280000xf32, #tpu.memory_space<hbm>> -> memref<80xf32, #tpu.memory_space<hbm>>
        %dma_wait3A_68 = tpu.memref_slice %arg11[%add3A_63] : memref<1280000xf32, #tpu.memory_space<hbm>> -> memref<80xf32, #tpu.memory_space<hbm>>
        tpu.wait_dma2 semaphore(%run_scoped3A : memref<!tpu.dma_semaphore, #tpu.memory_space<semaphore_mem>>) src(%arg15 : memref<80xf32, #tpu.memory_space<vmem>>) dst(%dma_wait3A_68 : memref<80xf32, #tpu.memory_space<hbm>>)
        tpu.yield
      }) : () -> ()
      %scan3A_64 = arith.constant 0 : i32
      scf.yield %scan3A_64 : i32
    }
    %scan3A_24 = arith.constant 500 : i32
    %barrier3A_25 = arith.constant 0 : index
    tpu.barrier barrier_id(%barrier3A_25)
    %scan3A_26 = arith.constant 0 : i32
    %scan3A_27 = arith.constant 0 : i32
    %scan3A_28 = arith.constant 500 : i32
    %scan3A_29 = arith.addi %scan3A_27, %scan3A_28 : i32
    %scan3A_30 = arith.constant 1 : i32
    %scan3A_31 = scf.for %scan3A_44 = %scan3A_27 to %scan3A_29 step %scan3A_30 iter_args(%scan3A_45 = %scan3A_26) -> (i32)  : i32 {
      %mul3A_46 = arith.constant 80 : i32
      %mul3A_47 = arith.muli %scan3A_44, %mul3A_46 : i32
      %add3A = arith.addi %mul3A_0, %mul3A_47 : i32
      "tpu.region"() ({
        %run_scoped3A = tpu.sem_alloc : memref<!tpu.dma_semaphore, #tpu.memory_space<semaphore_mem>>
        %dma_start3A_74 = tpu.memref_slice %arg2[%add3A] : memref<640000xi32, #tpu.memory_space<hbm>> -> memref<80xi32, #tpu.memory_space<hbm>>
        %dma_start3A_75 = tpu.memref_slice %arg2[%add3A] : memref<640000xi32, #tpu.memory_space<hbm>> -> memref<80xi32, #tpu.memory_space<hbm>>
        tpu.enqueue_dma source(%dma_start3A_75 : memref<80xi32, #tpu.memory_space<hbm>>) target(%arg12 : memref<80xi32, #tpu.memory_space<vmem>>) target_semaphore(%run_scoped3A : memref<!tpu.dma_semaphore, #tpu.memory_space<semaphore_mem>>)
        %dma_wait3A_76 = tpu.memref_slice %arg2[%add3A] : memref<640000xi32, #tpu.memory_space<hbm>> -> memref<80xi32, #tpu.memory_space<hbm>>
        %dma_wait3A_77 = tpu.memref_slice %arg2[%add3A] : memref<640000xi32, #tpu.memory_space<hbm>> -> memref<80xi32, #tpu.memory_space<hbm>>
        tpu.wait_dma2 semaphore(%run_scoped3A : memref<!tpu.dma_semaphore, #tpu.memory_space<semaphore_mem>>) src(%dma_wait3A_77 : memref<80xi32, #tpu.memory_space<hbm>>) dst(%arg12 : memref<80xi32, #tpu.memory_space<vmem>>)
        tpu.yield
      }) : () -> ()
      "tpu.region"() ({
        %run_scoped3A = tpu.sem_alloc : memref<!tpu.dma_semaphore, #tpu.memory_space<semaphore_mem>>
        %dma_start3A_74 = tpu.memref_slice %arg3[%add3A] : memref<640000xi32, #tpu.memory_space<hbm>> -> memref<80xi32, #tpu.memory_space<hbm>>
        %dma_start3A_75 = tpu.memref_slice %arg3[%add3A] : memref<640000xi32, #tpu.memory_space<hbm>> -> memref<80xi32, #tpu.memory_space<hbm>>
        tpu.enqueue_dma source(%dma_start3A_75 : memref<80xi32, #tpu.memory_space<hbm>>) target(%arg13 : memref<80xi32, #tpu.memory_space<vmem>>) target_semaphore(%run_scoped3A : memref<!tpu.dma_semaphore, #tpu.memory_space<semaphore_mem>>)
        %dma_wait3A_76 = tpu.memref_slice %arg3[%add3A] : memref<640000xi32, #tpu.memory_space<hbm>> -> memref<80xi32, #tpu.memory_space<hbm>>
        %dma_wait3A_77 = tpu.memref_slice %arg3[%add3A] : memref<640000xi32, #tpu.memory_space<hbm>> -> memref<80xi32, #tpu.memory_space<hbm>>
        tpu.wait_dma2 semaphore(%run_scoped3A : memref<!tpu.dma_semaphore, #tpu.memory_space<semaphore_mem>>) src(%dma_wait3A_77 : memref<80xi32, #tpu.memory_space<hbm>>) dst(%arg13 : memref<80xi32, #tpu.memory_space<vmem>>)
        tpu.yield
      }) : () -> ()
      "tpu.region"() ({
        %run_scoped3A = tpu.sem_alloc : memref<!tpu.dma_semaphore, #tpu.memory_space<semaphore_mem>>
        %dma_start3A_74 = tpu.memref_slice %arg4[%add3A] : memref<640000xf32, #tpu.memory_space<hbm>> -> memref<80xf32, #tpu.memory_space<hbm>>
        %dma_start3A_75 = tpu.memref_slice %arg4[%add3A] : memref<640000xf32, #tpu.memory_space<hbm>> -> memref<80xf32, #tpu.memory_space<hbm>>
        tpu.enqueue_dma source(%dma_start3A_75 : memref<80xf32, #tpu.memory_space<hbm>>) target(%arg14 : memref<80xf32, #tpu.memory_space<vmem>>) target_semaphore(%run_scoped3A : memref<!tpu.dma_semaphore, #tpu.memory_space<semaphore_mem>>)
        %dma_wait3A_76 = tpu.memref_slice %arg4[%add3A] : memref<640000xf32, #tpu.memory_space<hbm>> -> memref<80xf32, #tpu.memory_space<hbm>>
        %dma_wait3A_77 = tpu.memref_slice %arg4[%add3A] : memref<640000xf32, #tpu.memory_space<hbm>> -> memref<80xf32, #tpu.memory_space<hbm>>
        tpu.wait_dma2 semaphore(%run_scoped3A : memref<!tpu.dma_semaphore, #tpu.memory_space<semaphore_mem>>) src(%dma_wait3A_77 : memref<80xf32, #tpu.memory_space<hbm>>) dst(%arg14 : memref<80xf32, #tpu.memory_space<vmem>>)
        tpu.yield
      }) : () -> ()
      %mul3A_48 = arith.constant 640000 : i32
      %mul3A_49 = arith.muli %arg0, %mul3A_48 : i32
      %add3A_50 = arith.addi %mul3A_49, %add3A : i32
      "tpu.region"() ({
        %run_scoped3A = tpu.sem_alloc : memref<!tpu.dma_semaphore, #tpu.memory_space<semaphore_mem>>
        %dma_start3A_74 = tpu.memref_slice %arg11[%add3A_50] : memref<1280000xf32, #tpu.memory_space<hbm>> -> memref<80xf32, #tpu.memory_space<hbm>>
        %dma_start3A_75 = tpu.memref_slice %arg11[%add3A_50] : memref<1280000xf32, #tpu.memory_space<hbm>> -> memref<80xf32, #tpu.memory_space<hbm>>
        tpu.enqueue_dma source(%dma_start3A_75 : memref<80xf32, #tpu.memory_space<hbm>>) target(%arg15 : memref<80xf32, #tpu.memory_space<vmem>>) target_semaphore(%run_scoped3A : memref<!tpu.dma_semaphore, #tpu.memory_space<semaphore_mem>>)
        %dma_wait3A_76 = tpu.memref_slice %arg11[%add3A_50] : memref<1280000xf32, #tpu.memory_space<hbm>> -> memref<80xf32, #tpu.memory_space<hbm>>
        %dma_wait3A_77 = tpu.memref_slice %arg11[%add3A_50] : memref<1280000xf32, #tpu.memory_space<hbm>> -> memref<80xf32, #tpu.memory_space<hbm>>
        tpu.wait_dma2 semaphore(%run_scoped3A : memref<!tpu.dma_semaphore, #tpu.memory_space<semaphore_mem>>) src(%dma_wait3A_77 : memref<80xf32, #tpu.memory_space<hbm>>) dst(%arg15 : memref<80xf32, #tpu.memory_space<vmem>>)
        tpu.yield
      }) : () -> ()
      %dma_start3A = arith.constant 0 : i32
      %dma_start3A_51 = tpu.memref_slice %arg22[%dma_start3A] : memref<10000xf32, #tpu.memory_space<vmem_shared>> -> memref<10000xf32, #tpu.memory_space<vmem_shared>>
      tpu.enqueue_indirect_dma source(%dma_start3A_51 : memref<10000xf32, #tpu.memory_space<vmem_shared>>) target(%arg18 : memref<80xf32, #tpu.memory_space<vmem>>) offsets(%arg13 : memref<80xi32, #tpu.memory_space<vmem>>) semaphore(%arg24 : memref<!tpu.dma_semaphore, #tpu.memory_space<semaphore_mem>>)
      %dma_wait3A = arith.constant 0 : i32
      %dma_wait3A_52 = tpu.memref_slice %arg22[%dma_wait3A] : memref<10000xf32, #tpu.memory_space<vmem_shared>> -> memref<10000xf32, #tpu.memory_space<vmem_shared>>
      tpu.wait_indirect_dma semaphore(%arg24 : memref<!tpu.dma_semaphore, #tpu.memory_space<semaphore_mem>>) src(%dma_wait3A_52 : memref<10000xf32, #tpu.memory_space<vmem_shared>>) dst(%arg18 : memref<80xf32, #tpu.memory_space<vmem>>)
      %scan3A_53 = arith.constant 0 : i32
      %scan3A_54 = arith.constant 0 : i32
      %scan3A_55 = arith.constant 5 : i32
      %scan3A_56 = arith.addi %scan3A_54, %scan3A_55 : i32
      %scan3A_57 = arith.constant 1 : i32
      %scan3A_58 = scf.for %scan3A_74 = %scan3A_54 to %scan3A_56 step %scan3A_57 iter_args(%scan3A_75 = %scan3A_53) -> (i32)  : i32 {
        %mul3A_76 = arith.constant 16 : i32
        %mul3A_77 = arith.muli %scan3A_74, %mul3A_76 : i32
        %get3A = arith.index_cast %mul3A_77 : i32 to index
        %get3A_78 = tpu.vector_load %arg15[%get3A] {strides = array<i32>} : memref<80xf32, #tpu.memory_space<vmem>>, vector<16xf32>,
        %mul3A_79 = arith.constant 16 : i32
        %mul3A_80 = arith.muli %scan3A_74, %mul3A_79 : i32
        %get3A_81 = arith.index_cast %mul3A_80 : i32 to index
        %get3A_82 = tpu.vector_load %arg18[%get3A_81] {strides = array<i32>} : memref<80xf32, #tpu.memory_space<vmem>>, vector<16xf32>,
        %mul3A_83 = arith.constant 16 : i32
        %mul3A_84 = arith.muli %scan3A_74, %mul3A_83 : i32
        %get3A_85 = arith.index_cast %mul3A_84 : i32 to index
        %get3A_86 = tpu.vector_load %arg14[%get3A_85] {strides = array<i32>} : memref<80xf32, #tpu.memory_space<vmem>>, vector<16xf32>,
        %add3A_87 = arith.constant 1.000000e-16 : f32
        %add3A_88 = vector.broadcast %add3A_87 : f32 to vector<16xf32>
        %add3A_89 = arith.addf %get3A_82, %add3A_88 : vector<16xf32>
        %div3A = arith.divf %get3A_78, %add3A_89 : vector<16xf32>
        %mul3A_90 = arith.mulf %div3A, %get3A_86 : vector<16xf32>
        %mul3A_91 = arith.constant 16 : i32
        %mul3A_92 = arith.muli %scan3A_74, %mul3A_91 : i32
        %swap3A = arith.index_cast %mul3A_92 : i32 to index
        %swap3A_93 = tpu.vector_load %arg15[%swap3A] {strides = array<i32>} : memref<80xf32, #tpu.memory_space<vmem>>, vector<16xf32>,
        tpu.vector_store %arg15[%swap3A], %mul3A_90 {strides = array<i32>} : memref<80xf32, #tpu.memory_space<vmem>>, vector<16xf32>,
        %mul3A_94 = arith.constant 16 : i32
        %mul3A_95 = arith.muli %scan3A_74, %mul3A_94 : i32
        %get3A_96 = arith.index_cast %mul3A_95 : i32 to index
        %get3A_97 = tpu.vector_load %arg12[%get3A_96] {strides = array<i32>} : memref<80xi32, #tpu.memory_space<vmem>>, vector<16xi32>,
        %mul3A_98 = arith.constant 10000 : i32
        %mul3A_99 = arith.muli %arg0, %mul3A_98 : i32
        %add3A_100 = vector.broadcast %mul3A_99 : i32 to vector<16xi32>
        %add3A_101 = arith.addi %get3A_97, %add3A_100 : vector<16xi32>
        %mul3A_102 = arith.constant 16 : i32
        %mul3A_103 = arith.muli %scan3A_74, %mul3A_102 : i32
        %swap3A_104 = arith.index_cast %mul3A_103 : i32 to index
        %swap3A_105 = tpu.vector_load %arg12[%swap3A_104] {strides = array<i32>} : memref<80xi32, #tpu.memory_space<vmem>>, vector<16xi32>,
        tpu.vector_store %arg12[%swap3A_104], %add3A_101 {strides = array<i32>} : memref<80xi32, #tpu.memory_space<vmem>>, vector<16xi32>,
        %scan3A_106 = arith.constant 0 : i32
        scf.yield %scan3A_106 : i32
      }
      %scan3A_59 = arith.constant 5 : i32
      %dma_start3A_60 = arith.constant 0 : i32
      %dma_start3A_61 = arith.constant 0 : i32
      %dma_start3A_62 = tpu.memref_slice %arg9[%dma_start3A_60, %dma_start3A_61] : memref<20000x160xf32, #tpu.memory_space<hbm>> -> memref<20000x160xf32, #tpu.memory_space<hbm>>
      tpu.enqueue_indirect_dma source(%dma_start3A_62 : memref<20000x160xf32, #tpu.memory_space<hbm>>) target(%arg19 : memref<80x160xf32, #tpu.memory_space<vmem>>) offsets(%arg12 : memref<80xi32, #tpu.memory_space<vmem>>) semaphore(%arg24 : memref<!tpu.dma_semaphore, #tpu.memory_space<semaphore_mem>>)
      %dma_wait3A_63 = arith.constant 0 : i32
      %dma_wait3A_64 = arith.constant 0 : i32
      %dma_wait3A_65 = tpu.memref_slice %arg9[%dma_wait3A_63, %dma_wait3A_64] : memref<20000x160xf32, #tpu.memory_space<hbm>> -> memref<20000x160xf32, #tpu.memory_space<hbm>>
      tpu.wait_indirect_dma semaphore(%arg24 : memref<!tpu.dma_semaphore, #tpu.memory_space<semaphore_mem>>) src(%dma_wait3A_65 : memref<20000x160xf32, #tpu.memory_space<hbm>>) dst(%arg19 : memref<80x160xf32, #tpu.memory_space<vmem>>)
      %scan3A_66 = arith.constant 0 : i32
      %scan3A_67 = arith.constant 0 : i32
      %scan3A_68 = arith.constant 80 : i32
      %scan3A_69 = arith.addi %scan3A_67, %scan3A_68 : i32
      %scan3A_70 = arith.constant 1 : i32
      %scan3A_71 = scf.for %scan3A_74 = %scan3A_67 to %scan3A_69 step %scan3A_70 iter_args(%scan3A_75 = %scan3A_66) -> (i32)  : i32 {
        %broadcast_in_dim3A = vector.broadcast %scan3A_74 : i32 to vector<16xi32>
        %gather3A = tpu.vector_load_idx %arg15[%broadcast_in_dim3A] : memref<80xf32, #tpu.memory_space<vmem>>[vector<16xi32>], vector<16xf32>,
        %get3A = arith.index_cast %scan3A_74 : i32 to index
        %get3A_76 = arith.constant 0 : index
        %get3A_77 = tpu.vector_load %arg19[%get3A, %get3A_76] {strides = array<i32>} : memref<80x160xf32, #tpu.memory_space<vmem>>, vector<16xf32>,
        %mul3A_78 = arith.mulf %get3A_77, %gather3A : vector<16xf32>
        %swap3A = arith.index_cast %scan3A_74 : i32 to index
        %swap3A_79 = arith.constant 0 : index
        %swap3A_80 = tpu.vector_load %arg19[%swap3A, %swap3A_79] {strides = array<i32>} : memref<80x160xf32, #tpu.memory_space<vmem>>, vector<16xf32>,
        tpu.vector_store %arg19[%swap3A, %swap3A_79], %mul3A_78 {strides = array<i32>} : memref<80x160xf32, #tpu.memory_space<vmem>>, vector<16xf32>,
        %get3A_81 = arith.index_cast %scan3A_74 : i32 to index
        %get3A_82 = arith.constant 16 : index
        %get3A_83 = tpu.vector_load %arg19[%get3A_81, %get3A_82] {strides = array<i32>} : memref<80x160xf32, #tpu.memory_space<vmem>>, vector<16xf32>,
        %mul3A_84 = arith.mulf %get3A_83, %gather3A : vector<16xf32>
        %swap3A_85 = arith.index_cast %scan3A_74 : i32 to index
        %swap3A_86 = arith.constant 16 : index
        %swap3A_87 = tpu.vector_load %arg19[%swap3A_85, %swap3A_86] {strides = array<i32>} : memref<80x160xf32, #tpu.memory_space<vmem>>, vector<16xf32>,
        tpu.vector_store %arg19[%swap3A_85, %swap3A_86], %mul3A_84 {strides = array<i32>} : memref<80x160xf32, #tpu.memory_space<vmem>>, vector<16xf32>,
        %get3A_88 = arith.index_cast %scan3A_74 : i32 to index
        %get3A_89 = arith.constant 32 : index
        %get3A_90 = tpu.vector_load %arg19[%get3A_88, %get3A_89] {strides = array<i32>} : memref<80x160xf32, #tpu.memory_space<vmem>>, vector<16xf32>,
        %mul3A_91 = arith.mulf %get3A_90, %gather3A : vector<16xf32>
        %swap3A_92 = arith.index_cast %scan3A_74 : i32 to index
        %swap3A_93 = arith.constant 32 : index
        %swap3A_94 = tpu.vector_load %arg19[%swap3A_92, %swap3A_93] {strides = array<i32>} : memref<80x160xf32, #tpu.memory_space<vmem>>, vector<16xf32>,
        tpu.vector_store %arg19[%swap3A_92, %swap3A_93], %mul3A_91 {strides = array<i32>} : memref<80x160xf32, #tpu.memory_space<vmem>>, vector<16xf32>,
        %get3A_95 = arith.index_cast %scan3A_74 : i32 to index
        %get3A_96 = arith.constant 48 : index
        %get3A_97 = tpu.vector_load %arg19[%get3A_95, %get3A_96] {strides = array<i32>} : memref<80x160xf32, #tpu.memory_space<vmem>>, vector<16xf32>,
        %mul3A_98 = arith.mulf %get3A_97, %gather3A : vector<16xf32>
        %swap3A_99 = arith.index_cast %scan3A_74 : i32 to index
        %swap3A_100 = arith.constant 48 : index
        %swap3A_101 = tpu.vector_load %arg19[%swap3A_99, %swap3A_100] {strides = array<i32>} : memref<80x160xf32, #tpu.memory_space<vmem>>, vector<16xf32>,
        tpu.vector_store %arg19[%swap3A_99, %swap3A_100], %mul3A_98 {strides = array<i32>} : memref<80x160xf32, #tpu.memory_space<vmem>>, vector<16xf32>,
        %get3A_102 = arith.index_cast %scan3A_74 : i32 to index
        %get3A_103 = arith.constant 64 : index
        %get3A_104 = tpu.vector_load %arg19[%get3A_102, %get3A_103] {strides = array<i32>} : memref<80x160xf32, #tpu.memory_space<vmem>>, vector<16xf32>,
        %mul3A_105 = arith.mulf %get3A_104, %gather3A : vector<16xf32>
        %swap3A_106 = arith.index_cast %scan3A_74 : i32 to index
        %swap3A_107 = arith.constant 64 : index
        %swap3A_108 = tpu.vector_load %arg19[%swap3A_106, %swap3A_107] {strides = array<i32>} : memref<80x160xf32, #tpu.memory_space<vmem>>, vector<16xf32>,
        tpu.vector_store %arg19[%swap3A_106, %swap3A_107], %mul3A_105 {strides = array<i32>} : memref<80x160xf32, #tpu.memory_space<vmem>>, vector<16xf32>,
        %get3A_109 = arith.index_cast %scan3A_74 : i32 to index
        %get3A_110 = arith.constant 80 : index
        %get3A_111 = tpu.vector_load %arg19[%get3A_109, %get3A_110] {strides = array<i32>} : memref<80x160xf32, #tpu.memory_space<vmem>>, vector<16xf32>,
        %mul3A_112 = arith.mulf %get3A_111, %gather3A : vector<16xf32>
        %swap3A_113 = arith.index_cast %scan3A_74 : i32 to index
        %swap3A_114 = arith.constant 80 : index
        %swap3A_115 = tpu.vector_load %arg19[%swap3A_113, %swap3A_114] {strides = array<i32>} : memref<80x160xf32, #tpu.memory_space<vmem>>, vector<16xf32>,
        tpu.vector_store %arg19[%swap3A_113, %swap3A_114], %mul3A_112 {strides = array<i32>} : memref<80x160xf32, #tpu.memory_space<vmem>>, vector<16xf32>,
        %get3A_116 = arith.index_cast %scan3A_74 : i32 to index
        %get3A_117 = arith.constant 96 : index
        %get3A_118 = tpu.vector_load %arg19[%get3A_116, %get3A_117] {strides = array<i32>} : memref<80x160xf32, #tpu.memory_space<vmem>>, vector<16xf32>,
        %mul3A_119 = arith.mulf %get3A_118, %gather3A : vector<16xf32>
        %swap3A_120 = arith.index_cast %scan3A_74 : i32 to index
        %swap3A_121 = arith.constant 96 : index
        %swap3A_122 = tpu.vector_load %arg19[%swap3A_120, %swap3A_121] {strides = array<i32>} : memref<80x160xf32, #tpu.memory_space<vmem>>, vector<16xf32>,
        tpu.vector_store %arg19[%swap3A_120, %swap3A_121], %mul3A_119 {strides = array<i32>} : memref<80x160xf32, #tpu.memory_space<vmem>>, vector<16xf32>,
        %get3A_123 = arith.index_cast %scan3A_74 : i32 to index
        %get3A_124 = arith.constant 112 : index
        %get3A_125 = tpu.vector_load %arg19[%get3A_123, %get3A_124] {strides = array<i32>} : memref<80x160xf32, #tpu.memory_space<vmem>>, vector<16xf32>,
        %mul3A_126 = arith.mulf %get3A_125, %gather3A : vector<16xf32>
        %swap3A_127 = arith.index_cast %scan3A_74 : i32 to index
        %swap3A_128 = arith.constant 112 : index
        %swap3A_129 = tpu.vector_load %arg19[%swap3A_127, %swap3A_128] {strides = array<i32>} : memref<80x160xf32, #tpu.memory_space<vmem>>, vector<16xf32>,
        tpu.vector_store %arg19[%swap3A_127, %swap3A_128], %mul3A_126 {strides = array<i32>} : memref<80x160xf32, #tpu.memory_space<vmem>>, vector<16xf32>,
        %get3A_130 = arith.index_cast %scan3A_74 : i32 to index
        %get3A_131 = arith.constant 128 : index
        %get3A_132 = tpu.vector_load %arg19[%get3A_130, %get3A_131] {strides = array<i32>} : memref<80x160xf32, #tpu.memory_space<vmem>>, vector<16xf32>,
        %mul3A_133 = arith.mulf %get3A_132, %gather3A : vector<16xf32>
        %swap3A_134 = arith.index_cast %scan3A_74 : i32 to index
        %swap3A_135 = arith.constant 128 : index
        %swap3A_136 = tpu.vector_load %arg19[%swap3A_134, %swap3A_135] {strides = array<i32>} : memref<80x160xf32, #tpu.memory_space<vmem>>, vector<16xf32>,
        tpu.vector_store %arg19[%swap3A_134, %swap3A_135], %mul3A_133 {strides = array<i32>} : memref<80x160xf32, #tpu.memory_space<vmem>>, vector<16xf32>,
        %get3A_137 = arith.index_cast %scan3A_74 : i32 to index
        %get3A_138 = arith.constant 144 : index
        %get3A_139 = tpu.vector_load %arg19[%get3A_137, %get3A_138] {strides = array<i32>} : memref<80x160xf32, #tpu.memory_space<vmem>>, vector<16xf32>,
        %mul3A_140 = arith.mulf %get3A_139, %gather3A : vector<16xf32>
        %swap3A_141 = arith.index_cast %scan3A_74 : i32 to index
        %swap3A_142 = arith.constant 144 : index
        %swap3A_143 = tpu.vector_load %arg19[%swap3A_141, %swap3A_142] {strides = array<i32>} : memref<80x160xf32, #tpu.memory_space<vmem>>, vector<16xf32>,
        tpu.vector_store %arg19[%swap3A_141, %swap3A_142], %mul3A_140 {strides = array<i32>} : memref<80x160xf32, #tpu.memory_space<vmem>>, vector<16xf32>,
        %scan3A_144 = arith.constant 0 : i32
        scf.yield %scan3A_144 : i32
      }
      %scan3A_72 = arith.constant 80 : i32
      "tpu.region"() ({
        %run_scoped3A = tpu.sem_alloc : memref<!tpu.dma_semaphore, #tpu.memory_space<semaphore_mem>>
        %dma_start3A_74 = arith.constant 0 : i32
        %dma_start3A_75 = arith.constant 0 : i32
        %dma_start3A_76 = tpu.memref_slice %arg23[%dma_start3A_74, %dma_start3A_75] : memref<10000x160xf32, #tpu.memory_space<vmem_shared>> -> memref<10000x160xf32, #tpu.memory_space<vmem_shared>>
        tpu.enqueue_indirect_dma source(%arg19 : memref<80x160xf32, #tpu.memory_space<vmem>>) target(%dma_start3A_76 : memref<10000x160xf32, #tpu.memory_space<vmem_shared>>) offsets(%arg13 : memref<80xi32, #tpu.memory_space<vmem>>) semaphore(%run_scoped3A : memref<!tpu.dma_semaphore, #tpu.memory_space<semaphore_mem>>) {add = true}
        %dma_wait3A_77 = arith.constant 0 : i32
        %dma_wait3A_78 = arith.constant 0 : i32
        %dma_wait3A_79 = tpu.memref_slice %arg23[%dma_wait3A_77, %dma_wait3A_78] : memref<10000x160xf32, #tpu.memory_space<vmem_shared>> -> memref<10000x160xf32, #tpu.memory_space<vmem_shared>>
        tpu.wait_indirect_dma semaphore(%run_scoped3A : memref<!tpu.dma_semaphore, #tpu.memory_space<semaphore_mem>>) src(%arg19 : memref<80x160xf32, #tpu.memory_space<vmem>>) dst(%dma_wait3A_79 : memref<10000x160xf32, #tpu.memory_space<vmem_shared>>)
        tpu.yield
      }) : () -> ()
      %scan3A_73 = arith.constant 0 : i32
      scf.yield %scan3A_73 : i32
    }
    %scan3A_32 = arith.constant 500 : i32
    %barrier3A_33 = arith.constant 0 : index
    tpu.barrier barrier_id(%barrier3A_33)
    %lt3A_34 = arith.constant 15 : i32
    %lt3A_35 = arith.cmpi slt, %arg1, %lt3A_34 : i32
    %convert_element_type3A_36 = arith.extui %lt3A_35 : i1 to i32
    %cond3A_37 = arith.constant 0 : i32
    %cond3A_38 = arith.cmpi ne, %convert_element_type3A_36, %cond3A_37 : i32
    scf.if %cond3A_38 {
      %mul3A_44 = arith.constant 640 : i32
      %mul3A_45 = arith.muli %arg1, %mul3A_44 : i32
      %mul3A_46 = arith.constant 10000 : i32
      %mul3A_47 = arith.muli %arg0, %mul3A_46 : i32
      %mul3A_48 = arith.constant 640 : i32
      %mul3A_49 = arith.muli %arg1, %mul3A_48 : i32
      %add3A = arith.addi %mul3A_47, %mul3A_49 : i32
      "tpu.region"() ({
        %run_scoped3A = tpu.sem_alloc : memref<!tpu.dma_semaphore, #tpu.memory_space<semaphore_mem>>
        %dma_start3A = arith.constant 0 : i32
        %dma_start3A_50 = tpu.memref_slice %arg10[%add3A, %dma_start3A] : memref<20000x160xf32, #tpu.memory_space<hbm>> -> memref<640x160xf32, #tpu.memory_space<hbm>>
        %dma_start3A_51 = arith.constant 0 : i32
        %dma_start3A_52 = tpu.memref_slice %arg23[%mul3A_45, %dma_start3A_51] : memref<10000x160xf32, #tpu.memory_space<vmem_shared>> -> memref<640x160xf32, #tpu.memory_space<vmem_shared>>
        tpu.enqueue_dma source(%dma_start3A_52 : memref<640x160xf32, #tpu.memory_space<vmem_shared>>) target(%dma_start3A_50 : memref<640x160xf32, #tpu.memory_space<hbm>>) target_semaphore(%run_scoped3A : memref<!tpu.dma_semaphore, #tpu.memory_space<semaphore_mem>>)
        %dma_wait3A = arith.constant 0 : i32
        %dma_wait3A_53 = tpu.memref_slice %arg10[%add3A, %dma_wait3A] : memref<20000x160xf32, #tpu.memory_space<hbm>> -> memref<640x160xf32, #tpu.memory_space<hbm>>
        %dma_wait3A_54 = arith.constant 0 : i32
        %dma_wait3A_55 = tpu.memref_slice %arg23[%mul3A_45, %dma_wait3A_54] : memref<10000x160xf32, #tpu.memory_space<vmem_shared>> -> memref<640x160xf32, #tpu.memory_space<vmem_shared>>
        tpu.wait_dma2 semaphore(%run_scoped3A : memref<!tpu.dma_semaphore, #tpu.memory_space<semaphore_mem>>) src(%dma_wait3A_55 : memref<640x160xf32, #tpu.memory_space<vmem_shared>>) dst(%dma_wait3A_53 : memref<640x160xf32, #tpu.memory_space<hbm>>)
        tpu.yield
      }) : () -> ()
    } else {
    }
    %eq3A_39 = arith.constant 15 : i32
    %eq3A_40 = arith.cmpi eq, %arg1, %eq3A_39 : i32
    %convert_element_type3A_41 = arith.extui %eq3A_40 : i1 to i32
    %cond3A_42 = arith.constant 0 : i32
    %cond3A_43 = arith.cmpi ne, %convert_element_type3A_41, %cond3A_42 : i32
    scf.if %cond3A_43 {
      %mul3A_44 = arith.constant 10000 : i32
      %mul3A_45 = arith.muli %arg0, %mul3A_44 : i32
      %add3A = arith.constant 9600 : i32
      %add3A_46 = arith.addi %mul3A_45, %add3A : i32
      "tpu.region"() ({
        %run_scoped3A = tpu.sem_alloc : memref<!tpu.dma_semaphore, #tpu.memory_space<semaphore_mem>>
        %dma_start3A = arith.constant 0 : i32
        %dma_start3A_47 = tpu.memref_slice %arg10[%add3A_46, %dma_start3A] : memref<20000x160xf32, #tpu.memory_space<hbm>> -> memref<400x160xf32, #tpu.memory_space<hbm>>
        %dma_start3A_48 = arith.constant 9600 : i32
        %dma_start3A_49 = arith.constant 0 : i32
        %dma_start3A_50 = tpu.memref_slice %arg23[%dma_start3A_48, %dma_start3A_49] : memref<10000x160xf32, #tpu.memory_space<vmem_shared>> -> memref<400x160xf32, #tpu.memory_space<vmem_shared>>
        tpu.enqueue_dma source(%dma_start3A_50 : memref<400x160xf32, #tpu.memory_space<vmem_shared>>) target(%dma_start3A_47 : memref<400x160xf32, #tpu.memory_space<hbm>>) target_semaphore(%run_scoped3A : memref<!tpu.dma_semaphore, #tpu.memory_space<semaphore_mem>>)
        %dma_wait3A = arith.constant 0 : i32
        %dma_wait3A_51 = tpu.memref_slice %arg10[%add3A_46, %dma_wait3A] : memref<20000x160xf32, #tpu.memory_space<hbm>> -> memref<400x160xf32, #tpu.memory_space<hbm>>
        %dma_wait3A_52 = arith.constant 9600 : i32
        %dma_wait3A_53 = arith.constant 0 : i32
        %dma_wait3A_54 = tpu.memref_slice %arg23[%dma_wait3A_52, %dma_wait3A_53] : memref<10000x160xf32, #tpu.memory_space<vmem_shared>> -> memref<400x160xf32, #tpu.memory_space<vmem_shared>>
        tpu.wait_dma2 semaphore(%run_scoped3A : memref<!tpu.dma_semaphore, #tpu.memory_space<semaphore_mem>>) src(%dma_wait3A_54 : memref<400x160xf32, #tpu.memory_space<vmem_shared>>) dst(%dma_wait3A_51 : memref<400x160xf32, #tpu.memory_space<hbm>>)
        tpu.yield
      }) : () -> ()
    } else {
    }
    return
  }
}

#map = affine_map<(d0, d1) -> (0)>
#map1 = affine_map<(d0, d1) -> (0, 0)>
module attributes {stable_mosaic.version = 14 : i64} {
  func.func @_edge_body(%arg0: i32, %arg1: i32, %arg2: memref<640000xi32, #tpu.memory_space<hbm>>, %arg3: memref<640000xi32, #tpu.memory_space<hbm>>, %arg4: memref<640000xf32, #tpu.memory_space<hbm>>, %arg5: memref<10000xf32, #tpu.memory_space<hbm>>, %arg6: memref<10000xf32, #tpu.memory_space<hbm>>, %arg7: memref<10000xf32, #tpu.memory_space<hbm>>, %arg8: memref<10000xf32, #tpu.memory_space<hbm>>, %arg9: memref<20000x160xf32, #tpu.memory_space<hbm>>, %arg10: memref<20000x160xf32, #tpu.memory_space<hbm>>, %arg11: memref<1280000xf32, #tpu.memory_space<hbm>>, %arg12: memref<80xi32, #tpu.memory_space<vmem>>, %arg13: memref<80xi32, #tpu.memory_space<vmem>>, %arg14: memref<80xf32, #tpu.memory_space<vmem>>, %arg15: memref<80xf32, #tpu.memory_space<vmem>>, %arg16: memref<80xf32, #tpu.memory_space<vmem>>, %arg17: memref<80xf32, #tpu.memory_space<vmem>>, %arg18: memref<80xf32, #tpu.memory_space<vmem>>, %arg19: memref<80x160xf32, #tpu.memory_space<vmem>>, %arg20: memref<10000xf32, #tpu.memory_space<vmem_shared>>, %arg21: memref<10000xf32, #tpu.memory_space<vmem_shared>>, %arg22: memref<10000xf32, #tpu.memory_space<vmem_shared>>, %arg23: memref<10000x160xf32, #tpu.memory_space<vmem_shared>>, %arg24: memref<!tpu.dma_semaphore, #tpu.memory_space<semaphore_mem>>) attributes {dimension_semantics = [#tpu.dimension_semantics<core_parallel>, #tpu.dimension_semantics<subcore_parallel>], iteration_bounds = array<i64: 2, 16>, scalar_prefetch = 0 : i64, scratch_operands = 13 : i64, tpu.core_type = #tpu.core_type<sc_vector_subcore>, window_params = [{transform_indices = #map}, {transform_indices = #map}, {transform_indices = #map}, {transform_indices = #map}, {transform_indices = #map}, {transform_indices = #map}, {transform_indices = #map}, {transform_indices = #map1}, {transform_indices = #map1}, {transform_indices = #map}]} {
    %mul3A = arith.constant 40000 : i32
    %mul3A_0 = arith.muli %arg1, %mul3A : i32
    %eq3A = arith.constant 0 : i32
    %eq3A_1 = arith.cmpi eq, %arg1, %eq3A : i32
    %convert_element_type3A = arith.extui %eq3A_1 : i1 to i32
    %cond3A = arith.constant 0 : i32
    %cond3A_2 = arith.cmpi ne, %convert_element_type3A, %cond3A : i32
    scf.if %cond3A_2 {
      %eq3A_44 = arith.constant 0 : i32
      %eq3A_45 = arith.cmpi eq, %arg0, %eq3A_44 : i32
      %convert_element_type3A_46 = arith.extui %eq3A_45 : i1 to i32
      %cond3A_47 = arith.constant 0 : i32
      %cond3A_48 = arith.cmpi ne, %convert_element_type3A_46, %cond3A_47 : i32
      scf.if %cond3A_48 {
        "tpu.region"() ({
          %run_scoped3A = tpu.sem_alloc : memref<!tpu.dma_semaphore, #tpu.memory_space<semaphore_mem>>
          tpu.enqueue_dma source(%arg5 : memref<10000xf32, #tpu.memory_space<hbm>>) target(%arg20 : memref<10000xf32, #tpu.memory_space<vmem_shared>>) target_semaphore(%run_scoped3A : memref<!tpu.dma_semaphore, #tpu.memory_space<semaphore_mem>>)
          tpu.wait_dma2 semaphore(%run_scoped3A : memref<!tpu.dma_semaphore, #tpu.memory_space<semaphore_mem>>) src(%arg5 : memref<10000xf32, #tpu.memory_space<hbm>>) dst(%arg20 : memref<10000xf32, #tpu.memory_space<vmem_shared>>)
          tpu.yield
        }) : () -> ()
        "tpu.region"() ({
          %run_scoped3A = tpu.sem_alloc : memref<!tpu.dma_semaphore, #tpu.memory_space<semaphore_mem>>
          tpu.enqueue_dma source(%arg7 : memref<10000xf32, #tpu.memory_space<hbm>>) target(%arg21 : memref<10000xf32, #tpu.memory_space<vmem_shared>>) target_semaphore(%run_scoped3A : memref<!tpu.dma_semaphore, #tpu.memory_space<semaphore_mem>>)
          tpu.wait_dma2 semaphore(%run_scoped3A : memref<!tpu.dma_semaphore, #tpu.memory_space<semaphore_mem>>) src(%arg7 : memref<10000xf32, #tpu.memory_space<hbm>>) dst(%arg21 : memref<10000xf32, #tpu.memory_space<vmem_shared>>)
          tpu.yield
        }) : () -> ()
      } else {
      }
      %eq3A_49 = arith.constant 1 : i32
      %eq3A_50 = arith.cmpi eq, %arg0, %eq3A_49 : i32
      %convert_element_type3A_51 = arith.extui %eq3A_50 : i1 to i32
      %cond3A_52 = arith.constant 0 : i32
      %cond3A_53 = arith.cmpi ne, %convert_element_type3A_51, %cond3A_52 : i32
      scf.if %cond3A_53 {
        "tpu.region"() ({
          %run_scoped3A = tpu.sem_alloc : memref<!tpu.dma_semaphore, #tpu.memory_space<semaphore_mem>>
          tpu.enqueue_dma source(%arg6 : memref<10000xf32, #tpu.memory_space<hbm>>) target(%arg20 : memref<10000xf32, #tpu.memory_space<vmem_shared>>) target_semaphore(%run_scoped3A : memref<!tpu.dma_semaphore, #tpu.memory_space<semaphore_mem>>)
          tpu.wait_dma2 semaphore(%run_scoped3A : memref<!tpu.dma_semaphore, #tpu.memory_space<semaphore_mem>>) src(%arg6 : memref<10000xf32, #tpu.memory_space<hbm>>) dst(%arg20 : memref<10000xf32, #tpu.memory_space<vmem_shared>>)
          tpu.yield
        }) : () -> ()
        "tpu.region"() ({
          %run_scoped3A = tpu.sem_alloc : memref<!tpu.dma_semaphore, #tpu.memory_space<semaphore_mem>>
          tpu.enqueue_dma source(%arg8 : memref<10000xf32, #tpu.memory_space<hbm>>) target(%arg21 : memref<10000xf32, #tpu.memory_space<vmem_shared>>) target_semaphore(%run_scoped3A : memref<!tpu.dma_semaphore, #tpu.memory_space<semaphore_mem>>)
          tpu.wait_dma2 semaphore(%run_scoped3A : memref<!tpu.dma_semaphore, #tpu.memory_space<semaphore_mem>>) src(%arg8 : memref<10000xf32, #tpu.memory_space<hbm>>) dst(%arg21 : memref<10000xf32, #tpu.memory_space<vmem_shared>>)
          tpu.yield
        }) : () -> ()
      } else {
      }
      %scan3A_54 = arith.constant 0 : i32
      %scan3A_55 = arith.constant 0 : i32
      %scan3A_56 = arith.constant 5 : i32
      %scan3A_57 = arith.addi %scan3A_55, %scan3A_56 : i32
      %scan3A_58 = arith.constant 1 : i32
      %scan3A_59 = scf.for %scan3A_68 = %scan3A_55 to %scan3A_57 step %scan3A_58 iter_args(%scan3A_69 = %scan3A_54) -> (i32)  : i32 {
        %broadcast_in_dim3A = arith.constant 0.000000e+00 : f32
        %broadcast_in_dim3A_70 = vector.broadcast %broadcast_in_dim3A : f32 to vector<16xf32>
        %mul3A_71 = arith.constant 16 : i32
        %mul3A_72 = arith.muli %scan3A_68, %mul3A_71 : i32
        %swap3A = arith.index_cast %mul3A_72 : i32 to index
        %swap3A_73 = tpu.vector_load %arg14[%swap3A] {strides = array<i32>} : memref<80xf32, #tpu.memory_space<vmem>>, vector<16xf32>,
        tpu.vector_store %arg14[%swap3A], %broadcast_in_dim3A_70 {strides = array<i32>} : memref<80xf32, #tpu.memory_space<vmem>>, vector<16xf32>,
        %scan3A_74 = arith.constant 0 : i32
        scf.yield %scan3A_74 : i32
      }
      %scan3A_60 = arith.constant 5 : i32
      %scan3A_61 = arith.constant 0 : i32
      %scan3A_62 = arith.constant 0 : i32
      %scan3A_63 = arith.constant 125 : i32
      %scan3A_64 = arith.addi %scan3A_62, %scan3A_63 : i32
      %scan3A_65 = arith.constant 1 : i32
      %scan3A_66 = scf.for %scan3A_68 = %scan3A_62 to %scan3A_64 step %scan3A_65 iter_args(%scan3A_69 = %scan3A_61) -> (i32)  : i32 {
        %mul3A_70 = arith.constant 80 : i32
        %mul3A_71 = arith.muli %scan3A_68, %mul3A_70 : i32
        "tpu.region"() ({
          %run_scoped3A = tpu.sem_alloc : memref<!tpu.dma_semaphore, #tpu.memory_space<semaphore_mem>>
          %dma_start3A = tpu.memref_slice %arg22[%mul3A_71] : memref<10000xf32, #tpu.memory_space<vmem_shared>> -> memref<80xf32, #tpu.memory_space<vmem_shared>>
          %dma_start3A_73 = tpu.memref_slice %arg22[%mul3A_71] : memref<10000xf32, #tpu.memory_space<vmem_shared>> -> memref<80xf32, #tpu.memory_space<vmem_shared>>
          tpu.enqueue_dma source(%arg14 : memref<80xf32, #tpu.memory_space<vmem>>) target(%dma_start3A_73 : memref<80xf32, #tpu.memory_space<vmem_shared>>) target_semaphore(%run_scoped3A : memref<!tpu.dma_semaphore, #tpu.memory_space<semaphore_mem>>)
          %dma_wait3A = tpu.memref_slice %arg22[%mul3A_71] : memref<10000xf32, #tpu.memory_space<vmem_shared>> -> memref<80xf32, #tpu.memory_space<vmem_shared>>
          %dma_wait3A_74 = tpu.memref_slice %arg22[%mul3A_71] : memref<10000xf32, #tpu.memory_space<vmem_shared>> -> memref<80xf32, #tpu.memory_space<vmem_shared>>
          tpu.wait_dma2 semaphore(%run_scoped3A : memref<!tpu.dma_semaphore, #tpu.memory_space<semaphore_mem>>) src(%arg14 : memref<80xf32, #tpu.memory_space<vmem>>) dst(%dma_wait3A_74 : memref<80xf32, #tpu.memory_space<vmem_shared>>)
          tpu.yield
        }) : () -> ()
        %scan3A_72 = arith.constant 0 : i32
        scf.yield %scan3A_72 : i32
      }
      %scan3A_67 = arith.constant 125 : i32
    } else {
    }
    %scan3A = arith.constant 0 : i32
    %scan3A_3 = arith.constant 0 : i32
    %scan3A_4 = arith.constant 80 : i32
    %scan3A_5 = arith.addi %scan3A_3, %scan3A_4 : i32
    %scan3A_6 = arith.constant 1 : i32
    %scan3A_7 = scf.for %scan3A_44 = %scan3A_3 to %scan3A_5 step %scan3A_6 iter_args(%scan3A_45 = %scan3A) -> (i32)  : i32 {
      %broadcast_in_dim3A = arith.constant 0.000000e+00 : f32
      %broadcast_in_dim3A_46 = vector.broadcast %broadcast_in_dim3A : f32 to vector<16xf32>
      %swap3A = arith.index_cast %scan3A_44 : i32 to index
      %swap3A_47 = arith.constant 0 : index
      %swap3A_48 = tpu.vector_load %arg19[%swap3A, %swap3A_47] {strides = array<i32>} : memref<80x160xf32, #tpu.memory_space<vmem>>, vector<16xf32>,
      tpu.vector_store %arg19[%swap3A, %swap3A_47], %broadcast_in_dim3A_46 {strides = array<i32>} : memref<80x160xf32, #tpu.memory_space<vmem>>, vector<16xf32>,
      %broadcast_in_dim3A_49 = arith.constant 0.000000e+00 : f32
      %broadcast_in_dim3A_50 = vector.broadcast %broadcast_in_dim3A_49 : f32 to vector<16xf32>
      %swap3A_51 = arith.index_cast %scan3A_44 : i32 to index
      %swap3A_52 = arith.constant 16 : index
      %swap3A_53 = tpu.vector_load %arg19[%swap3A_51, %swap3A_52] {strides = array<i32>} : memref<80x160xf32, #tpu.memory_space<vmem>>, vector<16xf32>,
      tpu.vector_store %arg19[%swap3A_51, %swap3A_52], %broadcast_in_dim3A_50 {strides = array<i32>} : memref<80x160xf32, #tpu.memory_space<vmem>>, vector<16xf32>,
      %broadcast_in_dim3A_54 = arith.constant 0.000000e+00 : f32
      %broadcast_in_dim3A_55 = vector.broadcast %broadcast_in_dim3A_54 : f32 to vector<16xf32>
      %swap3A_56 = arith.index_cast %scan3A_44 : i32 to index
      %swap3A_57 = arith.constant 32 : index
      %swap3A_58 = tpu.vector_load %arg19[%swap3A_56, %swap3A_57] {strides = array<i32>} : memref<80x160xf32, #tpu.memory_space<vmem>>, vector<16xf32>,
      tpu.vector_store %arg19[%swap3A_56, %swap3A_57], %broadcast_in_dim3A_55 {strides = array<i32>} : memref<80x160xf32, #tpu.memory_space<vmem>>, vector<16xf32>,
      %broadcast_in_dim3A_59 = arith.constant 0.000000e+00 : f32
      %broadcast_in_dim3A_60 = vector.broadcast %broadcast_in_dim3A_59 : f32 to vector<16xf32>
      %swap3A_61 = arith.index_cast %scan3A_44 : i32 to index
      %swap3A_62 = arith.constant 48 : index
      %swap3A_63 = tpu.vector_load %arg19[%swap3A_61, %swap3A_62] {strides = array<i32>} : memref<80x160xf32, #tpu.memory_space<vmem>>, vector<16xf32>,
      tpu.vector_store %arg19[%swap3A_61, %swap3A_62], %broadcast_in_dim3A_60 {strides = array<i32>} : memref<80x160xf32, #tpu.memory_space<vmem>>, vector<16xf32>,
      %broadcast_in_dim3A_64 = arith.constant 0.000000e+00 : f32
      %broadcast_in_dim3A_65 = vector.broadcast %broadcast_in_dim3A_64 : f32 to vector<16xf32>
      %swap3A_66 = arith.index_cast %scan3A_44 : i32 to index
      %swap3A_67 = arith.constant 64 : index
      %swap3A_68 = tpu.vector_load %arg19[%swap3A_66, %swap3A_67] {strides = array<i32>} : memref<80x160xf32, #tpu.memory_space<vmem>>, vector<16xf32>,
      tpu.vector_store %arg19[%swap3A_66, %swap3A_67], %broadcast_in_dim3A_65 {strides = array<i32>} : memref<80x160xf32, #tpu.memory_space<vmem>>, vector<16xf32>,
      %broadcast_in_dim3A_69 = arith.constant 0.000000e+00 : f32
      %broadcast_in_dim3A_70 = vector.broadcast %broadcast_in_dim3A_69 : f32 to vector<16xf32>
      %swap3A_71 = arith.index_cast %scan3A_44 : i32 to index
      %swap3A_72 = arith.constant 80 : index
      %swap3A_73 = tpu.vector_load %arg19[%swap3A_71, %swap3A_72] {strides = array<i32>} : memref<80x160xf32, #tpu.memory_space<vmem>>, vector<16xf32>,
      tpu.vector_store %arg19[%swap3A_71, %swap3A_72], %broadcast_in_dim3A_70 {strides = array<i32>} : memref<80x160xf32, #tpu.memory_space<vmem>>, vector<16xf32>,
      %broadcast_in_dim3A_74 = arith.constant 0.000000e+00 : f32
      %broadcast_in_dim3A_75 = vector.broadcast %broadcast_in_dim3A_74 : f32 to vector<16xf32>
      %swap3A_76 = arith.index_cast %scan3A_44 : i32 to index
      %swap3A_77 = arith.constant 96 : index
      %swap3A_78 = tpu.vector_load %arg19[%swap3A_76, %swap3A_77] {strides = array<i32>} : memref<80x160xf32, #tpu.memory_space<vmem>>, vector<16xf32>,
      tpu.vector_store %arg19[%swap3A_76, %swap3A_77], %broadcast_in_dim3A_75 {strides = array<i32>} : memref<80x160xf32, #tpu.memory_space<vmem>>, vector<16xf32>,
      %broadcast_in_dim3A_79 = arith.constant 0.000000e+00 : f32
      %broadcast_in_dim3A_80 = vector.broadcast %broadcast_in_dim3A_79 : f32 to vector<16xf32>
      %swap3A_81 = arith.index_cast %scan3A_44 : i32 to index
      %swap3A_82 = arith.constant 112 : index
      %swap3A_83 = tpu.vector_load %arg19[%swap3A_81, %swap3A_82] {strides = array<i32>} : memref<80x160xf32, #tpu.memory_space<vmem>>, vector<16xf32>,
      tpu.vector_store %arg19[%swap3A_81, %swap3A_82], %broadcast_in_dim3A_80 {strides = array<i32>} : memref<80x160xf32, #tpu.memory_space<vmem>>, vector<16xf32>,
      %broadcast_in_dim3A_84 = arith.constant 0.000000e+00 : f32
      %broadcast_in_dim3A_85 = vector.broadcast %broadcast_in_dim3A_84 : f32 to vector<16xf32>
      %swap3A_86 = arith.index_cast %scan3A_44 : i32 to index
      %swap3A_87 = arith.constant 128 : index
      %swap3A_88 = tpu.vector_load %arg19[%swap3A_86, %swap3A_87] {strides = array<i32>} : memref<80x160xf32, #tpu.memory_space<vmem>>, vector<16xf32>,
      tpu.vector_store %arg19[%swap3A_86, %swap3A_87], %broadcast_in_dim3A_85 {strides = array<i32>} : memref<80x160xf32, #tpu.memory_space<vmem>>, vector<16xf32>,
      %broadcast_in_dim3A_89 = arith.constant 0.000000e+00 : f32
      %broadcast_in_dim3A_90 = vector.broadcast %broadcast_in_dim3A_89 : f32 to vector<16xf32>
      %swap3A_91 = arith.index_cast %scan3A_44 : i32 to index
      %swap3A_92 = arith.constant 144 : index
      %swap3A_93 = tpu.vector_load %arg19[%swap3A_91, %swap3A_92] {strides = array<i32>} : memref<80x160xf32, #tpu.memory_space<vmem>>, vector<16xf32>,
      tpu.vector_store %arg19[%swap3A_91, %swap3A_92], %broadcast_in_dim3A_90 {strides = array<i32>} : memref<80x160xf32, #tpu.memory_space<vmem>>, vector<16xf32>,
      %scan3A_94 = arith.constant 0 : i32
      scf.yield %scan3A_94 : i32
    }
    %scan3A_8 = arith.constant 80 : i32
    %lt3A = arith.constant 15 : i32
    %lt3A_9 = arith.cmpi slt, %arg1, %lt3A : i32
    %convert_element_type3A_10 = arith.extui %lt3A_9 : i1 to i32
    %cond3A_11 = arith.constant 0 : i32
    %cond3A_12 = arith.cmpi ne, %convert_element_type3A_10, %cond3A_11 : i32
    scf.if %cond3A_12 {
      %mul3A_44 = arith.constant 640 : i32
      %mul3A_45 = arith.muli %arg1, %mul3A_44 : i32
      %add3A = arith.constant 0 : i32
      %add3A_46 = arith.addi %mul3A_45, %add3A : i32
      "tpu.region"() ({
        %run_scoped3A = tpu.sem_alloc : memref<!tpu.dma_semaphore, #tpu.memory_space<semaphore_mem>>
        %dma_start3A = arith.constant 0 : i32
        %dma_start3A_75 = tpu.memref_slice %arg23[%add3A_46, %dma_start3A] : memref<10000x160xf32, #tpu.memory_space<vmem_shared>> -> memref<80x160xf32, #tpu.memory_space<vmem_shared>>
        %dma_start3A_76 = arith.constant 0 : i32
        %dma_start3A_77 = tpu.memref_slice %arg23[%add3A_46, %dma_start3A_76] : memref<10000x160xf32, #tpu.memory_space<vmem_shared>> -> memref<80x160xf32, #tpu.memory_space<vmem_shared>>
        tpu.enqueue_dma source(%arg19 : memref<80x160xf32, #tpu.memory_space<vmem>>) target(%dma_start3A_77 : memref<80x160xf32, #tpu.memory_space<vmem_shared>>) target_semaphore(%run_scoped3A : memref<!tpu.dma_semaphore, #tpu.memory_space<semaphore_mem>>)
        %dma_wait3A = arith.constant 0 : i32
        %dma_wait3A_78 = tpu.memref_slice %arg23[%add3A_46, %dma_wait3A] : memref<10000x160xf32, #tpu.memory_space<vmem_shared>> -> memref<80x160xf32, #tpu.memory_space<vmem_shared>>
        %dma_wait3A_79 = arith.constant 0 : i32
        %dma_wait3A_80 = tpu.memref_slice %arg23[%add3A_46, %dma_wait3A_79] : memref<10000x160xf32, #tpu.memory_space<vmem_shared>> -> memref<80x160xf32, #tpu.memory_space<vmem_shared>>
        tpu.wait_dma2 semaphore(%run_scoped3A : memref<!tpu.dma_semaphore, #tpu.memory_space<semaphore_mem>>) src(%arg19 : memref<80x160xf32, #tpu.memory_space<vmem>>) dst(%dma_wait3A_80 : memref<80x160xf32, #tpu.memory_space<vmem_shared>>)
        tpu.yield
      }) : () -> ()
      %mul3A_47 = arith.constant 640 : i32
      %mul3A_48 = arith.muli %arg1, %mul3A_47 : i32
      %add3A_49 = arith.constant 80 : i32
      %add3A_50 = arith.addi %mul3A_48, %add3A_49 : i32
      "tpu.region"() ({
        %run_scoped3A = tpu.sem_alloc : memref<!tpu.dma_semaphore, #tpu.memory_space<semaphore_mem>>
        %dma_start3A = arith.constant 0 : i32
        %dma_start3A_75 = tpu.memref_slice %arg23[%add3A_50, %dma_start3A] : memref<10000x160xf32, #tpu.memory_space<vmem_shared>> -> memref<80x160xf32, #tpu.memory_space<vmem_shared>>
        %dma_start3A_76 = arith.constant 0 : i32
        %dma_start3A_77 = tpu.memref_slice %arg23[%add3A_50, %dma_start3A_76] : memref<10000x160xf32, #tpu.memory_space<vmem_shared>> -> memref<80x160xf32, #tpu.memory_space<vmem_shared>>
        tpu.enqueue_dma source(%arg19 : memref<80x160xf32, #tpu.memory_space<vmem>>) target(%dma_start3A_77 : memref<80x160xf32, #tpu.memory_space<vmem_shared>>) target_semaphore(%run_scoped3A : memref<!tpu.dma_semaphore, #tpu.memory_space<semaphore_mem>>)
        %dma_wait3A = arith.constant 0 : i32
        %dma_wait3A_78 = tpu.memref_slice %arg23[%add3A_50, %dma_wait3A] : memref<10000x160xf32, #tpu.memory_space<vmem_shared>> -> memref<80x160xf32, #tpu.memory_space<vmem_shared>>
        %dma_wait3A_79 = arith.constant 0 : i32
        %dma_wait3A_80 = tpu.memref_slice %arg23[%add3A_50, %dma_wait3A_79] : memref<10000x160xf32, #tpu.memory_space<vmem_shared>> -> memref<80x160xf32, #tpu.memory_space<vmem_shared>>
        tpu.wait_dma2 semaphore(%run_scoped3A : memref<!tpu.dma_semaphore, #tpu.memory_space<semaphore_mem>>) src(%arg19 : memref<80x160xf32, #tpu.memory_space<vmem>>) dst(%dma_wait3A_80 : memref<80x160xf32, #tpu.memory_space<vmem_shared>>)
        tpu.yield
      }) : () -> ()
      %mul3A_51 = arith.constant 640 : i32
      %mul3A_52 = arith.muli %arg1, %mul3A_51 : i32
      %add3A_53 = arith.constant 160 : i32
      %add3A_54 = arith.addi %mul3A_52, %add3A_53 : i32
      "tpu.region"() ({
        %run_scoped3A = tpu.sem_alloc : memref<!tpu.dma_semaphore, #tpu.memory_space<semaphore_mem>>
        %dma_start3A = arith.constant 0 : i32
        %dma_start3A_75 = tpu.memref_slice %arg23[%add3A_54, %dma_start3A] : memref<10000x160xf32, #tpu.memory_space<vmem_shared>> -> memref<80x160xf32, #tpu.memory_space<vmem_shared>>
        %dma_start3A_76 = arith.constant 0 : i32
        %dma_start3A_77 = tpu.memref_slice %arg23[%add3A_54, %dma_start3A_76] : memref<10000x160xf32, #tpu.memory_space<vmem_shared>> -> memref<80x160xf32, #tpu.memory_space<vmem_shared>>
        tpu.enqueue_dma source(%arg19 : memref<80x160xf32, #tpu.memory_space<vmem>>) target(%dma_start3A_77 : memref<80x160xf32, #tpu.memory_space<vmem_shared>>) target_semaphore(%run_scoped3A : memref<!tpu.dma_semaphore, #tpu.memory_space<semaphore_mem>>)
        %dma_wait3A = arith.constant 0 : i32
        %dma_wait3A_78 = tpu.memref_slice %arg23[%add3A_54, %dma_wait3A] : memref<10000x160xf32, #tpu.memory_space<vmem_shared>> -> memref<80x160xf32, #tpu.memory_space<vmem_shared>>
        %dma_wait3A_79 = arith.constant 0 : i32
        %dma_wait3A_80 = tpu.memref_slice %arg23[%add3A_54, %dma_wait3A_79] : memref<10000x160xf32, #tpu.memory_space<vmem_shared>> -> memref<80x160xf32, #tpu.memory_space<vmem_shared>>
        tpu.wait_dma2 semaphore(%run_scoped3A : memref<!tpu.dma_semaphore, #tpu.memory_space<semaphore_mem>>) src(%arg19 : memref<80x160xf32, #tpu.memory_space<vmem>>) dst(%dma_wait3A_80 : memref<80x160xf32, #tpu.memory_space<vmem_shared>>)
        tpu.yield
      }) : () -> ()
      %mul3A_55 = arith.constant 640 : i32
      %mul3A_56 = arith.muli %arg1, %mul3A_55 : i32
      %add3A_57 = arith.constant 240 : i32
      %add3A_58 = arith.addi %mul3A_56, %add3A_57 : i32
      "tpu.region"() ({
        %run_scoped3A = tpu.sem_alloc : memref<!tpu.dma_semaphore, #tpu.memory_space<semaphore_mem>>
        %dma_start3A = arith.constant 0 : i32
        %dma_start3A_75 = tpu.memref_slice %arg23[%add3A_58, %dma_start3A] : memref<10000x160xf32, #tpu.memory_space<vmem_shared>> -> memref<80x160xf32, #tpu.memory_space<vmem_shared>>
        %dma_start3A_76 = arith.constant 0 : i32
        %dma_start3A_77 = tpu.memref_slice %arg23[%add3A_58, %dma_start3A_76] : memref<10000x160xf32, #tpu.memory_space<vmem_shared>> -> memref<80x160xf32, #tpu.memory_space<vmem_shared>>
        tpu.enqueue_dma source(%arg19 : memref<80x160xf32, #tpu.memory_space<vmem>>) target(%dma_start3A_77 : memref<80x160xf32, #tpu.memory_space<vmem_shared>>) target_semaphore(%run_scoped3A : memref<!tpu.dma_semaphore, #tpu.memory_space<semaphore_mem>>)
        %dma_wait3A = arith.constant 0 : i32
        %dma_wait3A_78 = tpu.memref_slice %arg23[%add3A_58, %dma_wait3A] : memref<10000x160xf32, #tpu.memory_space<vmem_shared>> -> memref<80x160xf32, #tpu.memory_space<vmem_shared>>
        %dma_wait3A_79 = arith.constant 0 : i32
        %dma_wait3A_80 = tpu.memref_slice %arg23[%add3A_58, %dma_wait3A_79] : memref<10000x160xf32, #tpu.memory_space<vmem_shared>> -> memref<80x160xf32, #tpu.memory_space<vmem_shared>>
        tpu.wait_dma2 semaphore(%run_scoped3A : memref<!tpu.dma_semaphore, #tpu.memory_space<semaphore_mem>>) src(%arg19 : memref<80x160xf32, #tpu.memory_space<vmem>>) dst(%dma_wait3A_80 : memref<80x160xf32, #tpu.memory_space<vmem_shared>>)
        tpu.yield
      }) : () -> ()
      %mul3A_59 = arith.constant 640 : i32
      %mul3A_60 = arith.muli %arg1, %mul3A_59 : i32
      %add3A_61 = arith.constant 320 : i32
      %add3A_62 = arith.addi %mul3A_60, %add3A_61 : i32
      "tpu.region"() ({
        %run_scoped3A = tpu.sem_alloc : memref<!tpu.dma_semaphore, #tpu.memory_space<semaphore_mem>>
        %dma_start3A = arith.constant 0 : i32
        %dma_start3A_75 = tpu.memref_slice %arg23[%add3A_62, %dma_start3A] : memref<10000x160xf32, #tpu.memory_space<vmem_shared>> -> memref<80x160xf32, #tpu.memory_space<vmem_shared>>
        %dma_start3A_76 = arith.constant 0 : i32
        %dma_start3A_77 = tpu.memref_slice %arg23[%add3A_62, %dma_start3A_76] : memref<10000x160xf32, #tpu.memory_space<vmem_shared>> -> memref<80x160xf32, #tpu.memory_space<vmem_shared>>
        tpu.enqueue_dma source(%arg19 : memref<80x160xf32, #tpu.memory_space<vmem>>) target(%dma_start3A_77 : memref<80x160xf32, #tpu.memory_space<vmem_shared>>) target_semaphore(%run_scoped3A : memref<!tpu.dma_semaphore, #tpu.memory_space<semaphore_mem>>)
        %dma_wait3A = arith.constant 0 : i32
        %dma_wait3A_78 = tpu.memref_slice %arg23[%add3A_62, %dma_wait3A] : memref<10000x160xf32, #tpu.memory_space<vmem_shared>> -> memref<80x160xf32, #tpu.memory_space<vmem_shared>>
        %dma_wait3A_79 = arith.constant 0 : i32
        %dma_wait3A_80 = tpu.memref_slice %arg23[%add3A_62, %dma_wait3A_79] : memref<10000x160xf32, #tpu.memory_space<vmem_shared>> -> memref<80x160xf32, #tpu.memory_space<vmem_shared>>
        tpu.wait_dma2 semaphore(%run_scoped3A : memref<!tpu.dma_semaphore, #tpu.memory_space<semaphore_mem>>) src(%arg19 : memref<80x160xf32, #tpu.memory_space<vmem>>) dst(%dma_wait3A_80 : memref<80x160xf32, #tpu.memory_space<vmem_shared>>)
        tpu.yield
      }) : () -> ()
      %mul3A_63 = arith.constant 640 : i32
      %mul3A_64 = arith.muli %arg1, %mul3A_63 : i32
      %add3A_65 = arith.constant 400 : i32
      %add3A_66 = arith.addi %mul3A_64, %add3A_65 : i32
      "tpu.region"() ({
        %run_scoped3A = tpu.sem_alloc : memref<!tpu.dma_semaphore, #tpu.memory_space<semaphore_mem>>
        %dma_start3A = arith.constant 0 : i32
        %dma_start3A_75 = tpu.memref_slice %arg23[%add3A_66, %dma_start3A] : memref<10000x160xf32, #tpu.memory_space<vmem_shared>> -> memref<80x160xf32, #tpu.memory_space<vmem_shared>>
        %dma_start3A_76 = arith.constant 0 : i32
        %dma_start3A_77 = tpu.memref_slice %arg23[%add3A_66, %dma_start3A_76] : memref<10000x160xf32, #tpu.memory_space<vmem_shared>> -> memref<80x160xf32, #tpu.memory_space<vmem_shared>>
        tpu.enqueue_dma source(%arg19 : memref<80x160xf32, #tpu.memory_space<vmem>>) target(%dma_start3A_77 : memref<80x160xf32, #tpu.memory_space<vmem_shared>>) target_semaphore(%run_scoped3A : memref<!tpu.dma_semaphore, #tpu.memory_space<semaphore_mem>>)
        %dma_wait3A = arith.constant 0 : i32
        %dma_wait3A_78 = tpu.memref_slice %arg23[%add3A_66, %dma_wait3A] : memref<10000x160xf32, #tpu.memory_space<vmem_shared>> -> memref<80x160xf32, #tpu.memory_space<vmem_shared>>
        %dma_wait3A_79 = arith.constant 0 : i32
        %dma_wait3A_80 = tpu.memref_slice %arg23[%add3A_66, %dma_wait3A_79] : memref<10000x160xf32, #tpu.memory_space<vmem_shared>> -> memref<80x160xf32, #tpu.memory_space<vmem_shared>>
        tpu.wait_dma2 semaphore(%run_scoped3A : memref<!tpu.dma_semaphore, #tpu.memory_space<semaphore_mem>>) src(%arg19 : memref<80x160xf32, #tpu.memory_space<vmem>>) dst(%dma_wait3A_80 : memref<80x160xf32, #tpu.memory_space<vmem_shared>>)
        tpu.yield
      }) : () -> ()
      %mul3A_67 = arith.constant 640 : i32
      %mul3A_68 = arith.muli %arg1, %mul3A_67 : i32
      %add3A_69 = arith.constant 480 : i32
      %add3A_70 = arith.addi %mul3A_68, %add3A_69 : i32
      "tpu.region"() ({
        %run_scoped3A = tpu.sem_alloc : memref<!tpu.dma_semaphore, #tpu.memory_space<semaphore_mem>>
        %dma_start3A = arith.constant 0 : i32
        %dma_start3A_75 = tpu.memref_slice %arg23[%add3A_70, %dma_start3A] : memref<10000x160xf32, #tpu.memory_space<vmem_shared>> -> memref<80x160xf32, #tpu.memory_space<vmem_shared>>
        %dma_start3A_76 = arith.constant 0 : i32
        %dma_start3A_77 = tpu.memref_slice %arg23[%add3A_70, %dma_start3A_76] : memref<10000x160xf32, #tpu.memory_space<vmem_shared>> -> memref<80x160xf32, #tpu.memory_space<vmem_shared>>
        tpu.enqueue_dma source(%arg19 : memref<80x160xf32, #tpu.memory_space<vmem>>) target(%dma_start3A_77 : memref<80x160xf32, #tpu.memory_space<vmem_shared>>) target_semaphore(%run_scoped3A : memref<!tpu.dma_semaphore, #tpu.memory_space<semaphore_mem>>)
        %dma_wait3A = arith.constant 0 : i32
        %dma_wait3A_78 = tpu.memref_slice %arg23[%add3A_70, %dma_wait3A] : memref<10000x160xf32, #tpu.memory_space<vmem_shared>> -> memref<80x160xf32, #tpu.memory_space<vmem_shared>>
        %dma_wait3A_79 = arith.constant 0 : i32
        %dma_wait3A_80 = tpu.memref_slice %arg23[%add3A_70, %dma_wait3A_79] : memref<10000x160xf32, #tpu.memory_space<vmem_shared>> -> memref<80x160xf32, #tpu.memory_space<vmem_shared>>
        tpu.wait_dma2 semaphore(%run_scoped3A : memref<!tpu.dma_semaphore, #tpu.memory_space<semaphore_mem>>) src(%arg19 : memref<80x160xf32, #tpu.memory_space<vmem>>) dst(%dma_wait3A_80 : memref<80x160xf32, #tpu.memory_space<vmem_shared>>)
        tpu.yield
      }) : () -> ()
      %mul3A_71 = arith.constant 640 : i32
      %mul3A_72 = arith.muli %arg1, %mul3A_71 : i32
      %add3A_73 = arith.constant 560 : i32
      %add3A_74 = arith.addi %mul3A_72, %add3A_73 : i32
      "tpu.region"() ({
        %run_scoped3A = tpu.sem_alloc : memref<!tpu.dma_semaphore, #tpu.memory_space<semaphore_mem>>
        %dma_start3A = arith.constant 0 : i32
        %dma_start3A_75 = tpu.memref_slice %arg23[%add3A_74, %dma_start3A] : memref<10000x160xf32, #tpu.memory_space<vmem_shared>> -> memref<80x160xf32, #tpu.memory_space<vmem_shared>>
        %dma_start3A_76 = arith.constant 0 : i32
        %dma_start3A_77 = tpu.memref_slice %arg23[%add3A_74, %dma_start3A_76] : memref<10000x160xf32, #tpu.memory_space<vmem_shared>> -> memref<80x160xf32, #tpu.memory_space<vmem_shared>>
        tpu.enqueue_dma source(%arg19 : memref<80x160xf32, #tpu.memory_space<vmem>>) target(%dma_start3A_77 : memref<80x160xf32, #tpu.memory_space<vmem_shared>>) target_semaphore(%run_scoped3A : memref<!tpu.dma_semaphore, #tpu.memory_space<semaphore_mem>>)
        %dma_wait3A = arith.constant 0 : i32
        %dma_wait3A_78 = tpu.memref_slice %arg23[%add3A_74, %dma_wait3A] : memref<10000x160xf32, #tpu.memory_space<vmem_shared>> -> memref<80x160xf32, #tpu.memory_space<vmem_shared>>
        %dma_wait3A_79 = arith.constant 0 : i32
        %dma_wait3A_80 = tpu.memref_slice %arg23[%add3A_74, %dma_wait3A_79] : memref<10000x160xf32, #tpu.memory_space<vmem_shared>> -> memref<80x160xf32, #tpu.memory_space<vmem_shared>>
        tpu.wait_dma2 semaphore(%run_scoped3A : memref<!tpu.dma_semaphore, #tpu.memory_space<semaphore_mem>>) src(%arg19 : memref<80x160xf32, #tpu.memory_space<vmem>>) dst(%dma_wait3A_80 : memref<80x160xf32, #tpu.memory_space<vmem_shared>>)
        tpu.yield
      }) : () -> ()
    } else {
    }
    %eq3A_13 = arith.constant 15 : i32
    %eq3A_14 = arith.cmpi eq, %arg1, %eq3A_13 : i32
    %convert_element_type3A_15 = arith.extui %eq3A_14 : i1 to i32
    %cond3A_16 = arith.constant 0 : i32
    %cond3A_17 = arith.cmpi ne, %convert_element_type3A_15, %cond3A_16 : i32
    scf.if %cond3A_17 {
      "tpu.region"() ({
        %run_scoped3A = tpu.sem_alloc : memref<!tpu.dma_semaphore, #tpu.memory_space<semaphore_mem>>
        %dma_start3A = arith.constant 9600 : i32
        %dma_start3A_44 = arith.constant 0 : i32
        %dma_start3A_45 = tpu.memref_slice %arg23[%dma_start3A, %dma_start3A_44] : memref<10000x160xf32, #tpu.memory_space<vmem_shared>> -> memref<80x160xf32, #tpu.memory_space<vmem_shared>>
        %dma_start3A_46 = arith.constant 9600 : i32
        %dma_start3A_47 = arith.constant 0 : i32
        %dma_start3A_48 = tpu.memref_slice %arg23[%dma_start3A_46, %dma_start3A_47] : memref<10000x160xf32, #tpu.memory_space<vmem_shared>> -> memref<80x160xf32, #tpu.memory_space<vmem_shared>>
        tpu.enqueue_dma source(%arg19 : memref<80x160xf32, #tpu.memory_space<vmem>>) target(%dma_start3A_48 : memref<80x160xf32, #tpu.memory_space<vmem_shared>>) target_semaphore(%run_scoped3A : memref<!tpu.dma_semaphore, #tpu.memory_space<semaphore_mem>>)
        %dma_wait3A = arith.constant 9600 : i32
        %dma_wait3A_49 = arith.constant 0 : i32
        %dma_wait3A_50 = tpu.memref_slice %arg23[%dma_wait3A, %dma_wait3A_49] : memref<10000x160xf32, #tpu.memory_space<vmem_shared>> -> memref<80x160xf32, #tpu.memory_space<vmem_shared>>
        %dma_wait3A_51 = arith.constant 9600 : i32
        %dma_wait3A_52 = arith.constant 0 : i32
        %dma_wait3A_53 = tpu.memref_slice %arg23[%dma_wait3A_51, %dma_wait3A_52] : memref<10000x160xf32, #tpu.memory_space<vmem_shared>> -> memref<80x160xf32, #tpu.memory_space<vmem_shared>>
        tpu.wait_dma2 semaphore(%run_scoped3A : memref<!tpu.dma_semaphore, #tpu.memory_space<semaphore_mem>>) src(%arg19 : memref<80x160xf32, #tpu.memory_space<vmem>>) dst(%dma_wait3A_53 : memref<80x160xf32, #tpu.memory_space<vmem_shared>>)
        tpu.yield
      }) : () -> ()
      "tpu.region"() ({
        %run_scoped3A = tpu.sem_alloc : memref<!tpu.dma_semaphore, #tpu.memory_space<semaphore_mem>>
        %dma_start3A = arith.constant 9680 : i32
        %dma_start3A_44 = arith.constant 0 : i32
        %dma_start3A_45 = tpu.memref_slice %arg23[%dma_start3A, %dma_start3A_44] : memref<10000x160xf32, #tpu.memory_space<vmem_shared>> -> memref<80x160xf32, #tpu.memory_space<vmem_shared>>
        %dma_start3A_46 = arith.constant 9680 : i32
        %dma_start3A_47 = arith.constant 0 : i32
        %dma_start3A_48 = tpu.memref_slice %arg23[%dma_start3A_46, %dma_start3A_47] : memref<10000x160xf32, #tpu.memory_space<vmem_shared>> -> memref<80x160xf32, #tpu.memory_space<vmem_shared>>
        tpu.enqueue_dma source(%arg19 : memref<80x160xf32, #tpu.memory_space<vmem>>) target(%dma_start3A_48 : memref<80x160xf32, #tpu.memory_space<vmem_shared>>) target_semaphore(%run_scoped3A : memref<!tpu.dma_semaphore, #tpu.memory_space<semaphore_mem>>)
        %dma_wait3A = arith.constant 9680 : i32
        %dma_wait3A_49 = arith.constant 0 : i32
        %dma_wait3A_50 = tpu.memref_slice %arg23[%dma_wait3A, %dma_wait3A_49] : memref<10000x160xf32, #tpu.memory_space<vmem_shared>> -> memref<80x160xf32, #tpu.memory_space<vmem_shared>>
        %dma_wait3A_51 = arith.constant 9680 : i32
        %dma_wait3A_52 = arith.constant 0 : i32
        %dma_wait3A_53 = tpu.memref_slice %arg23[%dma_wait3A_51, %dma_wait3A_52] : memref<10000x160xf32, #tpu.memory_space<vmem_shared>> -> memref<80x160xf32, #tpu.memory_space<vmem_shared>>
        tpu.wait_dma2 semaphore(%run_scoped3A : memref<!tpu.dma_semaphore, #tpu.memory_space<semaphore_mem>>) src(%arg19 : memref<80x160xf32, #tpu.memory_space<vmem>>) dst(%dma_wait3A_53 : memref<80x160xf32, #tpu.memory_space<vmem_shared>>)
        tpu.yield
      }) : () -> ()
      "tpu.region"() ({
        %run_scoped3A = tpu.sem_alloc : memref<!tpu.dma_semaphore, #tpu.memory_space<semaphore_mem>>
        %dma_start3A = arith.constant 9760 : i32
        %dma_start3A_44 = arith.constant 0 : i32
        %dma_start3A_45 = tpu.memref_slice %arg23[%dma_start3A, %dma_start3A_44] : memref<10000x160xf32, #tpu.memory_space<vmem_shared>> -> memref<80x160xf32, #tpu.memory_space<vmem_shared>>
        %dma_start3A_46 = arith.constant 9760 : i32
        %dma_start3A_47 = arith.constant 0 : i32
        %dma_start3A_48 = tpu.memref_slice %arg23[%dma_start3A_46, %dma_start3A_47] : memref<10000x160xf32, #tpu.memory_space<vmem_shared>> -> memref<80x160xf32, #tpu.memory_space<vmem_shared>>
        tpu.enqueue_dma source(%arg19 : memref<80x160xf32, #tpu.memory_space<vmem>>) target(%dma_start3A_48 : memref<80x160xf32, #tpu.memory_space<vmem_shared>>) target_semaphore(%run_scoped3A : memref<!tpu.dma_semaphore, #tpu.memory_space<semaphore_mem>>)
        %dma_wait3A = arith.constant 9760 : i32
        %dma_wait3A_49 = arith.constant 0 : i32
        %dma_wait3A_50 = tpu.memref_slice %arg23[%dma_wait3A, %dma_wait3A_49] : memref<10000x160xf32, #tpu.memory_space<vmem_shared>> -> memref<80x160xf32, #tpu.memory_space<vmem_shared>>
        %dma_wait3A_51 = arith.constant 9760 : i32
        %dma_wait3A_52 = arith.constant 0 : i32
        %dma_wait3A_53 = tpu.memref_slice %arg23[%dma_wait3A_51, %dma_wait3A_52] : memref<10000x160xf32, #tpu.memory_space<vmem_shared>> -> memref<80x160xf32, #tpu.memory_space<vmem_shared>>
        tpu.wait_dma2 semaphore(%run_scoped3A : memref<!tpu.dma_semaphore, #tpu.memory_space<semaphore_mem>>) src(%arg19 : memref<80x160xf32, #tpu.memory_space<vmem>>) dst(%dma_wait3A_53 : memref<80x160xf32, #tpu.memory_space<vmem_shared>>)
        tpu.yield
      }) : () -> ()
      "tpu.region"() ({
        %run_scoped3A = tpu.sem_alloc : memref<!tpu.dma_semaphore, #tpu.memory_space<semaphore_mem>>
        %dma_start3A = arith.constant 9840 : i32
        %dma_start3A_44 = arith.constant 0 : i32
        %dma_start3A_45 = tpu.memref_slice %arg23[%dma_start3A, %dma_start3A_44] : memref<10000x160xf32, #tpu.memory_space<vmem_shared>> -> memref<80x160xf32, #tpu.memory_space<vmem_shared>>
        %dma_start3A_46 = arith.constant 9840 : i32
        %dma_start3A_47 = arith.constant 0 : i32
        %dma_start3A_48 = tpu.memref_slice %arg23[%dma_start3A_46, %dma_start3A_47] : memref<10000x160xf32, #tpu.memory_space<vmem_shared>> -> memref<80x160xf32, #tpu.memory_space<vmem_shared>>
        tpu.enqueue_dma source(%arg19 : memref<80x160xf32, #tpu.memory_space<vmem>>) target(%dma_start3A_48 : memref<80x160xf32, #tpu.memory_space<vmem_shared>>) target_semaphore(%run_scoped3A : memref<!tpu.dma_semaphore, #tpu.memory_space<semaphore_mem>>)
        %dma_wait3A = arith.constant 9840 : i32
        %dma_wait3A_49 = arith.constant 0 : i32
        %dma_wait3A_50 = tpu.memref_slice %arg23[%dma_wait3A, %dma_wait3A_49] : memref<10000x160xf32, #tpu.memory_space<vmem_shared>> -> memref<80x160xf32, #tpu.memory_space<vmem_shared>>
        %dma_wait3A_51 = arith.constant 9840 : i32
        %dma_wait3A_52 = arith.constant 0 : i32
        %dma_wait3A_53 = tpu.memref_slice %arg23[%dma_wait3A_51, %dma_wait3A_52] : memref<10000x160xf32, #tpu.memory_space<vmem_shared>> -> memref<80x160xf32, #tpu.memory_space<vmem_shared>>
        tpu.wait_dma2 semaphore(%run_scoped3A : memref<!tpu.dma_semaphore, #tpu.memory_space<semaphore_mem>>) src(%arg19 : memref<80x160xf32, #tpu.memory_space<vmem>>) dst(%dma_wait3A_53 : memref<80x160xf32, #tpu.memory_space<vmem_shared>>)
        tpu.yield
      }) : () -> ()
      "tpu.region"() ({
        %run_scoped3A = tpu.sem_alloc : memref<!tpu.dma_semaphore, #tpu.memory_space<semaphore_mem>>
        %dma_start3A = arith.constant 9920 : i32
        %dma_start3A_44 = arith.constant 0 : i32
        %dma_start3A_45 = tpu.memref_slice %arg23[%dma_start3A, %dma_start3A_44] : memref<10000x160xf32, #tpu.memory_space<vmem_shared>> -> memref<80x160xf32, #tpu.memory_space<vmem_shared>>
        %dma_start3A_46 = arith.constant 9920 : i32
        %dma_start3A_47 = arith.constant 0 : i32
        %dma_start3A_48 = tpu.memref_slice %arg23[%dma_start3A_46, %dma_start3A_47] : memref<10000x160xf32, #tpu.memory_space<vmem_shared>> -> memref<80x160xf32, #tpu.memory_space<vmem_shared>>
        tpu.enqueue_dma source(%arg19 : memref<80x160xf32, #tpu.memory_space<vmem>>) target(%dma_start3A_48 : memref<80x160xf32, #tpu.memory_space<vmem_shared>>) target_semaphore(%run_scoped3A : memref<!tpu.dma_semaphore, #tpu.memory_space<semaphore_mem>>)
        %dma_wait3A = arith.constant 9920 : i32
        %dma_wait3A_49 = arith.constant 0 : i32
        %dma_wait3A_50 = tpu.memref_slice %arg23[%dma_wait3A, %dma_wait3A_49] : memref<10000x160xf32, #tpu.memory_space<vmem_shared>> -> memref<80x160xf32, #tpu.memory_space<vmem_shared>>
        %dma_wait3A_51 = arith.constant 9920 : i32
        %dma_wait3A_52 = arith.constant 0 : i32
        %dma_wait3A_53 = tpu.memref_slice %arg23[%dma_wait3A_51, %dma_wait3A_52] : memref<10000x160xf32, #tpu.memory_space<vmem_shared>> -> memref<80x160xf32, #tpu.memory_space<vmem_shared>>
        tpu.wait_dma2 semaphore(%run_scoped3A : memref<!tpu.dma_semaphore, #tpu.memory_space<semaphore_mem>>) src(%arg19 : memref<80x160xf32, #tpu.memory_space<vmem>>) dst(%dma_wait3A_53 : memref<80x160xf32, #tpu.memory_space<vmem_shared>>)
        tpu.yield
      }) : () -> ()
    } else {
    }
    %barrier3A = arith.constant 0 : index
    tpu.barrier barrier_id(%barrier3A)
    %scan3A_18 = arith.constant 0 : i32
    %scan3A_19 = arith.constant 0 : i32
    %scan3A_20 = arith.constant 500 : i32
    %scan3A_21 = arith.addi %scan3A_19, %scan3A_20 : i32
    %scan3A_22 = arith.constant 1 : i32
    %scan3A_23 = scf.for %scan3A_44 = %scan3A_19 to %scan3A_21 step %scan3A_22 iter_args(%scan3A_45 = %scan3A_18) -> (i32)  : i32 {
      %mul3A_46 = arith.constant 80 : i32
      %mul3A_47 = arith.muli %scan3A_44, %mul3A_46 : i32
      %add3A = arith.addi %mul3A_0, %mul3A_47 : i32
      "tpu.region"() ({
        %run_scoped3A = tpu.sem_alloc : memref<!tpu.dma_semaphore, #tpu.memory_space<semaphore_mem>>
        %dma_start3A_65 = tpu.memref_slice %arg2[%add3A] : memref<640000xi32, #tpu.memory_space<hbm>> -> memref<80xi32, #tpu.memory_space<hbm>>
        %dma_start3A_66 = tpu.memref_slice %arg2[%add3A] : memref<640000xi32, #tpu.memory_space<hbm>> -> memref<80xi32, #tpu.memory_space<hbm>>
        tpu.enqueue_dma source(%dma_start3A_66 : memref<80xi32, #tpu.memory_space<hbm>>) target(%arg12 : memref<80xi32, #tpu.memory_space<vmem>>) target_semaphore(%run_scoped3A : memref<!tpu.dma_semaphore, #tpu.memory_space<semaphore_mem>>)
        %dma_wait3A_67 = tpu.memref_slice %arg2[%add3A] : memref<640000xi32, #tpu.memory_space<hbm>> -> memref<80xi32, #tpu.memory_space<hbm>>
        %dma_wait3A_68 = tpu.memref_slice %arg2[%add3A] : memref<640000xi32, #tpu.memory_space<hbm>> -> memref<80xi32, #tpu.memory_space<hbm>>
        tpu.wait_dma2 semaphore(%run_scoped3A : memref<!tpu.dma_semaphore, #tpu.memory_space<semaphore_mem>>) src(%dma_wait3A_68 : memref<80xi32, #tpu.memory_space<hbm>>) dst(%arg12 : memref<80xi32, #tpu.memory_space<vmem>>)
        tpu.yield
      }) : () -> ()
      "tpu.region"() ({
        %run_scoped3A = tpu.sem_alloc : memref<!tpu.dma_semaphore, #tpu.memory_space<semaphore_mem>>
        %dma_start3A_65 = tpu.memref_slice %arg3[%add3A] : memref<640000xi32, #tpu.memory_space<hbm>> -> memref<80xi32, #tpu.memory_space<hbm>>
        %dma_start3A_66 = tpu.memref_slice %arg3[%add3A] : memref<640000xi32, #tpu.memory_space<hbm>> -> memref<80xi32, #tpu.memory_space<hbm>>
        tpu.enqueue_dma source(%dma_start3A_66 : memref<80xi32, #tpu.memory_space<hbm>>) target(%arg13 : memref<80xi32, #tpu.memory_space<vmem>>) target_semaphore(%run_scoped3A : memref<!tpu.dma_semaphore, #tpu.memory_space<semaphore_mem>>)
        %dma_wait3A_67 = tpu.memref_slice %arg3[%add3A] : memref<640000xi32, #tpu.memory_space<hbm>> -> memref<80xi32, #tpu.memory_space<hbm>>
        %dma_wait3A_68 = tpu.memref_slice %arg3[%add3A] : memref<640000xi32, #tpu.memory_space<hbm>> -> memref<80xi32, #tpu.memory_space<hbm>>
        tpu.wait_dma2 semaphore(%run_scoped3A : memref<!tpu.dma_semaphore, #tpu.memory_space<semaphore_mem>>) src(%dma_wait3A_68 : memref<80xi32, #tpu.memory_space<hbm>>) dst(%arg13 : memref<80xi32, #tpu.memory_space<vmem>>)
        tpu.yield
      }) : () -> ()
      %dma_start3A = arith.constant 0 : i32
      %dma_start3A_48 = tpu.memref_slice %arg20[%dma_start3A] : memref<10000xf32, #tpu.memory_space<vmem_shared>> -> memref<10000xf32, #tpu.memory_space<vmem_shared>>
      tpu.enqueue_indirect_dma source(%dma_start3A_48 : memref<10000xf32, #tpu.memory_space<vmem_shared>>) target(%arg16 : memref<80xf32, #tpu.memory_space<vmem>>) offsets(%arg12 : memref<80xi32, #tpu.memory_space<vmem>>) semaphore(%arg24 : memref<!tpu.dma_semaphore, #tpu.memory_space<semaphore_mem>>)
      %dma_wait3A = arith.constant 0 : i32
      %dma_wait3A_49 = tpu.memref_slice %arg20[%dma_wait3A] : memref<10000xf32, #tpu.memory_space<vmem_shared>> -> memref<10000xf32, #tpu.memory_space<vmem_shared>>
      tpu.wait_indirect_dma semaphore(%arg24 : memref<!tpu.dma_semaphore, #tpu.memory_space<semaphore_mem>>) src(%dma_wait3A_49 : memref<10000xf32, #tpu.memory_space<vmem_shared>>) dst(%arg16 : memref<80xf32, #tpu.memory_space<vmem>>)
      %dma_start3A_50 = arith.constant 0 : i32
      %dma_start3A_51 = tpu.memref_slice %arg21[%dma_start3A_50] : memref<10000xf32, #tpu.memory_space<vmem_shared>> -> memref<10000xf32, #tpu.memory_space<vmem_shared>>
      tpu.enqueue_indirect_dma source(%dma_start3A_51 : memref<10000xf32, #tpu.memory_space<vmem_shared>>) target(%arg17 : memref<80xf32, #tpu.memory_space<vmem>>) offsets(%arg13 : memref<80xi32, #tpu.memory_space<vmem>>) semaphore(%arg24 : memref<!tpu.dma_semaphore, #tpu.memory_space<semaphore_mem>>)
      %dma_wait3A_52 = arith.constant 0 : i32
      %dma_wait3A_53 = tpu.memref_slice %arg21[%dma_wait3A_52] : memref<10000xf32, #tpu.memory_space<vmem_shared>> -> memref<10000xf32, #tpu.memory_space<vmem_shared>>
      tpu.wait_indirect_dma semaphore(%arg24 : memref<!tpu.dma_semaphore, #tpu.memory_space<semaphore_mem>>) src(%dma_wait3A_53 : memref<10000xf32, #tpu.memory_space<vmem_shared>>) dst(%arg17 : memref<80xf32, #tpu.memory_space<vmem>>)
      %scan3A_54 = arith.constant 0 : i32
      %scan3A_55 = arith.constant 0 : i32
      %scan3A_56 = arith.constant 5 : i32
      %scan3A_57 = arith.addi %scan3A_55, %scan3A_56 : i32
      %scan3A_58 = arith.constant 1 : i32
      %scan3A_59 = scf.for %scan3A_65 = %scan3A_55 to %scan3A_57 step %scan3A_58 iter_args(%scan3A_66 = %scan3A_54) -> (i32)  : i32 {
        %mul3A_67 = arith.constant 16 : i32
        %mul3A_68 = arith.muli %scan3A_65, %mul3A_67 : i32
        %get3A = arith.index_cast %mul3A_68 : i32 to index
        %get3A_69 = tpu.vector_load %arg16[%get3A] {strides = array<i32>} : memref<80xf32, #tpu.memory_space<vmem>>, vector<16xf32>,
        %mul3A_70 = arith.constant 16 : i32
        %mul3A_71 = arith.muli %scan3A_65, %mul3A_70 : i32
        %get3A_72 = arith.index_cast %mul3A_71 : i32 to index
        %get3A_73 = tpu.vector_load %arg17[%get3A_72] {strides = array<i32>} : memref<80xf32, #tpu.memory_space<vmem>>, vector<16xf32>,
        %add3A_74 = arith.addf %get3A_69, %get3A_73 : vector<16xf32>
        %gt3A = arith.constant 0.000000e+00 : f32
        %gt3A_75 = vector.broadcast %gt3A : f32 to vector<16xf32>
        %gt3A_76 = arith.cmpf ogt, %add3A_74, %gt3A_75 : vector<16xf32>
        %mul3A_77 = arith.constant 2.000000e-01 : f32
        %mul3A_78 = vector.broadcast %mul3A_77 : f32 to vector<16xf32>
        %mul3A_79 = arith.mulf %mul3A_78, %add3A_74 : vector<16xf32>
        %select_n3A = arith.select %gt3A_76, %add3A_74, %mul3A_79 : vector<16xi1>, vector<16xf32>
        %exp3A = math.exp %select_n3A : vector<16xf32>
        %mul3A_80 = arith.constant 16 : i32
        %mul3A_81 = arith.muli %scan3A_65, %mul3A_80 : i32
        %swap3A = arith.index_cast %mul3A_81 : i32 to index
        %swap3A_82 = tpu.vector_load %arg15[%swap3A] {strides = array<i32>} : memref<80xf32, #tpu.memory_space<vmem>>, vector<16xf32>,
        tpu.vector_store %arg15[%swap3A], %exp3A {strides = array<i32>} : memref<80xf32, #tpu.memory_space<vmem>>, vector<16xf32>,
        %scan3A_83 = arith.constant 0 : i32
        scf.yield %scan3A_83 : i32
      }
      %scan3A_60 = arith.constant 5 : i32
      "tpu.region"() ({
        %run_scoped3A = tpu.sem_alloc : memref<!tpu.dma_semaphore, #tpu.memory_space<semaphore_mem>>
        %dma_start3A_65 = arith.constant 0 : i32
        %dma_start3A_66 = tpu.memref_slice %arg22[%dma_start3A_65] : memref<10000xf32, #tpu.memory_space<vmem_shared>> -> memref<10000xf32, #tpu.memory_space<vmem_shared>>
        tpu.enqueue_indirect_dma source(%arg15 : memref<80xf32, #tpu.memory_space<vmem>>) target(%dma_start3A_66 : memref<10000xf32, #tpu.memory_space<vmem_shared>>) offsets(%arg13 : memref<80xi32, #tpu.memory_space<vmem>>) semaphore(%run_scoped3A : memref<!tpu.dma_semaphore, #tpu.memory_space<semaphore_mem>>) {add = true}
        %dma_wait3A_67 = arith.constant 0 : i32
        %dma_wait3A_68 = tpu.memref_slice %arg22[%dma_wait3A_67] : memref<10000xf32, #tpu.memory_space<vmem_shared>> -> memref<10000xf32, #tpu.memory_space<vmem_shared>>
        tpu.wait_indirect_dma semaphore(%run_scoped3A : memref<!tpu.dma_semaphore, #tpu.memory_space<semaphore_mem>>) src(%arg15 : memref<80xf32, #tpu.memory_space<vmem>>) dst(%dma_wait3A_68 : memref<10000xf32, #tpu.memory_space<vmem_shared>>)
        tpu.yield
      }) : () -> ()
      %mul3A_61 = arith.constant 640000 : i32
      %mul3A_62 = arith.muli %arg0, %mul3A_61 : i32
      %add3A_63 = arith.addi %mul3A_62, %add3A : i32
      "tpu.region"() ({
        %run_scoped3A = tpu.sem_alloc : memref<!tpu.dma_semaphore, #tpu.memory_space<semaphore_mem>>
        %dma_start3A_65 = tpu.memref_slice %arg11[%add3A_63] : memref<1280000xf32, #tpu.memory_space<hbm>> -> memref<80xf32, #tpu.memory_space<hbm>>
        %dma_start3A_66 = tpu.memref_slice %arg11[%add3A_63] : memref<1280000xf32, #tpu.memory_space<hbm>> -> memref<80xf32, #tpu.memory_space<hbm>>
        tpu.enqueue_dma source(%arg15 : memref<80xf32, #tpu.memory_space<vmem>>) target(%dma_start3A_66 : memref<80xf32, #tpu.memory_space<hbm>>) target_semaphore(%run_scoped3A : memref<!tpu.dma_semaphore, #tpu.memory_space<semaphore_mem>>)
        %dma_wait3A_67 = tpu.memref_slice %arg11[%add3A_63] : memref<1280000xf32, #tpu.memory_space<hbm>> -> memref<80xf32, #tpu.memory_space<hbm>>
        %dma_wait3A_68 = tpu.memref_slice %arg11[%add3A_63] : memref<1280000xf32, #tpu.memory_space<hbm>> -> memref<80xf32, #tpu.memory_space<hbm>>
        tpu.wait_dma2 semaphore(%run_scoped3A : memref<!tpu.dma_semaphore, #tpu.memory_space<semaphore_mem>>) src(%arg15 : memref<80xf32, #tpu.memory_space<vmem>>) dst(%dma_wait3A_68 : memref<80xf32, #tpu.memory_space<hbm>>)
        tpu.yield
      }) : () -> ()
      %scan3A_64 = arith.constant 0 : i32
      scf.yield %scan3A_64 : i32
    }
    %scan3A_24 = arith.constant 500 : i32
    %barrier3A_25 = arith.constant 0 : index
    tpu.barrier barrier_id(%barrier3A_25)
    %scan3A_26 = arith.constant 0 : i32
    %scan3A_27 = arith.constant 0 : i32
    %scan3A_28 = arith.constant 500 : i32
    %scan3A_29 = arith.addi %scan3A_27, %scan3A_28 : i32
    %scan3A_30 = arith.constant 1 : i32
    %scan3A_31 = scf.for %scan3A_44 = %scan3A_27 to %scan3A_29 step %scan3A_30 iter_args(%scan3A_45 = %scan3A_26) -> (i32)  : i32 {
      %mul3A_46 = arith.constant 80 : i32
      %mul3A_47 = arith.muli %scan3A_44, %mul3A_46 : i32
      %add3A = arith.addi %mul3A_0, %mul3A_47 : i32
      "tpu.region"() ({
        %run_scoped3A = tpu.sem_alloc : memref<!tpu.dma_semaphore, #tpu.memory_space<semaphore_mem>>
        %dma_start3A_74 = tpu.memref_slice %arg2[%add3A] : memref<640000xi32, #tpu.memory_space<hbm>> -> memref<80xi32, #tpu.memory_space<hbm>>
        %dma_start3A_75 = tpu.memref_slice %arg2[%add3A] : memref<640000xi32, #tpu.memory_space<hbm>> -> memref<80xi32, #tpu.memory_space<hbm>>
        tpu.enqueue_dma source(%dma_start3A_75 : memref<80xi32, #tpu.memory_space<hbm>>) target(%arg12 : memref<80xi32, #tpu.memory_space<vmem>>) target_semaphore(%run_scoped3A : memref<!tpu.dma_semaphore, #tpu.memory_space<semaphore_mem>>)
        %dma_wait3A_76 = tpu.memref_slice %arg2[%add3A] : memref<640000xi32, #tpu.memory_space<hbm>> -> memref<80xi32, #tpu.memory_space<hbm>>
        %dma_wait3A_77 = tpu.memref_slice %arg2[%add3A] : memref<640000xi32, #tpu.memory_space<hbm>> -> memref<80xi32, #tpu.memory_space<hbm>>
        tpu.wait_dma2 semaphore(%run_scoped3A : memref<!tpu.dma_semaphore, #tpu.memory_space<semaphore_mem>>) src(%dma_wait3A_77 : memref<80xi32, #tpu.memory_space<hbm>>) dst(%arg12 : memref<80xi32, #tpu.memory_space<vmem>>)
        tpu.yield
      }) : () -> ()
      "tpu.region"() ({
        %run_scoped3A = tpu.sem_alloc : memref<!tpu.dma_semaphore, #tpu.memory_space<semaphore_mem>>
        %dma_start3A_74 = tpu.memref_slice %arg3[%add3A] : memref<640000xi32, #tpu.memory_space<hbm>> -> memref<80xi32, #tpu.memory_space<hbm>>
        %dma_start3A_75 = tpu.memref_slice %arg3[%add3A] : memref<640000xi32, #tpu.memory_space<hbm>> -> memref<80xi32, #tpu.memory_space<hbm>>
        tpu.enqueue_dma source(%dma_start3A_75 : memref<80xi32, #tpu.memory_space<hbm>>) target(%arg13 : memref<80xi32, #tpu.memory_space<vmem>>) target_semaphore(%run_scoped3A : memref<!tpu.dma_semaphore, #tpu.memory_space<semaphore_mem>>)
        %dma_wait3A_76 = tpu.memref_slice %arg3[%add3A] : memref<640000xi32, #tpu.memory_space<hbm>> -> memref<80xi32, #tpu.memory_space<hbm>>
        %dma_wait3A_77 = tpu.memref_slice %arg3[%add3A] : memref<640000xi32, #tpu.memory_space<hbm>> -> memref<80xi32, #tpu.memory_space<hbm>>
        tpu.wait_dma2 semaphore(%run_scoped3A : memref<!tpu.dma_semaphore, #tpu.memory_space<semaphore_mem>>) src(%dma_wait3A_77 : memref<80xi32, #tpu.memory_space<hbm>>) dst(%arg13 : memref<80xi32, #tpu.memory_space<vmem>>)
        tpu.yield
      }) : () -> ()
      "tpu.region"() ({
        %run_scoped3A = tpu.sem_alloc : memref<!tpu.dma_semaphore, #tpu.memory_space<semaphore_mem>>
        %dma_start3A_74 = tpu.memref_slice %arg4[%add3A] : memref<640000xf32, #tpu.memory_space<hbm>> -> memref<80xf32, #tpu.memory_space<hbm>>
        %dma_start3A_75 = tpu.memref_slice %arg4[%add3A] : memref<640000xf32, #tpu.memory_space<hbm>> -> memref<80xf32, #tpu.memory_space<hbm>>
        tpu.enqueue_dma source(%dma_start3A_75 : memref<80xf32, #tpu.memory_space<hbm>>) target(%arg14 : memref<80xf32, #tpu.memory_space<vmem>>) target_semaphore(%run_scoped3A : memref<!tpu.dma_semaphore, #tpu.memory_space<semaphore_mem>>)
        %dma_wait3A_76 = tpu.memref_slice %arg4[%add3A] : memref<640000xf32, #tpu.memory_space<hbm>> -> memref<80xf32, #tpu.memory_space<hbm>>
        %dma_wait3A_77 = tpu.memref_slice %arg4[%add3A] : memref<640000xf32, #tpu.memory_space<hbm>> -> memref<80xf32, #tpu.memory_space<hbm>>
        tpu.wait_dma2 semaphore(%run_scoped3A : memref<!tpu.dma_semaphore, #tpu.memory_space<semaphore_mem>>) src(%dma_wait3A_77 : memref<80xf32, #tpu.memory_space<hbm>>) dst(%arg14 : memref<80xf32, #tpu.memory_space<vmem>>)
        tpu.yield
      }) : () -> ()
      %mul3A_48 = arith.constant 640000 : i32
      %mul3A_49 = arith.muli %arg0, %mul3A_48 : i32
      %add3A_50 = arith.addi %mul3A_49, %add3A : i32
      "tpu.region"() ({
        %run_scoped3A = tpu.sem_alloc : memref<!tpu.dma_semaphore, #tpu.memory_space<semaphore_mem>>
        %dma_start3A_74 = tpu.memref_slice %arg11[%add3A_50] : memref<1280000xf32, #tpu.memory_space<hbm>> -> memref<80xf32, #tpu.memory_space<hbm>>
        %dma_start3A_75 = tpu.memref_slice %arg11[%add3A_50] : memref<1280000xf32, #tpu.memory_space<hbm>> -> memref<80xf32, #tpu.memory_space<hbm>>
        tpu.enqueue_dma source(%dma_start3A_75 : memref<80xf32, #tpu.memory_space<hbm>>) target(%arg15 : memref<80xf32, #tpu.memory_space<vmem>>) target_semaphore(%run_scoped3A : memref<!tpu.dma_semaphore, #tpu.memory_space<semaphore_mem>>)
        %dma_wait3A_76 = tpu.memref_slice %arg11[%add3A_50] : memref<1280000xf32, #tpu.memory_space<hbm>> -> memref<80xf32, #tpu.memory_space<hbm>>
        %dma_wait3A_77 = tpu.memref_slice %arg11[%add3A_50] : memref<1280000xf32, #tpu.memory_space<hbm>> -> memref<80xf32, #tpu.memory_space<hbm>>
        tpu.wait_dma2 semaphore(%run_scoped3A : memref<!tpu.dma_semaphore, #tpu.memory_space<semaphore_mem>>) src(%dma_wait3A_77 : memref<80xf32, #tpu.memory_space<hbm>>) dst(%arg15 : memref<80xf32, #tpu.memory_space<vmem>>)
        tpu.yield
      }) : () -> ()
      %dma_start3A = arith.constant 0 : i32
      %dma_start3A_51 = tpu.memref_slice %arg22[%dma_start3A] : memref<10000xf32, #tpu.memory_space<vmem_shared>> -> memref<10000xf32, #tpu.memory_space<vmem_shared>>
      tpu.enqueue_indirect_dma source(%dma_start3A_51 : memref<10000xf32, #tpu.memory_space<vmem_shared>>) target(%arg18 : memref<80xf32, #tpu.memory_space<vmem>>) offsets(%arg13 : memref<80xi32, #tpu.memory_space<vmem>>) semaphore(%arg24 : memref<!tpu.dma_semaphore, #tpu.memory_space<semaphore_mem>>)
      %dma_wait3A = arith.constant 0 : i32
      %dma_wait3A_52 = tpu.memref_slice %arg22[%dma_wait3A] : memref<10000xf32, #tpu.memory_space<vmem_shared>> -> memref<10000xf32, #tpu.memory_space<vmem_shared>>
      tpu.wait_indirect_dma semaphore(%arg24 : memref<!tpu.dma_semaphore, #tpu.memory_space<semaphore_mem>>) src(%dma_wait3A_52 : memref<10000xf32, #tpu.memory_space<vmem_shared>>) dst(%arg18 : memref<80xf32, #tpu.memory_space<vmem>>)
      %scan3A_53 = arith.constant 0 : i32
      %scan3A_54 = arith.constant 0 : i32
      %scan3A_55 = arith.constant 5 : i32
      %scan3A_56 = arith.addi %scan3A_54, %scan3A_55 : i32
      %scan3A_57 = arith.constant 1 : i32
      %scan3A_58 = scf.for %scan3A_74 = %scan3A_54 to %scan3A_56 step %scan3A_57 iter_args(%scan3A_75 = %scan3A_53) -> (i32)  : i32 {
        %mul3A_76 = arith.constant 16 : i32
        %mul3A_77 = arith.muli %scan3A_74, %mul3A_76 : i32
        %get3A = arith.index_cast %mul3A_77 : i32 to index
        %get3A_78 = tpu.vector_load %arg15[%get3A] {strides = array<i32>} : memref<80xf32, #tpu.memory_space<vmem>>, vector<16xf32>,
        %mul3A_79 = arith.constant 16 : i32
        %mul3A_80 = arith.muli %scan3A_74, %mul3A_79 : i32
        %get3A_81 = arith.index_cast %mul3A_80 : i32 to index
        %get3A_82 = tpu.vector_load %arg18[%get3A_81] {strides = array<i32>} : memref<80xf32, #tpu.memory_space<vmem>>, vector<16xf32>,
        %mul3A_83 = arith.constant 16 : i32
        %mul3A_84 = arith.muli %scan3A_74, %mul3A_83 : i32
        %get3A_85 = arith.index_cast %mul3A_84 : i32 to index
        %get3A_86 = tpu.vector_load %arg14[%get3A_85] {strides = array<i32>} : memref<80xf32, #tpu.memory_space<vmem>>, vector<16xf32>,
        %add3A_87 = arith.constant 1.000000e-16 : f32
        %add3A_88 = vector.broadcast %add3A_87 : f32 to vector<16xf32>
        %add3A_89 = arith.addf %get3A_82, %add3A_88 : vector<16xf32>
        %div3A = arith.divf %get3A_78, %add3A_89 : vector<16xf32>
        %mul3A_90 = arith.mulf %div3A, %get3A_86 : vector<16xf32>
        %mul3A_91 = arith.constant 16 : i32
        %mul3A_92 = arith.muli %scan3A_74, %mul3A_91 : i32
        %swap3A = arith.index_cast %mul3A_92 : i32 to index
        %swap3A_93 = tpu.vector_load %arg15[%swap3A] {strides = array<i32>} : memref<80xf32, #tpu.memory_space<vmem>>, vector<16xf32>,
        tpu.vector_store %arg15[%swap3A], %mul3A_90 {strides = array<i32>} : memref<80xf32, #tpu.memory_space<vmem>>, vector<16xf32>,
        %mul3A_94 = arith.constant 16 : i32
        %mul3A_95 = arith.muli %scan3A_74, %mul3A_94 : i32
        %get3A_96 = arith.index_cast %mul3A_95 : i32 to index
        %get3A_97 = tpu.vector_load %arg12[%get3A_96] {strides = array<i32>} : memref<80xi32, #tpu.memory_space<vmem>>, vector<16xi32>,
        %mul3A_98 = arith.constant 10000 : i32
        %mul3A_99 = arith.muli %arg0, %mul3A_98 : i32
        %add3A_100 = vector.broadcast %mul3A_99 : i32 to vector<16xi32>
        %add3A_101 = arith.addi %get3A_97, %add3A_100 : vector<16xi32>
        %mul3A_102 = arith.constant 16 : i32
        %mul3A_103 = arith.muli %scan3A_74, %mul3A_102 : i32
        %swap3A_104 = arith.index_cast %mul3A_103 : i32 to index
        %swap3A_105 = tpu.vector_load %arg12[%swap3A_104] {strides = array<i32>} : memref<80xi32, #tpu.memory_space<vmem>>, vector<16xi32>,
        tpu.vector_store %arg12[%swap3A_104], %add3A_101 {strides = array<i32>} : memref<80xi32, #tpu.memory_space<vmem>>, vector<16xi32>,
        %scan3A_106 = arith.constant 0 : i32
        scf.yield %scan3A_106 : i32
      }
      %scan3A_59 = arith.constant 5 : i32
      %dma_start3A_60 = arith.constant 0 : i32
      %dma_start3A_61 = arith.constant 0 : i32
      %dma_start3A_62 = tpu.memref_slice %arg9[%dma_start3A_60, %dma_start3A_61] : memref<20000x160xf32, #tpu.memory_space<hbm>> -> memref<20000x160xf32, #tpu.memory_space<hbm>>
      tpu.enqueue_indirect_dma source(%dma_start3A_62 : memref<20000x160xf32, #tpu.memory_space<hbm>>) target(%arg19 : memref<80x160xf32, #tpu.memory_space<vmem>>) offsets(%arg12 : memref<80xi32, #tpu.memory_space<vmem>>) semaphore(%arg24 : memref<!tpu.dma_semaphore, #tpu.memory_space<semaphore_mem>>)
      %dma_wait3A_63 = arith.constant 0 : i32
      %dma_wait3A_64 = arith.constant 0 : i32
      %dma_wait3A_65 = tpu.memref_slice %arg9[%dma_wait3A_63, %dma_wait3A_64] : memref<20000x160xf32, #tpu.memory_space<hbm>> -> memref<20000x160xf32, #tpu.memory_space<hbm>>
      tpu.wait_indirect_dma semaphore(%arg24 : memref<!tpu.dma_semaphore, #tpu.memory_space<semaphore_mem>>) src(%dma_wait3A_65 : memref<20000x160xf32, #tpu.memory_space<hbm>>) dst(%arg19 : memref<80x160xf32, #tpu.memory_space<vmem>>)
      %scan3A_66 = arith.constant 0 : i32
      %scan3A_67 = arith.constant 0 : i32
      %scan3A_68 = arith.constant 80 : i32
      %scan3A_69 = arith.addi %scan3A_67, %scan3A_68 : i32
      %scan3A_70 = arith.constant 1 : i32
      %scan3A_71 = scf.for %scan3A_74 = %scan3A_67 to %scan3A_69 step %scan3A_70 iter_args(%scan3A_75 = %scan3A_66) -> (i32)  : i32 {
        %broadcast_in_dim3A = vector.broadcast %scan3A_74 : i32 to vector<16xi32>
        %gather3A = tpu.vector_load_idx %arg15[%broadcast_in_dim3A] : memref<80xf32, #tpu.memory_space<vmem>>[vector<16xi32>], vector<16xf32>,
        %get3A = arith.index_cast %scan3A_74 : i32 to index
        %get3A_76 = arith.constant 0 : index
        %get3A_77 = tpu.vector_load %arg19[%get3A, %get3A_76] {strides = array<i32>} : memref<80x160xf32, #tpu.memory_space<vmem>>, vector<16xf32>,
        %mul3A_78 = arith.mulf %get3A_77, %gather3A : vector<16xf32>
        %swap3A = arith.index_cast %scan3A_74 : i32 to index
        %swap3A_79 = arith.constant 0 : index
        %swap3A_80 = tpu.vector_load %arg19[%swap3A, %swap3A_79] {strides = array<i32>} : memref<80x160xf32, #tpu.memory_space<vmem>>, vector<16xf32>,
        tpu.vector_store %arg19[%swap3A, %swap3A_79], %mul3A_78 {strides = array<i32>} : memref<80x160xf32, #tpu.memory_space<vmem>>, vector<16xf32>,
        %get3A_81 = arith.index_cast %scan3A_74 : i32 to index
        %get3A_82 = arith.constant 16 : index
        %get3A_83 = tpu.vector_load %arg19[%get3A_81, %get3A_82] {strides = array<i32>} : memref<80x160xf32, #tpu.memory_space<vmem>>, vector<16xf32>,
        %mul3A_84 = arith.mulf %get3A_83, %gather3A : vector<16xf32>
        %swap3A_85 = arith.index_cast %scan3A_74 : i32 to index
        %swap3A_86 = arith.constant 16 : index
        %swap3A_87 = tpu.vector_load %arg19[%swap3A_85, %swap3A_86] {strides = array<i32>} : memref<80x160xf32, #tpu.memory_space<vmem>>, vector<16xf32>,
        tpu.vector_store %arg19[%swap3A_85, %swap3A_86], %mul3A_84 {strides = array<i32>} : memref<80x160xf32, #tpu.memory_space<vmem>>, vector<16xf32>,
        %get3A_88 = arith.index_cast %scan3A_74 : i32 to index
        %get3A_89 = arith.constant 32 : index
        %get3A_90 = tpu.vector_load %arg19[%get3A_88, %get3A_89] {strides = array<i32>} : memref<80x160xf32, #tpu.memory_space<vmem>>, vector<16xf32>,
        %mul3A_91 = arith.mulf %get3A_90, %gather3A : vector<16xf32>
        %swap3A_92 = arith.index_cast %scan3A_74 : i32 to index
        %swap3A_93 = arith.constant 32 : index
        %swap3A_94 = tpu.vector_load %arg19[%swap3A_92, %swap3A_93] {strides = array<i32>} : memref<80x160xf32, #tpu.memory_space<vmem>>, vector<16xf32>,
        tpu.vector_store %arg19[%swap3A_92, %swap3A_93], %mul3A_91 {strides = array<i32>} : memref<80x160xf32, #tpu.memory_space<vmem>>, vector<16xf32>,
        %get3A_95 = arith.index_cast %scan3A_74 : i32 to index
        %get3A_96 = arith.constant 48 : index
        %get3A_97 = tpu.vector_load %arg19[%get3A_95, %get3A_96] {strides = array<i32>} : memref<80x160xf32, #tpu.memory_space<vmem>>, vector<16xf32>,
        %mul3A_98 = arith.mulf %get3A_97, %gather3A : vector<16xf32>
        %swap3A_99 = arith.index_cast %scan3A_74 : i32 to index
        %swap3A_100 = arith.constant 48 : index
        %swap3A_101 = tpu.vector_load %arg19[%swap3A_99, %swap3A_100] {strides = array<i32>} : memref<80x160xf32, #tpu.memory_space<vmem>>, vector<16xf32>,
        tpu.vector_store %arg19[%swap3A_99, %swap3A_100], %mul3A_98 {strides = array<i32>} : memref<80x160xf32, #tpu.memory_space<vmem>>, vector<16xf32>,
        %get3A_102 = arith.index_cast %scan3A_74 : i32 to index
        %get3A_103 = arith.constant 64 : index
        %get3A_104 = tpu.vector_load %arg19[%get3A_102, %get3A_103] {strides = array<i32>} : memref<80x160xf32, #tpu.memory_space<vmem>>, vector<16xf32>,
        %mul3A_105 = arith.mulf %get3A_104, %gather3A : vector<16xf32>
        %swap3A_106 = arith.index_cast %scan3A_74 : i32 to index
        %swap3A_107 = arith.constant 64 : index
        %swap3A_108 = tpu.vector_load %arg19[%swap3A_106, %swap3A_107] {strides = array<i32>} : memref<80x160xf32, #tpu.memory_space<vmem>>, vector<16xf32>,
        tpu.vector_store %arg19[%swap3A_106, %swap3A_107], %mul3A_105 {strides = array<i32>} : memref<80x160xf32, #tpu.memory_space<vmem>>, vector<16xf32>,
        %get3A_109 = arith.index_cast %scan3A_74 : i32 to index
        %get3A_110 = arith.constant 80 : index
        %get3A_111 = tpu.vector_load %arg19[%get3A_109, %get3A_110] {strides = array<i32>} : memref<80x160xf32, #tpu.memory_space<vmem>>, vector<16xf32>,
        %mul3A_112 = arith.mulf %get3A_111, %gather3A : vector<16xf32>
        %swap3A_113 = arith.index_cast %scan3A_74 : i32 to index
        %swap3A_114 = arith.constant 80 : index
        %swap3A_115 = tpu.vector_load %arg19[%swap3A_113, %swap3A_114] {strides = array<i32>} : memref<80x160xf32, #tpu.memory_space<vmem>>, vector<16xf32>,
        tpu.vector_store %arg19[%swap3A_113, %swap3A_114], %mul3A_112 {strides = array<i32>} : memref<80x160xf32, #tpu.memory_space<vmem>>, vector<16xf32>,
        %get3A_116 = arith.index_cast %scan3A_74 : i32 to index
        %get3A_117 = arith.constant 96 : index
        %get3A_118 = tpu.vector_load %arg19[%get3A_116, %get3A_117] {strides = array<i32>} : memref<80x160xf32, #tpu.memory_space<vmem>>, vector<16xf32>,
        %mul3A_119 = arith.mulf %get3A_118, %gather3A : vector<16xf32>
        %swap3A_120 = arith.index_cast %scan3A_74 : i32 to index
        %swap3A_121 = arith.constant 96 : index
        %swap3A_122 = tpu.vector_load %arg19[%swap3A_120, %swap3A_121] {strides = array<i32>} : memref<80x160xf32, #tpu.memory_space<vmem>>, vector<16xf32>,
        tpu.vector_store %arg19[%swap3A_120, %swap3A_121], %mul3A_119 {strides = array<i32>} : memref<80x160xf32, #tpu.memory_space<vmem>>, vector<16xf32>,
        %get3A_123 = arith.index_cast %scan3A_74 : i32 to index
        %get3A_124 = arith.constant 112 : index
        %get3A_125 = tpu.vector_load %arg19[%get3A_123, %get3A_124] {strides = array<i32>} : memref<80x160xf32, #tpu.memory_space<vmem>>, vector<16xf32>,
        %mul3A_126 = arith.mulf %get3A_125, %gather3A : vector<16xf32>
        %swap3A_127 = arith.index_cast %scan3A_74 : i32 to index
        %swap3A_128 = arith.constant 112 : index
        %swap3A_129 = tpu.vector_load %arg19[%swap3A_127, %swap3A_128] {strides = array<i32>} : memref<80x160xf32, #tpu.memory_space<vmem>>, vector<16xf32>,
        tpu.vector_store %arg19[%swap3A_127, %swap3A_128], %mul3A_126 {strides = array<i32>} : memref<80x160xf32, #tpu.memory_space<vmem>>, vector<16xf32>,
        %get3A_130 = arith.index_cast %scan3A_74 : i32 to index
        %get3A_131 = arith.constant 128 : index
        %get3A_132 = tpu.vector_load %arg19[%get3A_130, %get3A_131] {strides = array<i32>} : memref<80x160xf32, #tpu.memory_space<vmem>>, vector<16xf32>,
        %mul3A_133 = arith.mulf %get3A_132, %gather3A : vector<16xf32>
        %swap3A_134 = arith.index_cast %scan3A_74 : i32 to index
        %swap3A_135 = arith.constant 128 : index
        %swap3A_136 = tpu.vector_load %arg19[%swap3A_134, %swap3A_135] {strides = array<i32>} : memref<80x160xf32, #tpu.memory_space<vmem>>, vector<16xf32>,
        tpu.vector_store %arg19[%swap3A_134, %swap3A_135], %mul3A_133 {strides = array<i32>} : memref<80x160xf32, #tpu.memory_space<vmem>>, vector<16xf32>,
        %get3A_137 = arith.index_cast %scan3A_74 : i32 to index
        %get3A_138 = arith.constant 144 : index
        %get3A_139 = tpu.vector_load %arg19[%get3A_137, %get3A_138] {strides = array<i32>} : memref<80x160xf32, #tpu.memory_space<vmem>>, vector<16xf32>,
        %mul3A_140 = arith.mulf %get3A_139, %gather3A : vector<16xf32>
        %swap3A_141 = arith.index_cast %scan3A_74 : i32 to index
        %swap3A_142 = arith.constant 144 : index
        %swap3A_143 = tpu.vector_load %arg19[%swap3A_141, %swap3A_142] {strides = array<i32>} : memref<80x160xf32, #tpu.memory_space<vmem>>, vector<16xf32>,
        tpu.vector_store %arg19[%swap3A_141, %swap3A_142], %mul3A_140 {strides = array<i32>} : memref<80x160xf32, #tpu.memory_space<vmem>>, vector<16xf32>,
        %scan3A_144 = arith.constant 0 : i32
        scf.yield %scan3A_144 : i32
      }
      %scan3A_72 = arith.constant 80 : i32
      "tpu.region"() ({
        %run_scoped3A = tpu.sem_alloc : memref<!tpu.dma_semaphore, #tpu.memory_space<semaphore_mem>>
        %dma_start3A_74 = arith.constant 0 : i32
        %dma_start3A_75 = arith.constant 0 : i32
        %dma_start3A_76 = tpu.memref_slice %arg23[%dma_start3A_74, %dma_start3A_75] : memref<10000x160xf32, #tpu.memory_space<vmem_shared>> -> memref<10000x160xf32, #tpu.memory_space<vmem_shared>>
        tpu.enqueue_indirect_dma source(%arg19 : memref<80x160xf32, #tpu.memory_space<vmem>>) target(%dma_start3A_76 : memref<10000x160xf32, #tpu.memory_space<vmem_shared>>) offsets(%arg13 : memref<80xi32, #tpu.memory_space<vmem>>) semaphore(%run_scoped3A : memref<!tpu.dma_semaphore, #tpu.memory_space<semaphore_mem>>) {add = true}
        %dma_wait3A_77 = arith.constant 0 : i32
        %dma_wait3A_78 = arith.constant 0 : i32
        %dma_wait3A_79 = tpu.memref_slice %arg23[%dma_wait3A_77, %dma_wait3A_78] : memref<10000x160xf32, #tpu.memory_space<vmem_shared>> -> memref<10000x160xf32, #tpu.memory_space<vmem_shared>>
        tpu.wait_indirect_dma semaphore(%run_scoped3A : memref<!tpu.dma_semaphore, #tpu.memory_space<semaphore_mem>>) src(%arg19 : memref<80x160xf32, #tpu.memory_space<vmem>>) dst(%dma_wait3A_79 : memref<10000x160xf32, #tpu.memory_space<vmem_shared>>)
        tpu.yield
      }) : () -> ()
      %scan3A_73 = arith.constant 0 : i32
      scf.yield %scan3A_73 : i32
    }
    %scan3A_32 = arith.constant 500 : i32
    %barrier3A_33 = arith.constant 0 : index
    tpu.barrier barrier_id(%barrier3A_33)
    %lt3A_34 = arith.constant 15 : i32
    %lt3A_35 = arith.cmpi slt, %arg1, %lt3A_34 : i32
    %convert_element_type3A_36 = arith.extui %lt3A_35 : i1 to i32
    %cond3A_37 = arith.constant 0 : i32
    %cond3A_38 = arith.cmpi ne, %convert_element_type3A_36, %cond3A_37 : i32
    scf.if %cond3A_38 {
      %mul3A_44 = arith.constant 640 : i32
      %mul3A_45 = arith.muli %arg1, %mul3A_44 : i32
      %mul3A_46 = arith.constant 10000 : i32
      %mul3A_47 = arith.muli %arg0, %mul3A_46 : i32
      %mul3A_48 = arith.constant 640 : i32
      %mul3A_49 = arith.muli %arg1, %mul3A_48 : i32
      %add3A = arith.addi %mul3A_47, %mul3A_49 : i32
      "tpu.region"() ({
        %run_scoped3A = tpu.sem_alloc : memref<!tpu.dma_semaphore, #tpu.memory_space<semaphore_mem>>
        %dma_start3A = arith.constant 0 : i32
        %dma_start3A_50 = tpu.memref_slice %arg10[%add3A, %dma_start3A] : memref<20000x160xf32, #tpu.memory_space<hbm>> -> memref<640x160xf32, #tpu.memory_space<hbm>>
        %dma_start3A_51 = arith.constant 0 : i32
        %dma_start3A_52 = tpu.memref_slice %arg23[%mul3A_45, %dma_start3A_51] : memref<10000x160xf32, #tpu.memory_space<vmem_shared>> -> memref<640x160xf32, #tpu.memory_space<vmem_shared>>
        tpu.enqueue_dma source(%dma_start3A_52 : memref<640x160xf32, #tpu.memory_space<vmem_shared>>) target(%dma_start3A_50 : memref<640x160xf32, #tpu.memory_space<hbm>>) target_semaphore(%run_scoped3A : memref<!tpu.dma_semaphore, #tpu.memory_space<semaphore_mem>>)
        %dma_wait3A = arith.constant 0 : i32
        %dma_wait3A_53 = tpu.memref_slice %arg10[%add3A, %dma_wait3A] : memref<20000x160xf32, #tpu.memory_space<hbm>> -> memref<640x160xf32, #tpu.memory_space<hbm>>
        %dma_wait3A_54 = arith.constant 0 : i32
        %dma_wait3A_55 = tpu.memref_slice %arg23[%mul3A_45, %dma_wait3A_54] : memref<10000x160xf32, #tpu.memory_space<vmem_shared>> -> memref<640x160xf32, #tpu.memory_space<vmem_shared>>
        tpu.wait_dma2 semaphore(%run_scoped3A : memref<!tpu.dma_semaphore, #tpu.memory_space<semaphore_mem>>) src(%dma_wait3A_55 : memref<640x160xf32, #tpu.memory_space<vmem_shared>>) dst(%dma_wait3A_53 : memref<640x160xf32, #tpu.memory_space<hbm>>)
        tpu.yield
      }) : () -> ()
    } else {
    }
    %eq3A_39 = arith.constant 15 : i32
    %eq3A_40 = arith.cmpi eq, %arg1, %eq3A_39 : i32
    %convert_element_type3A_41 = arith.extui %eq3A_40 : i1 to i32
    %cond3A_42 = arith.constant 0 : i32
    %cond3A_43 = arith.cmpi ne, %convert_element_type3A_41, %cond3A_42 : i32
    scf.if %cond3A_43 {
      %mul3A_44 = arith.constant 10000 : i32
      %mul3A_45 = arith.muli %arg0, %mul3A_44 : i32
      %add3A = arith.constant 9600 : i32
      %add3A_46 = arith.addi %mul3A_45, %add3A : i32
      "tpu.region"() ({
        %run_scoped3A = tpu.sem_alloc : memref<!tpu.dma_semaphore, #tpu.memory_space<semaphore_mem>>
        %dma_start3A = arith.constant 0 : i32
        %dma_start3A_47 = tpu.memref_slice %arg10[%add3A_46, %dma_start3A] : memref<20000x160xf32, #tpu.memory_space<hbm>> -> memref<400x160xf32, #tpu.memory_space<hbm>>
        %dma_start3A_48 = arith.constant 9600 : i32
        %dma_start3A_49 = arith.constant 0 : i32
        %dma_start3A_50 = tpu.memref_slice %arg23[%dma_start3A_48, %dma_start3A_49] : memref<10000x160xf32, #tpu.memory_space<vmem_shared>> -> memref<400x160xf32, #tpu.memory_space<vmem_shared>>
        tpu.enqueue_dma source(%dma_start3A_50 : memref<400x160xf32, #tpu.memory_space<vmem_shared>>) target(%dma_start3A_47 : memref<400x160xf32, #tpu.memory_space<hbm>>) target_semaphore(%run_scoped3A : memref<!tpu.dma_semaphore, #tpu.memory_space<semaphore_mem>>)
        %dma_wait3A = arith.constant 0 : i32
        %dma_wait3A_51 = tpu.memref_slice %arg10[%add3A_46, %dma_wait3A] : memref<20000x160xf32, #tpu.memory_space<hbm>> -> memref<400x160xf32, #tpu.memory_space<hbm>>
        %dma_wait3A_52 = arith.constant 9600 : i32
        %dma_wait3A_53 = arith.constant 0 : i32
        %dma_wait3A_54 = tpu.memref_slice %arg23[%dma_wait3A_52, %dma_wait3A_53] : memref<10000x160xf32, #tpu.memory_space<vmem_shared>> -> memref<400x160xf32, #tpu.memory_space<vmem_shared>>
        tpu.wait_dma2 semaphore(%run_scoped3A : memref<!tpu.dma_semaphore, #tpu.memory_space<semaphore_mem>>) src(%dma_wait3A_54 : memref<400x160xf32, #tpu.memory_space<vmem_shared>>) dst(%dma_wait3A_51 : memref<400x160xf32, #tpu.memory_space<hbm>>)
        tpu.yield
      }) : () -> ()
    } else {
    }
    return
  }
}

module attributes {stable_mosaic.version = 14 : i64} {
  func.func @_pre_body(%arg0: i32, %arg1: memref<1000x128xf32, #tpu.memory_space<vmem>>, %arg2: memref<128x150xf32, #tpu.memory_space<vmem>>, %arg3: memref<150x300xf32, #tpu.memory_space<vmem>>, %arg4: memref<2x150xf32, #tpu.memory_space<vmem>>, %arg5: memref<2x150xf32, #tpu.memory_space<vmem>>, %arg6: memref<1000x160xf32, #tpu.memory_space<vmem>>, %arg7: memref<1000x160xf32, #tpu.memory_space<vmem>>, %arg8: memref<1000x1xf32, #tpu.memory_space<vmem>>, %arg9: memref<1000x1xf32, #tpu.memory_space<vmem>>, %arg10: memref<1000x1xf32, #tpu.memory_space<vmem>>, %arg11: memref<1000x1xf32, #tpu.memory_space<vmem>>) attributes {dimension_semantics = [#tpu.dimension_semantics<arbitrary>], iteration_bounds = array<i64: 10>, scalar_prefetch = 0 : i64, scratch_operands = 0 : i64, tpu.core_type = #tpu.core_type<tc>, window_params = [{transform_indices = @transform_0, window_bounds = array<i64: 1000, 128>}, {pipeline_mode = #tpu.pipeline_mode<synchronous>, transform_indices = @transform_1, window_bounds = array<i64: 128, 150>}, {pipeline_mode = #tpu.pipeline_mode<synchronous>, transform_indices = @transform_2, window_bounds = array<i64: 150, 300>}, {pipeline_mode = #tpu.pipeline_mode<synchronous>, transform_indices = @transform_3, window_bounds = array<i64: 2, 150>}, {pipeline_mode = #tpu.pipeline_mode<synchronous>, transform_indices = @transform_4, window_bounds = array<i64: 2, 150>}, {transform_indices = @transform_5, window_bounds = array<i64: 1000, 160>}, {transform_indices = @transform_6, window_bounds = array<i64: 1000, 160>}, {transform_indices = @transform_7, window_bounds = array<i64: 1000, 1>}, {transform_indices = @transform_8, window_bounds = array<i64: 1000, 1>}, {transform_indices = @transform_9, window_bounds = array<i64: 1000, 1>}, {transform_indices = @transform_10, window_bounds = array<i64: 1000, 1>}]} {
    %get3A = arith.constant 0 : index
    %get3A_0 = arith.constant 0 : index
    %get3A_1 = vector.load %arg1[%get3A, %get3A_0] : memref<1000x128xf32, #tpu.memory_space<vmem>>, vector<1000x128xf32>
    %reduce_max3A = arith.constant dense<0xFF800000> : vector<1000xf32>
    %reduce_max3A_2 = vector.multi_reduction <maximumf>, %get3A_1, %reduce_max3A [1] : vector<1000x128xf32> to vector<1000xf32>
    %broadcast_in_dim3A = vector.shape_cast %reduce_max3A_2 : vector<1000xf32> to vector<1000x1xf32>
    %iota3A = tpu.iota {dimensions = array<i32: 1>} : vector<1000x128xi32>
    %eq3A = vector.broadcast %broadcast_in_dim3A : vector<1000x1xf32> to vector<1000x128xf32>
    %eq3A_3 = arith.cmpf oeq, %get3A_1, %eq3A : vector<1000x128xf32>
    %jit3A = arith.constant 128 : i32
    %broadcast_in_dim3A_4 = vector.broadcast %jit3A : i32 to vector<1000x128xi32>
    %select_n3A = arith.select %eq3A_3, %iota3A, %broadcast_in_dim3A_4 : vector<1000x128xi1>, vector<1000x128xi32>
    %reduce_min3A = arith.constant dense<2147483647> : vector<1000xi32>
    %reduce_min3A_5 = vector.multi_reduction <minsi>, %select_n3A, %reduce_min3A [1] : vector<1000x128xi32> to vector<1000xi32>
    %broadcast_in_dim3A_6 = vector.shape_cast %reduce_min3A_5 : vector<1000xi32> to vector<1000x1xi32>
    %eq3A_7 = vector.broadcast %broadcast_in_dim3A_6 : vector<1000x1xi32> to vector<1000x128xi32>
    %eq3A_8 = arith.cmpi eq, %iota3A, %eq3A_7 : vector<1000x128xi32>
    %convert_element_type3A = arith.extui %eq3A_8 : vector<1000x128xi1> to vector<1000x128xi32>
    %convert_element_type3A_9 = arith.sitofp %convert_element_type3A : vector<1000x128xi32> to vector<1000x128xf32>
    %get3A_10 = arith.constant 0 : index
    %get3A_11 = arith.constant 0 : index
    %get3A_12 = vector.load %arg2[%get3A_10, %get3A_11] : memref<128x150xf32, #tpu.memory_space<vmem>>, vector<128x150xf32>
    %dot_general3A = arith.constant dense<0.000000e+00> : vector<1000x150xf32>
    %dot_general3A_13 = tpu.matmul %convert_element_type3A_9, %get3A_12, %dot_general3A {dimension_numbers = #tpu.dot_dimension_numbers<[1], [0], [0], [1], [0, 0, 1, 1], [], []>, transpose_lhs_hint = false} : vector<1000x128xf32>, vector<128x150xf32>, vector<1000x150xf32> -> vector<1000x150xf32>
    %get3A_14 = arith.constant 0 : index
    %get3A_15 = arith.constant 0 : index
    %get3A_16 = vector.load %arg3[%get3A_14, %get3A_15] : memref<150x300xf32, #tpu.memory_space<vmem>>, vector<150x300xf32>
    %dot_general3A_17 = arith.constant dense<0.000000e+00> : vector<1000x300xf32>
    %dot_general3A_18 = tpu.matmul %dot_general3A_13, %get3A_16, %dot_general3A_17 {dimension_numbers = #tpu.dot_dimension_numbers<[1], [0], [0], [1], [0, 0, 1, 1], [], []>, transpose_lhs_hint = false} : vector<1000x150xf32>, vector<150x300xf32>, vector<1000x300xf32> -> vector<1000x300xf32>
    %slice3A = vector.extract_strided_slice %dot_general3A_18 {offsets = [0, 0], sizes = [1000, 150], strides = [1, 1]} : vector<1000x300xf32> to vector<1000x150xf32>
    %slice3A_19 = vector.extract_strided_slice %dot_general3A_18 {offsets = [0, 150], sizes = [1000, 150], strides = [1, 1]} : vector<1000x300xf32> to vector<1000x150xf32>
    %broadcast_in_dim3A_20 = arith.constant 0.000000e+00 : f32
    %broadcast_in_dim3A_21 = vector.broadcast %broadcast_in_dim3A_20 : f32 to vector<1000x10xf32>
    %concatenate3A = tpu.concatenate %slice3A, %broadcast_in_dim3A_21 in 1 : vector<1000x150xf32>, vector<1000x10xf32> -> vector<1000x160xf32>
    %swap3A = arith.constant 0 : index
    %swap3A_22 = arith.constant 0 : index
    %swap3A_23 = vector.load %arg6[%swap3A, %swap3A_22] : memref<1000x160xf32, #tpu.memory_space<vmem>>, vector<1000x160xf32>
    tpu.vector_store %arg6[%swap3A, %swap3A_22], %concatenate3A {strides = array<i32>} : memref<1000x160xf32, #tpu.memory_space<vmem>>, vector<1000x160xf32>,
    %concatenate3A_24 = tpu.concatenate %slice3A_19, %broadcast_in_dim3A_21 in 1 : vector<1000x150xf32>, vector<1000x10xf32> -> vector<1000x160xf32>
    %swap3A_25 = arith.constant 0 : index
    %swap3A_26 = arith.constant 0 : index
    %swap3A_27 = vector.load %arg7[%swap3A_25, %swap3A_26] : memref<1000x160xf32, #tpu.memory_space<vmem>>, vector<1000x160xf32>
    tpu.vector_store %arg7[%swap3A_25, %swap3A_26], %concatenate3A_24 {strides = array<i32>} : memref<1000x160xf32, #tpu.memory_space<vmem>>, vector<1000x160xf32>,
    %get3A_28 = arith.constant 0 : index
    %get3A_29 = arith.constant 0 : index
    %get3A_30 = vector.load %arg4[%get3A_28, %get3A_29] : memref<2x150xf32, #tpu.memory_space<vmem>>, vector<2x150xf32>
    %get3A_31 = arith.constant 0 : index
    %get3A_32 = arith.constant 0 : index
    %get3A_33 = vector.load %arg5[%get3A_31, %get3A_32] : memref<2x150xf32, #tpu.memory_space<vmem>>, vector<2x150xf32>
    %slice3A_34 = vector.extract_strided_slice %get3A_30 {offsets = [0, 0], sizes = [1, 150], strides = [1, 1]} : vector<2x150xf32> to vector<1x150xf32>
    %mul3A = vector.broadcast %slice3A_34 : vector<1x150xf32> to vector<1000x150xf32>
    %mul3A_35 = arith.mulf %slice3A, %mul3A : vector<1000x150xf32>
    %reduce_sum3A = arith.constant dense<0.000000e+00> : vector<1000xf32>
    %reduce_sum3A_36 = vector.multi_reduction <add>, %mul3A_35, %reduce_sum3A [1] : vector<1000x150xf32> to vector<1000xf32>
    %broadcast_in_dim3A_37 = vector.shape_cast %reduce_sum3A_36 : vector<1000xf32> to vector<1000x1xf32>
    %swap3A_38 = arith.constant 0 : index
    %swap3A_39 = arith.constant 0 : index
    %swap3A_40 = vector.load %arg8[%swap3A_38, %swap3A_39] : memref<1000x1xf32, #tpu.memory_space<vmem>>, vector<1000x1xf32>
    tpu.vector_store %arg8[%swap3A_38, %swap3A_39], %broadcast_in_dim3A_37 {strides = array<i32>} : memref<1000x1xf32, #tpu.memory_space<vmem>>, vector<1000x1xf32>,
    %slice3A_41 = vector.extract_strided_slice %get3A_30 {offsets = [1, 0], sizes = [1, 150], strides = [1, 1]} : vector<2x150xf32> to vector<1x150xf32>
    %mul3A_42 = vector.broadcast %slice3A_41 : vector<1x150xf32> to vector<1000x150xf32>
    %mul3A_43 = arith.mulf %slice3A_19, %mul3A_42 : vector<1000x150xf32>
    %reduce_sum3A_44 = arith.constant dense<0.000000e+00> : vector<1000xf32>
    %reduce_sum3A_45 = vector.multi_reduction <add>, %mul3A_43, %reduce_sum3A_44 [1] : vector<1000x150xf32> to vector<1000xf32>
    %broadcast_in_dim3A_46 = vector.shape_cast %reduce_sum3A_45 : vector<1000xf32> to vector<1000x1xf32>
    %swap3A_47 = arith.constant 0 : index
    %swap3A_48 = arith.constant 0 : index
    %swap3A_49 = vector.load %arg9[%swap3A_47, %swap3A_48] : memref<1000x1xf32, #tpu.memory_space<vmem>>, vector<1000x1xf32>
    tpu.vector_store %arg9[%swap3A_47, %swap3A_48], %broadcast_in_dim3A_46 {strides = array<i32>} : memref<1000x1xf32, #tpu.memory_space<vmem>>, vector<1000x1xf32>,
    %slice3A_50 = vector.extract_strided_slice %get3A_33 {offsets = [0, 0], sizes = [1, 150], strides = [1, 1]} : vector<2x150xf32> to vector<1x150xf32>
    %mul3A_51 = vector.broadcast %slice3A_50 : vector<1x150xf32> to vector<1000x150xf32>
    %mul3A_52 = arith.mulf %slice3A, %mul3A_51 : vector<1000x150xf32>
    %reduce_sum3A_53 = arith.constant dense<0.000000e+00> : vector<1000xf32>
    %reduce_sum3A_54 = vector.multi_reduction <add>, %mul3A_52, %reduce_sum3A_53 [1] : vector<1000x150xf32> to vector<1000xf32>
    %broadcast_in_dim3A_55 = vector.shape_cast %reduce_sum3A_54 : vector<1000xf32> to vector<1000x1xf32>
    %swap3A_56 = arith.constant 0 : index
    %swap3A_57 = arith.constant 0 : index
    %swap3A_58 = vector.load %arg10[%swap3A_56, %swap3A_57] : memref<1000x1xf32, #tpu.memory_space<vmem>>, vector<1000x1xf32>
    tpu.vector_store %arg10[%swap3A_56, %swap3A_57], %broadcast_in_dim3A_55 {strides = array<i32>} : memref<1000x1xf32, #tpu.memory_space<vmem>>, vector<1000x1xf32>,
    %slice3A_59 = vector.extract_strided_slice %get3A_33 {offsets = [1, 0], sizes = [1, 150], strides = [1, 1]} : vector<2x150xf32> to vector<1x150xf32>
    %mul3A_60 = vector.broadcast %slice3A_59 : vector<1x150xf32> to vector<1000x150xf32>
    %mul3A_61 = arith.mulf %slice3A_19, %mul3A_60 : vector<1000x150xf32>
    %reduce_sum3A_62 = arith.constant dense<0.000000e+00> : vector<1000xf32>
    %reduce_sum3A_63 = vector.multi_reduction <add>, %mul3A_61, %reduce_sum3A_62 [1] : vector<1000x150xf32> to vector<1000xf32>
    %broadcast_in_dim3A_64 = vector.shape_cast %reduce_sum3A_63 : vector<1000xf32> to vector<1000x1xf32>
    %swap3A_65 = arith.constant 0 : index
    %swap3A_66 = arith.constant 0 : index
    %swap3A_67 = vector.load %arg11[%swap3A_65, %swap3A_66] : memref<1000x1xf32, #tpu.memory_space<vmem>>, vector<1000x1xf32>
    tpu.vector_store %arg11[%swap3A_65, %swap3A_66], %broadcast_in_dim3A_64 {strides = array<i32>} : memref<1000x1xf32, #tpu.memory_space<vmem>>, vector<1000x1xf32>,
    return
  }
  func.func @transform_0(%arg0: i32) -> (i32, i32) {
    %c0_i32 = arith.constant 0 : i32
    %c0_i32_0 = arith.constant 0 : i32
    return %arg0, %c0_i32 : i32, i32
  }
  func.func @transform_1(%arg0: i32) -> (i32, i32) {
    %c0_i32 = arith.constant 0 : i32
    %c0_i32_0 = arith.constant 0 : i32
    %c0_i32_1 = arith.constant 0 : i32
    return %c0_i32, %c0_i32_0 : i32, i32
  }
  func.func @transform_2(%arg0: i32) -> (i32, i32) {
    %c0_i32 = arith.constant 0 : i32
    %c0_i32_0 = arith.constant 0 : i32
    %c0_i32_1 = arith.constant 0 : i32
    return %c0_i32, %c0_i32_0 : i32, i32
  }
  func.func @transform_3(%arg0: i32) -> (i32, i32) {
    %c0_i32 = arith.constant 0 : i32
    %c0_i32_0 = arith.constant 0 : i32
    %c0_i32_1 = arith.constant 0 : i32
    return %c0_i32, %c0_i32_0 : i32, i32
  }
  func.func @transform_4(%arg0: i32) -> (i32, i32) {
    %c0_i32 = arith.constant 0 : i32
    %c0_i32_0 = arith.constant 0 : i32
    %c0_i32_1 = arith.constant 0 : i32
    return %c0_i32, %c0_i32_0 : i32, i32
  }
  func.func @transform_5(%arg0: i32) -> (i32, i32) {
    %c0_i32 = arith.constant 0 : i32
    %c0_i32_0 = arith.constant 0 : i32
    return %arg0, %c0_i32 : i32, i32
  }
  func.func @transform_6(%arg0: i32) -> (i32, i32) {
    %c0_i32 = arith.constant 0 : i32
    %c0_i32_0 = arith.constant 0 : i32
    return %arg0, %c0_i32 : i32, i32
  }
  func.func @transform_7(%arg0: i32) -> (i32, i32) {
    %c0_i32 = arith.constant 0 : i32
    %c0_i32_0 = arith.constant 0 : i32
    return %arg0, %c0_i32 : i32, i32
  }
  func.func @transform_8(%arg0: i32) -> (i32, i32) {
    %c0_i32 = arith.constant 0 : i32
    %c0_i32_0 = arith.constant 0 : i32
    return %arg0, %c0_i32 : i32, i32
  }
  func.func @transform_9(%arg0: i32) -> (i32, i32) {
    %c0_i32 = arith.constant 0 : i32
    %c0_i32_0 = arith.constant 0 : i32
    return %arg0, %c0_i32 : i32, i32
  }
  func.func @transform_10(%arg0: i32) -> (i32, i32) {
    %c0_i32 = arith.constant 0 : i32
    %c0_i32_0 = arith.constant 0 : i32
    return %arg0, %c0_i32 : i32, i32
  }
}

module attributes {stable_mosaic.version = 14 : i64} {
  func.func @_mid_body(%arg0: i32, %arg1: memref<1000x160xf32, #tpu.memory_space<vmem>>, %arg2: memref<1000x160xf32, #tpu.memory_space<vmem>>, %arg3: memref<1x300xf32, #tpu.memory_space<vmem>>, %arg4: memref<1x300xf32, #tpu.memory_space<vmem>>, %arg5: memref<1x300xf32, #tpu.memory_space<vmem>>, %arg6: memref<300x300xf32, #tpu.memory_space<vmem>>, %arg7: memref<2x150xf32, #tpu.memory_space<vmem>>, %arg8: memref<2x150xf32, #tpu.memory_space<vmem>>, %arg9: memref<1000x160xf32, #tpu.memory_space<vmem>>, %arg10: memref<1000x160xf32, #tpu.memory_space<vmem>>, %arg11: memref<1000x1xf32, #tpu.memory_space<vmem>>, %arg12: memref<1000x1xf32, #tpu.memory_space<vmem>>, %arg13: memref<1000x1xf32, #tpu.memory_space<vmem>>, %arg14: memref<1000x1xf32, #tpu.memory_space<vmem>>) attributes {dimension_semantics = [#tpu.dimension_semantics<arbitrary>], iteration_bounds = array<i64: 10>, scalar_prefetch = 0 : i64, scratch_operands = 0 : i64, tpu.core_type = #tpu.core_type<tc>, window_params = [{transform_indices = @transform_0, window_bounds = array<i64: 1000, 160>}, {transform_indices = @transform_1, window_bounds = array<i64: 1000, 160>}, {pipeline_mode = #tpu.pipeline_mode<synchronous>, transform_indices = @transform_2, window_bounds = array<i64: 1, 300>}, {pipeline_mode = #tpu.pipeline_mode<synchronous>, transform_indices = @transform_3, window_bounds = array<i64: 1, 300>}, {pipeline_mode = #tpu.pipeline_mode<synchronous>, transform_indices = @transform_4, window_bounds = array<i64: 1, 300>}, {pipeline_mode = #tpu.pipeline_mode<synchronous>, transform_indices = @transform_5, window_bounds = array<i64: 300, 300>}, {pipeline_mode = #tpu.pipeline_mode<synchronous>, transform_indices = @transform_6, window_bounds = array<i64: 2, 150>}, {pipeline_mode = #tpu.pipeline_mode<synchronous>, transform_indices = @transform_7, window_bounds = array<i64: 2, 150>}, {transform_indices = @transform_8, window_bounds = array<i64: 1000, 160>}, {transform_indices = @transform_9, window_bounds = array<i64: 1000, 160>}, {transform_indices = @transform_10, window_bounds = array<i64: 1000, 1>}, {transform_indices = @transform_11, window_bounds = array<i64: 1000, 1>}, {transform_indices = @transform_12, window_bounds = array<i64: 1000, 1>}, {transform_indices = @transform_13, window_bounds = array<i64: 1000, 1>}]} {
    %get3A = arith.constant 0 : index
    %get3A_0 = arith.constant 0 : index
    %get3A_1 = vector.load %arg1[%get3A, %get3A_0] : memref<1000x160xf32, #tpu.memory_space<vmem>>, vector<1000x150xf32>
    %get3A_2 = arith.constant 0 : index
    %get3A_3 = arith.constant 0 : index
    %get3A_4 = vector.load %arg2[%get3A_2, %get3A_3] : memref<1000x160xf32, #tpu.memory_space<vmem>>, vector<1000x150xf32>
    %concatenate3A = tpu.concatenate %get3A_1, %get3A_4 in 1 : vector<1000x150xf32>, vector<1000x150xf32> -> vector<1000x300xf32>
    %get3A_5 = arith.constant 0 : index
    %get3A_6 = arith.constant 0 : index
    %get3A_7 = vector.load %arg3[%get3A_5, %get3A_6] : memref<1x300xf32, #tpu.memory_space<vmem>>, vector<1x300xf32>
    %add3A = vector.broadcast %get3A_7 : vector<1x300xf32> to vector<1000x300xf32>
    %add3A_8 = arith.addf %concatenate3A, %add3A : vector<1000x300xf32>
    %reduce_sum3A = arith.constant dense<0.000000e+00> : vector<1000xf32>
    %reduce_sum3A_9 = vector.multi_reduction <add>, %add3A_8, %reduce_sum3A [1] : vector<1000x300xf32> to vector<1000xf32>
    %broadcast_in_dim3A = vector.shape_cast %reduce_sum3A_9 : vector<1000xf32> to vector<1000x1xf32>
    %div3A = arith.constant 3.000000e+02 : f32
    %div3A_10 = vector.broadcast %div3A : f32 to vector<1000x1xf32>
    %div3A_11 = arith.divf %broadcast_in_dim3A, %div3A_10 : vector<1000x1xf32>
    %sub3A = vector.broadcast %div3A_11 : vector<1000x1xf32> to vector<1000x300xf32>
    %sub3A_12 = arith.subf %add3A_8, %sub3A : vector<1000x300xf32>
    %square3A = arith.mulf %sub3A_12, %sub3A_12 : vector<1000x300xf32>
    %reduce_sum3A_13 = arith.constant dense<0.000000e+00> : vector<1000xf32>
    %reduce_sum3A_14 = vector.multi_reduction <add>, %square3A, %reduce_sum3A_13 [1] : vector<1000x300xf32> to vector<1000xf32>
    %broadcast_in_dim3A_15 = vector.shape_cast %reduce_sum3A_14 : vector<1000xf32> to vector<1000x1xf32>
    %div3A_16 = arith.constant 3.000000e+02 : f32
    %div3A_17 = vector.broadcast %div3A_16 : f32 to vector<1000x1xf32>
    %div3A_18 = arith.divf %broadcast_in_dim3A_15, %div3A_17 : vector<1000x1xf32>
    %sub3A_19 = vector.broadcast %div3A_11 : vector<1000x1xf32> to vector<1000x300xf32>
    %sub3A_20 = arith.subf %add3A_8, %sub3A_19 : vector<1000x300xf32>
    %add3A_21 = arith.constant 9.99999974E-6 : f32
    %add3A_22 = vector.broadcast %add3A_21 : f32 to vector<1000x1xf32>
    %add3A_23 = arith.addf %div3A_18, %add3A_22 : vector<1000x1xf32>
    %sqrt3A = math.sqrt %add3A_23 : vector<1000x1xf32>
    %div3A_24 = vector.broadcast %sqrt3A : vector<1000x1xf32> to vector<1000x300xf32>
    %div3A_25 = arith.divf %sub3A_20, %div3A_24 : vector<1000x300xf32>
    %get3A_26 = arith.constant 0 : index
    %get3A_27 = arith.constant 0 : index
    %get3A_28 = vector.load %arg4[%get3A_26, %get3A_27] : memref<1x300xf32, #tpu.memory_space<vmem>>, vector<1x300xf32>
    %mul3A = vector.broadcast %get3A_28 : vector<1x300xf32> to vector<1000x300xf32>
    %mul3A_29 = arith.mulf %div3A_25, %mul3A : vector<1000x300xf32>
    %get3A_30 = arith.constant 0 : index
    %get3A_31 = arith.constant 0 : index
    %get3A_32 = vector.load %arg5[%get3A_30, %get3A_31] : memref<1x300xf32, #tpu.memory_space<vmem>>, vector<1x300xf32>
    %add3A_33 = vector.broadcast %get3A_32 : vector<1x300xf32> to vector<1000x300xf32>
    %add3A_34 = arith.addf %mul3A_29, %add3A_33 : vector<1000x300xf32>
    %gt3A = arith.constant 0.000000e+00 : f32
    %gt3A_35 = vector.broadcast %gt3A : f32 to vector<1000x300xf32>
    %gt3A_36 = arith.cmpf ogt, %add3A_34, %gt3A_35 : vector<1000x300xf32>
    %mul3A_37 = arith.constant 0.00999999977 : f32
    %mul3A_38 = vector.broadcast %mul3A_37 : f32 to vector<1000x300xf32>
    %mul3A_39 = arith.mulf %mul3A_38, %add3A_34 : vector<1000x300xf32>
    %select_n3A = arith.select %gt3A_36, %add3A_34, %mul3A_39 : vector<1000x300xi1>, vector<1000x300xf32>
    %get3A_40 = arith.constant 0 : index
    %get3A_41 = arith.constant 0 : index
    %get3A_42 = vector.load %arg6[%get3A_40, %get3A_41] : memref<300x300xf32, #tpu.memory_space<vmem>>, vector<300x300xf32>
    %dot_general3A = arith.constant dense<0.000000e+00> : vector<1000x300xf32>
    %dot_general3A_43 = tpu.matmul %select_n3A, %get3A_42, %dot_general3A {dimension_numbers = #tpu.dot_dimension_numbers<[1], [0], [0], [1], [0, 0, 1, 1], [], []>, transpose_lhs_hint = false} : vector<1000x300xf32>, vector<300x300xf32>, vector<1000x300xf32> -> vector<1000x300xf32>
    %slice3A = vector.extract_strided_slice %dot_general3A_43 {offsets = [0, 0], sizes = [1000, 150], strides = [1, 1]} : vector<1000x300xf32> to vector<1000x150xf32>
    %slice3A_44 = vector.extract_strided_slice %dot_general3A_43 {offsets = [0, 150], sizes = [1000, 150], strides = [1, 1]} : vector<1000x300xf32> to vector<1000x150xf32>
    %broadcast_in_dim3A_45 = arith.constant 0.000000e+00 : f32
    %broadcast_in_dim3A_46 = vector.broadcast %broadcast_in_dim3A_45 : f32 to vector<1000x10xf32>
    %concatenate3A_47 = tpu.concatenate %slice3A, %broadcast_in_dim3A_46 in 1 : vector<1000x150xf32>, vector<1000x10xf32> -> vector<1000x160xf32>
    %swap3A = arith.constant 0 : index
    %swap3A_48 = arith.constant 0 : index
    %swap3A_49 = vector.load %arg9[%swap3A, %swap3A_48] : memref<1000x160xf32, #tpu.memory_space<vmem>>, vector<1000x160xf32>
    tpu.vector_store %arg9[%swap3A, %swap3A_48], %concatenate3A_47 {strides = array<i32>} : memref<1000x160xf32, #tpu.memory_space<vmem>>, vector<1000x160xf32>,
    %concatenate3A_50 = tpu.concatenate %slice3A_44, %broadcast_in_dim3A_46 in 1 : vector<1000x150xf32>, vector<1000x10xf32> -> vector<1000x160xf32>
    %swap3A_51 = arith.constant 0 : index
    %swap3A_52 = arith.constant 0 : index
    %swap3A_53 = vector.load %arg10[%swap3A_51, %swap3A_52] : memref<1000x160xf32, #tpu.memory_space<vmem>>, vector<1000x160xf32>
    tpu.vector_store %arg10[%swap3A_51, %swap3A_52], %concatenate3A_50 {strides = array<i32>} : memref<1000x160xf32, #tpu.memory_space<vmem>>, vector<1000x160xf32>,
    %get3A_54 = arith.constant 0 : index
    %get3A_55 = arith.constant 0 : index
    %get3A_56 = vector.load %arg7[%get3A_54, %get3A_55] : memref<2x150xf32, #tpu.memory_space<vmem>>, vector<2x150xf32>
    %get3A_57 = arith.constant 0 : index
    %get3A_58 = arith.constant 0 : index
    %get3A_59 = vector.load %arg8[%get3A_57, %get3A_58] : memref<2x150xf32, #tpu.memory_space<vmem>>, vector<2x150xf32>
    %slice3A_60 = vector.extract_strided_slice %get3A_56 {offsets = [0, 0], sizes = [1, 150], strides = [1, 1]} : vector<2x150xf32> to vector<1x150xf32>
    %mul3A_61 = vector.broadcast %slice3A_60 : vector<1x150xf32> to vector<1000x150xf32>
    %mul3A_62 = arith.mulf %slice3A, %mul3A_61 : vector<1000x150xf32>
    %reduce_sum3A_63 = arith.constant dense<0.000000e+00> : vector<1000xf32>
    %reduce_sum3A_64 = vector.multi_reduction <add>, %mul3A_62, %reduce_sum3A_63 [1] : vector<1000x150xf32> to vector<1000xf32>
    %broadcast_in_dim3A_65 = vector.shape_cast %reduce_sum3A_64 : vector<1000xf32> to vector<1000x1xf32>
    %swap3A_66 = arith.constant 0 : index
    %swap3A_67 = arith.constant 0 : index
    %swap3A_68 = vector.load %arg11[%swap3A_66, %swap3A_67] : memref<1000x1xf32, #tpu.memory_space<vmem>>, vector<1000x1xf32>
    tpu.vector_store %arg11[%swap3A_66, %swap3A_67], %broadcast_in_dim3A_65 {strides = array<i32>} : memref<1000x1xf32, #tpu.memory_space<vmem>>, vector<1000x1xf32>,
    %slice3A_69 = vector.extract_strided_slice %get3A_56 {offsets = [1, 0], sizes = [1, 150], strides = [1, 1]} : vector<2x150xf32> to vector<1x150xf32>
    %mul3A_70 = vector.broadcast %slice3A_69 : vector<1x150xf32> to vector<1000x150xf32>
    %mul3A_71 = arith.mulf %slice3A_44, %mul3A_70 : vector<1000x150xf32>
    %reduce_sum3A_72 = arith.constant dense<0.000000e+00> : vector<1000xf32>
    %reduce_sum3A_73 = vector.multi_reduction <add>, %mul3A_71, %reduce_sum3A_72 [1] : vector<1000x150xf32> to vector<1000xf32>
    %broadcast_in_dim3A_74 = vector.shape_cast %reduce_sum3A_73 : vector<1000xf32> to vector<1000x1xf32>
    %swap3A_75 = arith.constant 0 : index
    %swap3A_76 = arith.constant 0 : index
    %swap3A_77 = vector.load %arg12[%swap3A_75, %swap3A_76] : memref<1000x1xf32, #tpu.memory_space<vmem>>, vector<1000x1xf32>
    tpu.vector_store %arg12[%swap3A_75, %swap3A_76], %broadcast_in_dim3A_74 {strides = array<i32>} : memref<1000x1xf32, #tpu.memory_space<vmem>>, vector<1000x1xf32>,
    %slice3A_78 = vector.extract_strided_slice %get3A_59 {offsets = [0, 0], sizes = [1, 150], strides = [1, 1]} : vector<2x150xf32> to vector<1x150xf32>
    %mul3A_79 = vector.broadcast %slice3A_78 : vector<1x150xf32> to vector<1000x150xf32>
    %mul3A_80 = arith.mulf %slice3A, %mul3A_79 : vector<1000x150xf32>
    %reduce_sum3A_81 = arith.constant dense<0.000000e+00> : vector<1000xf32>
    %reduce_sum3A_82 = vector.multi_reduction <add>, %mul3A_80, %reduce_sum3A_81 [1] : vector<1000x150xf32> to vector<1000xf32>
    %broadcast_in_dim3A_83 = vector.shape_cast %reduce_sum3A_82 : vector<1000xf32> to vector<1000x1xf32>
    %swap3A_84 = arith.constant 0 : index
    %swap3A_85 = arith.constant 0 : index
    %swap3A_86 = vector.load %arg13[%swap3A_84, %swap3A_85] : memref<1000x1xf32, #tpu.memory_space<vmem>>, vector<1000x1xf32>
    tpu.vector_store %arg13[%swap3A_84, %swap3A_85], %broadcast_in_dim3A_83 {strides = array<i32>} : memref<1000x1xf32, #tpu.memory_space<vmem>>, vector<1000x1xf32>,
    %slice3A_87 = vector.extract_strided_slice %get3A_59 {offsets = [1, 0], sizes = [1, 150], strides = [1, 1]} : vector<2x150xf32> to vector<1x150xf32>
    %mul3A_88 = vector.broadcast %slice3A_87 : vector<1x150xf32> to vector<1000x150xf32>
    %mul3A_89 = arith.mulf %slice3A_44, %mul3A_88 : vector<1000x150xf32>
    %reduce_sum3A_90 = arith.constant dense<0.000000e+00> : vector<1000xf32>
    %reduce_sum3A_91 = vector.multi_reduction <add>, %mul3A_89, %reduce_sum3A_90 [1] : vector<1000x150xf32> to vector<1000xf32>
    %broadcast_in_dim3A_92 = vector.shape_cast %reduce_sum3A_91 : vector<1000xf32> to vector<1000x1xf32>
    %swap3A_93 = arith.constant 0 : index
    %swap3A_94 = arith.constant 0 : index
    %swap3A_95 = vector.load %arg14[%swap3A_93, %swap3A_94] : memref<1000x1xf32, #tpu.memory_space<vmem>>, vector<1000x1xf32>
    tpu.vector_store %arg14[%swap3A_93, %swap3A_94], %broadcast_in_dim3A_92 {strides = array<i32>} : memref<1000x1xf32, #tpu.memory_space<vmem>>, vector<1000x1xf32>,
    return
  }
  func.func @transform_0(%arg0: i32) -> (i32, i32) {
    %c0_i32 = arith.constant 0 : i32
    %c0_i32_0 = arith.constant 0 : i32
    return %arg0, %c0_i32 : i32, i32
  }
  func.func @transform_1(%arg0: i32) -> (i32, i32) {
    %c0_i32 = arith.constant 0 : i32
    %c0_i32_0 = arith.constant 0 : i32
    return %arg0, %c0_i32 : i32, i32
  }
  func.func @transform_2(%arg0: i32) -> (i32, i32) {
    %c0_i32 = arith.constant 0 : i32
    %c0_i32_0 = arith.constant 0 : i32
    %c0_i32_1 = arith.constant 0 : i32
    return %c0_i32, %c0_i32_0 : i32, i32
  }
  func.func @transform_3(%arg0: i32) -> (i32, i32) {
    %c0_i32 = arith.constant 0 : i32
    %c0_i32_0 = arith.constant 0 : i32
    %c0_i32_1 = arith.constant 0 : i32
    return %c0_i32, %c0_i32_0 : i32, i32
  }
  func.func @transform_4(%arg0: i32) -> (i32, i32) {
    %c0_i32 = arith.constant 0 : i32
    %c0_i32_0 = arith.constant 0 : i32
    %c0_i32_1 = arith.constant 0 : i32
    return %c0_i32, %c0_i32_0 : i32, i32
  }
  func.func @transform_5(%arg0: i32) -> (i32, i32) {
    %c0_i32 = arith.constant 0 : i32
    %c0_i32_0 = arith.constant 0 : i32
    %c0_i32_1 = arith.constant 0 : i32
    return %c0_i32, %c0_i32_0 : i32, i32
  }
  func.func @transform_6(%arg0: i32) -> (i32, i32) {
    %c0_i32 = arith.constant 0 : i32
    %c0_i32_0 = arith.constant 0 : i32
    %c0_i32_1 = arith.constant 0 : i32
    return %c0_i32, %c0_i32_0 : i32, i32
  }
  func.func @transform_7(%arg0: i32) -> (i32, i32) {
    %c0_i32 = arith.constant 0 : i32
    %c0_i32_0 = arith.constant 0 : i32
    %c0_i32_1 = arith.constant 0 : i32
    return %c0_i32, %c0_i32_0 : i32, i32
  }
  func.func @transform_8(%arg0: i32) -> (i32, i32) {
    %c0_i32 = arith.constant 0 : i32
    %c0_i32_0 = arith.constant 0 : i32
    return %arg0, %c0_i32 : i32, i32
  }
  func.func @transform_9(%arg0: i32) -> (i32, i32) {
    %c0_i32 = arith.constant 0 : i32
    %c0_i32_0 = arith.constant 0 : i32
    return %arg0, %c0_i32 : i32, i32
  }
  func.func @transform_10(%arg0: i32) -> (i32, i32) {
    %c0_i32 = arith.constant 0 : i32
    %c0_i32_0 = arith.constant 0 : i32
    return %arg0, %c0_i32 : i32, i32
  }
  func.func @transform_11(%arg0: i32) -> (i32, i32) {
    %c0_i32 = arith.constant 0 : i32
    %c0_i32_0 = arith.constant 0 : i32
    return %arg0, %c0_i32 : i32, i32
  }
  func.func @transform_12(%arg0: i32) -> (i32, i32) {
    %c0_i32 = arith.constant 0 : i32
    %c0_i32_0 = arith.constant 0 : i32
    return %arg0, %c0_i32 : i32, i32
  }
  func.func @transform_13(%arg0: i32) -> (i32, i32) {
    %c0_i32 = arith.constant 0 : i32
    %c0_i32_0 = arith.constant 0 : i32
    return %arg0, %c0_i32 : i32, i32
  }
}

module attributes {stable_mosaic.version = 14 : i64} {
  func.func @_post_body(%arg0: i32, %arg1: memref<1000x160xf32, #tpu.memory_space<vmem>>, %arg2: memref<1000x160xf32, #tpu.memory_space<vmem>>, %arg3: memref<1x300xf32, #tpu.memory_space<vmem>>, %arg4: memref<1x300xf32, #tpu.memory_space<vmem>>, %arg5: memref<1x1xf32, #tpu.memory_space<vmem>>, %arg6: memref<1000x1xf32, #tpu.memory_space<vmem>>) attributes {dimension_semantics = [#tpu.dimension_semantics<arbitrary>], iteration_bounds = array<i64: 10>, scalar_prefetch = 0 : i64, scratch_operands = 0 : i64, tpu.core_type = #tpu.core_type<tc>, window_params = [{transform_indices = @transform_0, window_bounds = array<i64: 1000, 160>}, {transform_indices = @transform_1, window_bounds = array<i64: 1000, 160>}, {pipeline_mode = #tpu.pipeline_mode<synchronous>, transform_indices = @transform_2, window_bounds = array<i64: 1, 300>}, {pipeline_mode = #tpu.pipeline_mode<synchronous>, transform_indices = @transform_3, window_bounds = array<i64: 1, 300>}, {pipeline_mode = #tpu.pipeline_mode<synchronous>, transform_indices = @transform_4, window_bounds = array<i64: 1, 1>}, {transform_indices = @transform_5, window_bounds = array<i64: 1000, 1>}]} {
    %get3A = arith.constant 0 : index
    %get3A_0 = arith.constant 0 : index
    %get3A_1 = vector.load %arg1[%get3A, %get3A_0] : memref<1000x160xf32, #tpu.memory_space<vmem>>, vector<1000x150xf32>
    %get3A_2 = arith.constant 0 : index
    %get3A_3 = arith.constant 0 : index
    %get3A_4 = vector.load %arg2[%get3A_2, %get3A_3] : memref<1000x160xf32, #tpu.memory_space<vmem>>, vector<1000x150xf32>
    %concatenate3A = tpu.concatenate %get3A_1, %get3A_4 in 1 : vector<1000x150xf32>, vector<1000x150xf32> -> vector<1000x300xf32>
    %get3A_5 = arith.constant 0 : index
    %get3A_6 = arith.constant 0 : index
    %get3A_7 = vector.load %arg3[%get3A_5, %get3A_6] : memref<1x300xf32, #tpu.memory_space<vmem>>, vector<1x300xf32>
    %add3A = vector.broadcast %get3A_7 : vector<1x300xf32> to vector<1000x300xf32>
    %add3A_8 = arith.addf %concatenate3A, %add3A : vector<1000x300xf32>
    %gt3A = arith.constant 0.000000e+00 : f32
    %gt3A_9 = vector.broadcast %gt3A : f32 to vector<1000x300xf32>
    %gt3A_10 = arith.cmpf ogt, %add3A_8, %gt3A_9 : vector<1000x300xf32>
    %mul3A = arith.constant 0.00999999977 : f32
    %mul3A_11 = vector.broadcast %mul3A : f32 to vector<1000x300xf32>
    %mul3A_12 = arith.mulf %mul3A_11, %add3A_8 : vector<1000x300xf32>
    %select_n3A = arith.select %gt3A_10, %add3A_8, %mul3A_12 : vector<1000x300xi1>, vector<1000x300xf32>
    %get3A_13 = arith.constant 0 : index
    %get3A_14 = arith.constant 0 : index
    %get3A_15 = vector.load %arg4[%get3A_13, %get3A_14] : memref<1x300xf32, #tpu.memory_space<vmem>>, vector<1x300xf32>
    %mul3A_16 = vector.broadcast %get3A_15 : vector<1x300xf32> to vector<1000x300xf32>
    %mul3A_17 = arith.mulf %select_n3A, %mul3A_16 : vector<1000x300xf32>
    %reduce_sum3A = arith.constant dense<0.000000e+00> : vector<1000xf32>
    %reduce_sum3A_18 = vector.multi_reduction <add>, %mul3A_17, %reduce_sum3A [1] : vector<1000x300xf32> to vector<1000xf32>
    %get3A_19 = arith.constant 0 : index
    %get3A_20 = arith.constant 0 : index
    %get3A_21 = vector.load %arg5[%get3A_19, %get3A_20] : memref<1x1xf32, #tpu.memory_space<vmem>>, vector<1x1xf32>
    %get3A_22 = vector.extract %get3A_21[0, 0] : f32 from vector<1x1xf32>
    %add3A_23 = vector.broadcast %get3A_22 : f32 to vector<1000xf32>
    %add3A_24 = arith.addf %reduce_sum3A_18, %add3A_23 : vector<1000xf32>
    %broadcast_in_dim3A = vector.shape_cast %add3A_24 : vector<1000xf32> to vector<1000x1xf32>
    %swap3A = arith.constant 0 : index
    %swap3A_25 = arith.constant 0 : index
    %swap3A_26 = vector.load %arg6[%swap3A, %swap3A_25] : memref<1000x1xf32, #tpu.memory_space<vmem>>, vector<1000x1xf32>
    tpu.vector_store %arg6[%swap3A, %swap3A_25], %broadcast_in_dim3A {strides = array<i32>} : memref<1000x1xf32, #tpu.memory_space<vmem>>, vector<1000x1xf32>,
    return
  }
  func.func @transform_0(%arg0: i32) -> (i32, i32) {
    %c0_i32 = arith.constant 0 : i32
    %c0_i32_0 = arith.constant 0 : i32
    return %arg0, %c0_i32 : i32, i32
  }
  func.func @transform_1(%arg0: i32) -> (i32, i32) {
    %c0_i32 = arith.constant 0 : i32
    %c0_i32_0 = arith.constant 0 : i32
    return %arg0, %c0_i32 : i32, i32
  }
  func.func @transform_2(%arg0: i32) -> (i32, i32) {
    %c0_i32 = arith.constant 0 : i32
    %c0_i32_0 = arith.constant 0 : i32
    %c0_i32_1 = arith.constant 0 : i32
    return %c0_i32, %c0_i32_0 : i32, i32
  }
  func.func @transform_3(%arg0: i32) -> (i32, i32) {
    %c0_i32 = arith.constant 0 : i32
    %c0_i32_0 = arith.constant 0 : i32
    %c0_i32_1 = arith.constant 0 : i32
    return %c0_i32, %c0_i32_0 : i32, i32
  }
  func.func @transform_4(%arg0: i32) -> (i32, i32) {
    %c0_i32 = arith.constant 0 : i32
    %c0_i32_0 = arith.constant 0 : i32
    %c0_i32_1 = arith.constant 0 : i32
    return %c0_i32, %c0_i32_0 : i32, i32
  }
  func.func @transform_5(%arg0: i32) -> (i32, i32) {
    %c0_i32 = arith.constant 0 : i32
    %c0_i32_0 = arith.constant 0 : i32
    return %arg0, %c0_i32 : i32, i32
  }
}

</mosaic_0001>

<sc_bundles>
// kernel: kernel.10.cloned.1.call-start
scs
__scs_entry_jumppad:
0x0: {  	(pc) =	sbr.rel $0x88, $3  }
0x1: {  	(tag) =	ssettag $0x0;
	lr =	simm.s32 $0x1  }
0x2: {  	[smem:$0x3F91] =	sst lr;
	_ =	strace $0xD0000000  }
0x3: {  	_ = 	snop  }
0x4: {  	_ = 	snop  }
0x5: {  	_ = 	snop  }
0x6: {  	_ = 	snop  }
0x7: {  	_ = 	snop  }
__scs_overlays_trampoline_lowered:
0x8: {  	[smem:$0x3FA0] =	sst s0  }
0x9: {  	[smem:$0x3FA1] =	sst s1  }
0xa: {  	[smem:$0x3FA2] =	sst s2  }
0xb: {  	[smem:$0x3FA3] =	sst s3  }
0xc: {  	[smem:$0x3FA4] =	sst s4  }
0xd: {  	[smem:$0x3FA5] =	sst s5  }
0xe: {  	[smem:$0x3FA6] =	sst s6  }
0xf: {  	[smem:$0x3FA7] =	sst s7  }
0x10: {  	[smem:$0x3FA8] =	sst s8  }
0x11: {  	[smem:$0x3FA9] =	sst s9;
	s0 =	simm.s32 @!p0 $0x0  }
0x12: {  	s1 =	sld [smem:$0x3F8F];
	s0 =	simm.s32 @p0 $0x1  }
0x13: {  	[smem:$0x3FAA] =	sst s0;
	s0 =	simm.s32 @!p1 $0x0  }
0x14: {  	s2 =	sld [smem:$0x3F8E];
	s0 =	simm.s32 @p1 $0x1  }
0x15: {  	[smem:$0x3FAB] =	sst s0;
	s0 =	simm.s32 @!p2 $0x0  }
0x16: {  	s3 =	sld [smem:$0x3FDB];
	s0 =	simm.s32 @p2 $0x1  }
0x17: {  	s4 =	simm.s32 $0x1BF5;
	[smem:$0x3FAD] =	sst s0  }
0x18: {  	s0 =	sld [smem:$0x3F90];
	_ =	swait.ge [sflag:s4], $0x0  }
0x19: {  	s7 =	sld [smem:$0x3F91]  }
0x1a: {  	s8 =	sadd.s32 $0xFFFFE003, lr  }
0x1b: {  	s9 =	sadd.s32 $0xFFFFFEF7, lr;
	s5 =	simm.s32 $0xFFFFFFFF;
	p2 =	slt.u32 s8, $0xFFFFF086  }
0x1c: {  	p1 =	slt.u32 s9, $0xF7A;
	s5 =	simm.s32 @!p2 $0x0  }
0x1d: {  	s5 =	simm.s32 @p1 $0x1;
	p0 =	seq.s32 s7, s2  }
0x1e: {  	s7 =	smul.u32 @!p0 $0xF7A, s2;
	p2 =	seq.s32 @!p0 s5, $0x0  }
0x1f: {  	s9 =	smul.u32 $0xF7A, s1;
	s8 =	simm.s32 @!p0 $0x1BF5;
	p2 =	por !p2, p0  }
0x20: {  	[sflag:s8] =	ssyncset.s32 @!p0 $0xFFFFF086;
	s6 =	sadd.s32 @!p0 s3, s7;
	s7 =	simm.s32 @!p0 $0x108  }
0x21: {  	s3 =	sadd.s32 s3, s9;
	s6 =	sadd.s32 @!p0 $0x88, s6;
	s7 =	simm.s32 @p2 $0x1082  }
0x22: {  	[simem:s7], [sflag:s8] =	dma.local @!p0 [hbm:s6], $0xF7A  }
0x23: {  	s9 =	sor.u32 $0xD0000000, s2;
	s6 =	simm.s32 $0x108;
	_ =	swait.ge @!p0 [sflag:s8], $0x0  }
0x24: {  	s3 =	sadd.s32 $0x88, s3;
	s6 =	simm.s32 @!p1 $0x1082;
	[sflag:s4] =	ssyncset.s32 $0xFFFFF086  }
0x25: {  	[simem:s6], [sflag:s4] =	dma.local [hbm:s3], $0xF7A  }
0x26: {  	[smem:$0x3F91] =	sst s1;
	(tag) =	ssettag s2;
	_ =	strace s9  }
0x27: {  	s1 =	sld [smem:$0x3FA1]  }
0x28: {  	s2 =	sld [smem:$0x3FA2]  }
0x29: {  	s4 =	sld [smem:$0x3FA4]  }
0x2a: {  	p0 =	seq.s32 s5, $0x0;
	s5 =	sld [smem:$0x3FA5]  }
0x2b: {  	s6 =	sld [smem:$0x3FA6]  }
0x2c: {  	s7 =	sld [smem:$0x3FA7]  }
0x2d: {  	s3 =	simm.s32 $0x108;
	s8 =	sld [smem:$0x3FA8]  }
0x2e: {  	s3 =	simm.s32 @!p0 $0x1082;
	s9 =	sld [smem:$0x3FA9]  }
0x2f: {  	lr =	sadd.s32 s0, s3;
	s0 =	sld [smem:$0x3FA0]  }
0x30: {  	s3 =	sld [smem:$0x3FA3]  }
0x31: {  	[smem:$0x3FAC] =	sst s10  }
0x32: {  	s10 =	sld [smem:$0x3FAA];
	_ =	sdelay $0x3  }
0x33: {  	p0 =	seq.s32 s10, $0x1;
	s10 =	sld [smem:$0x3FAC];
	_ =	sdelay $0x3  }
0x34: {  	[smem:$0x3FAC] =	sst s10  }
0x35: {  	s10 =	sld [smem:$0x3FAB];
	_ =	sdelay $0x3  }
0x36: {  	p1 =	seq.s32 s10, $0x1;
	s10 =	sld [smem:$0x3FAC];
	_ =	sdelay $0x3  }
0x37: {  	[smem:$0x3FAC] =	sst s10  }
0x38: {  	s10 =	sld [smem:$0x3FAD]  }
0x39: {  	_ = 	snop;
	(pc) =	sbr.ind lr, $3  }
0x3a: {  	_ = 	snop  }
0x3b: {  	_ = 	snop  }
0x3c: {  	p2 =	seq.s32 s10, $0x1;
	s10 =	sld [smem:$0x3FAC]  }
0x3d: {  	_ =	shalt  }
0x3e: {  	_ =	shalt  }
0x3f: {  	_ =	shalt  }
0x40: {  	_ =	shalt  }
0x41: {  	_ =	shalt  }
0x42: {  	_ =	shalt  }
0x43: {  	_ =	shalt  }
0x44: {  	_ =	shalt  }
0x45: {  	_ =	shalt  }
0x46: {  	_ =	shalt  }
0x47: {  	_ =	shalt  }
0x48: {  	_ =	shalt  }
0x49: {  	_ =	shalt  }
0x4a: {  	_ =	shalt  }
0x4b: {  	_ =	shalt  }
0x4c: {  	_ =	shalt  }
0x4d: {  	_ =	shalt  }
0x4e: {  	_ =	shalt  }
0x4f: {  	_ =	shalt  }
0x50: {  	_ =	shalt  }
0x51: {  	_ =	shalt  }
0x52: {  	_ =	shalt  }
0x53: {  	_ =	shalt  }
0x54: {  	_ =	shalt  }
0x55: {  	_ =	shalt  }
0x56: {  	_ =	shalt  }
0x57: {  	_ =	shalt  }
0x58: {  	_ =	shalt  }
0x59: {  	_ =	shalt  }
0x5a: {  	_ =	shalt  }
0x5b: {  	_ =	shalt  }
0x5c: {  	_ =	shalt  }
0x5d: {  	_ =	shalt  }
0x5e: {  	_ =	shalt  }
0x5f: {  	_ =	shalt  }
0x60: {  	_ =	shalt  }
0x61: {  	_ =	shalt  }
0x62: {  	_ =	shalt  }
0x63: {  	_ =	shalt  }
0x64: {  	_ =	shalt  }
0x65: {  	_ =	shalt  }
0x66: {  	_ =	shalt  }
0x67: {  	_ =	shalt  }
0x68: {  	_ =	shalt  }
0x69: {  	_ =	shalt  }
0x6a: {  	_ =	shalt  }
0x6b: {  	_ =	shalt  }
0x6c: {  	_ =	shalt  }
0x6d: {  	_ =	shalt  }
0x6e: {  	_ =	shalt  }
0x6f: {  	_ =	shalt  }
0x70: {  	_ =	shalt  }
0x71: {  	_ =	shalt  }
0x72: {  	_ =	shalt  }
0x73: {  	_ =	shalt  }
0x74: {  	_ =	shalt  }
0x75: {  	_ =	shalt  }
0x76: {  	_ =	shalt  }
0x77: {  	_ =	shalt  }
0x78: {  	_ =	shalt  }
0x79: {  	_ =	shalt  }
0x7a: {  	_ =	shalt  }
0x7b: {  	_ =	shalt  }
0x7c: {  	_ =	shalt  }
0x7d: {  	_ =	shalt  }
0x7e: {  	_ =	shalt  }
0x7f: {  	_ =	shalt  }
0x80: {  	_ =	shalt  }
0x81: {  	_ =	shalt  }
0x82: {  	_ =	shalt  }
0x83: {  	_ =	shalt  }
0x84: {  	_ =	shalt  }
0x85: {  	_ =	shalt  }
0x86: {  	_ =	shalt  }
0x87: {  	_ =	shalt  }
.Lfunc_end0:
.L_simem_size_0:
called_computation.1_lowered:
.L_overlay_start_0:
0x88: {  	s2 =	sld [smem:$0x3FD9]  }
0x89: {  	s3 =	sld [smem:$0x3FFE];
	_ =	sdelay $0x1  }
0x8a: {  	s1 =	srdreg.scid  }
0x8b: {  	s0 =	sand.u32 $0x1, s1  }
0x8c: {  	s17 =	sshll.u32 s0, $0xA;
	s2 =	sadd.s32 s3, s2  }
0x8d: {  	s2 =	sadd.s32 s2, s17  }
0x8e: {  	[smem:$0x3FB8] =	sst s2  }
0x8f: {  	_ = 	snop  }
0x90: {  	s2 =	sld [smem:$0x3FC7]  }
0x91: {  	s18 =	sld [smem:$0x3FD0];
	(tm) =	ssettm $0x1  }
0x92: {  	s4 =	sld [smem:$0x3FFB];
	_ =	sdelay $0x3  }
0x93: {  	_ =	strace s4  }
0x94: {  	s4 =	sld [smem:$0x3FFC];
	_ =	sdelay $0x3  }
0x95: {  	_ =	strace s4  }
0x96: {  	s4 =	sld [smem:$0x3FFD];
	_ =	sdelay $0x3  }
0x97: {  	_ =	strace s4  }
0x98: {  	_ =	strace $0x8FFFFFFF  }
0x99: {  	s19 =	sld [smem:$0x3FDB];
	_ =	sdelay $0x1  }
0x9a: {  	s5 =	simm.s32 $_scs_section_size  }
0x9b: {  	s6 =	simm.s32 $_size__tile_overlayer_lowered;
	s7 =	simm.s32 $_tile_overlayer_lowered  }
0x9c: {  	s22 =	simm.s32 $0x1BFF;
	s21 =	sshll.u32 s7, $0x1;
	s4 =	sadd.s32 s5, s19  }
0x9d: {  	s8 =	simm.s32 $0x0;
	s20 =	sshll.u32 s6, $0x1;
	s6 =	sadd.s32 s21, s4  }
0x9e: {  	[timem:s8], [sflag:s22] =	dma.local [hbm:s6], s20  }
0x9f: {  	_ =	swait.ge [sflag:s22], s20  }
0xa0: {  	s5 =	ssub.s32 $0x0, s20;
	[sflag:s22] =	ssyncset.done $0x0  }
0xa1: {  	[sflag:s22] =	ssyncadd.s32 s5;
	_ =	sdelay $0x1  }
0xa2: {  	s23 =	simm.s32 $0x1B8B  }
0xa3: {  	_ =	swait.ge [sflag:s23], $0x1  }
0xa4: {  	[sflag:s23] =	ssyncset.done $0x0  }
0xa5: {  	s25 =	simm.s32 $0x1B8E;
	s24 =	sld [smem:$0x3FFE];
	[sflag:s23] =	ssyncadd.s32 $0xFFFFFFFF  }
0xa6: {  	s26 =	simm.s32 $execute0_lowered;
	[smem:$0x3FD2] =	sst s25  }
0xa7: {  	s6 =	sshll.u32 s26, $0x1;
	_ =	strace $0x80000049;
	[dreg:$0x1] =	wrdreg $0xFFFFFFFF  }
0xa8: {  	s28 =	simm.s32 $_size_execute0_lowered;
	s4 =	sadd.s32 s4, s6;
	[dreg:$0x0] =	wrdreg $0x0  }
0xa9: {  	s6 =	sshll.u32 s28, $0x1;
	[dreg:$0x2] =	wrdreg s4  }
0xaa: {  	[dreg:$0x3] =	wrdreg s6  }
0xab: {  	[dreg:$0x4] =	wrdreg $0xC0  }
0xac: {  	_ =	task [dreg:s8], $0x5FFFF  }
0xad: {  	[dreg:$0x1] =	wrdreg $0xFFFFFFFF  }
0xae: {  	[dreg:$0x0] =	wrdreg $0x60  }
0xaf: {  	[dreg:$0x2] =	wrdreg s24  }
0xb0: {  	[dreg:$0x3] =	wrdreg s2  }
0xb1: {  	[dreg:$0x4] =	wrdreg s18  }
0xb2: {  	[dreg:$0x5] =	wrdreg $0x34300  }
0xb3: {  	[dreg:$0x6] =	wrdreg $0x36A80  }
0xb4: {  	[dreg:$0x7] =	wrdreg $0x39200  }
0xb5: {  	[dreg:$0x8] =	wrdreg $0x3B980  }
0xb6: {  	[dreg:$0x9] =	wrdreg $0x9  }
0xb7: {  	_ =	task.clear_ibuf [dreg:s8], $0xAFFFF;
	_ =	strace $0x90000049  }
0xb8: {  	s29 =	simm.s32 $0x9;
	_ =	strace $0x8000004B  }
0xb9: {  	_ =	swait.ge [sflag:s29], $0x1  }
0xba: {  	[sflag:s29] =	ssyncadd.s32 $0xFFFFFFFF  }
0xbb: {  	_ =	strace $0x9000004B  }
0xbc: {  	_ =	sfence  }
0xbd: {  	s30 =	sld [smem:$0x0];
	_ =	sdelay $0x2  }
0xbe: {  	s31 =	sshll.u32 s1, $0xD;
	s1 =	sshrl.u32 s1, $0x2  }
0xbf: {  	s3 =	sand.u32 $0x4000, s31;
	s1 =	sadd.s32 s1, s30  }
0xc0: {  	s0 =	sor.u32 s3, s0;
	s1 =	sshll.u32 s1, $0x11  }
0xc1: {  	s0 =	sor.u32 s1, s0  }
0xc2: {  	s0 =	sadd.s32 $0x8F2B, s0  }
0xc3: {  	[sflag:s0] =	ssyncadd.remote.s32 $0x1  }
0xc4: {  	_ =	sfence.sel $0xFFFF  }
0xc5: {  	[dreg:$0x0] =	wrdreg $0xFFFFFFFF;
	(pc) =	sbr.abs _section_cstart, $3  }
0xc6: {  	[dreg:$0x1] =	wrdreg $0xFFFFFFFF  }
0xc7: {  	_ =	task.clear_ibuf [dreg:s8], $0x2FFFF;
	_ =	strace $0x9FFFFFFF  }
0xc8: {  	(tm) =	ssettm $0x7FFFFFFF  }
0xc9: {  	_ =	shalt  }
tec
execute0_lowered:
.L_overlay_start_1:
0x0: {  	(tag) =	ssettag $0x1  }
0x1: {  	s1 =	rddreg [dreg:$0x0]  }
0x2: {  	s0 =	rddreg [dreg:$0x1]  }
0x3: {  	s20 =	rddreg [dreg:$0x2]  }
0x4: {  	s3 =	rddreg [dreg:$0x3]  }
0x5: {  	s4 =	rddreg [dreg:$0x4]  }
0x6: {  	s5 =	rddreg [dreg:$0x5]  }
0x7: {  	s6 =	rddreg [dreg:$0x6]  }
0x8: {  	s7 =	simm.s32 $0x0;
	s22 =	stileid.u32;
	s11 =	srdreg.scid  }
0x9: {  	s30 =	simm.s32 $0xF0;
	s31 =	simm.s32 $0x1E0;
	[smem:$0x7FF] =	sst s7  }
0xa: {  	s8 =	sadd.s32 $0x76C00, s1;
	s9 =	sadd.s32 $0x63200, s1;
	s2 =	sadd.s32 $0x62C00, s1  }
0xb: {  	s21 =	sadd.s32 $0x62600, s1;
	s10 =	sadd.s32 $0x62000, s1;
	s12 =	smul.u32 $0x9C40, s22  }
0xc: {  	s13 =	sadd.s32 $0x400, s1;
	s11 =	sand.u32 $0x1, s11;
	s14 =	smul.u32 $0x64000, s22  }
0xd: {  	s15 =	sadd.s32 $0xB1800, s1;
	s19 =	smul.u32 $0x3200, s22;
	p0 =	seq.s32 s22, $0xF  }
0xe: {  	_ =	strace $0x8000004A;
	s16 =	ssub.s32 $0x2, s11;
	s17 =	smul.u32 $0x30D40, s11  }
0xf: {  	s29 =	smul.u32 $0x186A00, s11;
	p1 =	seq.s32 s11, $0x1;
	s18 =	sshrl.u32 s16, $0x1  }
0x10: {  	s14 =	sshrl.u32 s14, $0x2;
	s20 =	smov.u32 @p1 s2;
	s2 =	sadd.s32 $0x17A200, s6  }
0x11: {  	s21 =	smov.u32 @p1 s10;
	s10 =	sadd.s32 $0x17D400, s6;
	p1 =	sne.s32 s22, $0x0  }
0x12: {  	s16 =	ssub.s32 s16, s18;
	s28 =	sadd.s32 s14, s6;
	[dreg:$0x8] =	wrdreg s20  }
0x13: {  	s17 =	sadd.s32 s19, s17;
	s18 =	sshrl.u32 s29, $0x3;
	[dreg:$0x9] =	wrdreg s21  }
0x14: {  	s20 =	smul.u32 $0x9C400, s11;
	s21 =	sadd.s32 $0x8A600, s1;
	s14 =	sadd.s32 $0xC800, s28  }
0x15: {  	s23 =	sadd.s32 $0xFA00, s28;
	s19 =	sadd.s32 $0x12C00, s28;
	s17 =	sadd.s32 s15, s17  }
0x16: {  	s15 =	sadd.s32 s15, s18;
	s18 =	sadd.s32 $0x15E00, s28;
	[dreg:$0xa] =	wrdreg s28  }
0x17: {  	s16 =	smax.u32 s16, $0x1;
	s1 =	sadd.s32 $0x9600, s28;
	[dreg:$0xe] =	wrdreg s17  }
0x18: {  	s29 =	sadd.s32 $0x6400, s28;
	s14 =	smov.u32 @p0 s2;
	[dreg:$0x11] =	wrdreg s16  }
0x19: {  	s2 =	sadd.s32 $0x180600, s6;
	s23 =	smov.u32 @p0 s10;
	[dreg:$0x15] =	wrdreg s29  }
0x1a: {  	s17 =	smul.u32 $0x2710, s11;
	s15 =	sadd.s32 $0x2EE00, s15;
	[dreg:$0xb] =	wrdreg s14  }
0x1b: {  	s10 =	simm.s32 $0x230;
	s11 =	simm.s32 $0x50;
	[dreg:$0xc] =	wrdreg s23  }
0x1c: {  	s19 =	smov.u32 @p0 s2;
	s2 =	sadd.s32 $0x183800, s6;
	s14 =	smul.u32 $0x1388, s22  }
0x1d: {  	[dreg:$0x10] =	wrdreg s15;
	s23 =	sadd.s32 $0x3200, s28;
	s22 =	simm.s32 $0x1  }
0x1e: {  	s15 =	simm.s32 $0x0;
	[dreg:$0xd] =	wrdreg s19;
	s18 =	smov.u32 @p0 s2  }
0x1f: {  	s2 =	sadd.s32 $0x177000, s6;
	[dreg:$0x14] =	wrdreg s23;
	s23 =	simm.s32 $0x190  }
0x20: {  	[dreg:$0xf] =	wrdreg s18;
	s18 =	sadd.s32 s12, s20;
	s24 =	sadd.s32 s14, s9  }
0x21: {  	s25 =	sadd.s32 s14, s8;
	[dreg:$0x13] =	wrdreg s2;
	s1 =	smov.u32 @p0 s2  }
0x22: {  	s2 =	simm.s32 $0xA0;
	s19 =	sshrl.u32 s18, $0x3;
	[dreg:$0x12] =	wrdreg s1  }
0x23: {  	v1 =	vimm.f32 $0.0e+00;
	v0 =	vmov s17;
	s1 =	simm.s32 $0x2;
	s18 =	simm.s32 $0x140;
	s26 =	sadd.s32 s19, s21  }
.LBB2_1:
.Ltmp0:
0x24: {  	(pc) =	sbr.rel @p1 .LBB2_5-.Ltmp0, $1  }
0x25: {  	_ =	sdelay $0x3  }
0x26: {  	s16 =	sshrl.u32 s3, $0x3;
	s14 =	rddreg [dreg:$0x8];
	s17 =	simm.s32 $0x1C02  }
0x27: {  	[spmem:s16], [sflag:s17] =	dma.local [hbm:s14], $0x4E2  }
0x28: {  	_ =	swait.ge [sflag:s1], $0x4E2  }
0x29: {  	[sflag:s1] =	ssyncset.done $0x0  }
0x2a: {  	s14 =	sshrl.u32 s4, $0x3;
	s19 =	rddreg [dreg:$0x9];
	[sflag:s1] =	ssyncadd.s32 $0xFFFFFB1E  }
0x2b: {  	[spmem:s14], [sflag:s17] =	dma.local [hbm:s19], $0x4E2  }
0x2c: {  	_ =	swait.ge [sflag:s1], $0x4E2  }
0x2d: {  	[sflag:s1] =	ssyncset.done $0x0  }
0x2e: {  	[sflag:s1] =	ssyncadd.s32 $0xFFFFFB1E  }
0x2f: {  	[tilespmem:$0xA0] =	vst v1  }
0x30: {  	[tilespmem:$0xB0] =	vst v1  }
0x31: {  	[tilespmem:$0xC0] =	vst v1  }
0x32: {  	[tilespmem:$0xD0] =	vst v1  }
0x33: {  	s29 =	sadd.s32 $0x0, s5;
	[tilespmem:$0xE0] =	vst v1  }
0x34: {  	[spmem:s29] =	stream.linear.scatter [tilespmem:s2], [sflag:$0x2], $0x50, $0x38;
	[tilespmem:$0x1C238] =	vst v63  }
0x35: {  	s16 =	simm.s32 $0x140;
	_ =	swait.ge [sflag:s1], $0x50  }
.LBB2_3:
0x36: {  	s17 =	sshra.s32 s16, $0x2;
	[sflag:s1] =	ssyncset.done $0x0;
	p2 =	sne.s32 s16, $0x9B00  }
.Ltmp1:
0x37: {  	s17 =	sadd.s32 s17, s5;
	[sflag:s1] =	ssyncadd.s32 $0xFFFFFFB0;
	(pc) =	sbr.rel @p2 .LBB2_3-.Ltmp1, $3  }
0x38: {  	[spmem:s17] =	stream.linear.scatter [tilespmem:s2], [sflag:$0x2], $0x50, $0x38;
	[tilespmem:$0x1C238] =	vst v63  }
0x39: {  	s16 =	sadd.s32 $0x140, s16;
	_ =	sdelay $0x1  }
0x3a: {  	_ =	swait.ge [sflag:s1], $0x50  }
0x3b: {  	[sflag:s1] =	ssyncset.done $0x0  }
0x3c: {  	[sflag:s1] =	ssyncadd.s32 $0xFFFFFFB0  }
.LBB2_5:
0x3d: {  	s16 =	simm.s32 $0x0;
	s17 =	simm.s32 $0x280  }
.LBB2_6:
0x3e: {  	p2 =	sne.s32 s17, $0xC580;
	[tilespmem:s16+$0x2C0] =	vst v1  }
0x3f: {  	[tilespmem:s16+$0x230] =	vst v1  }
0x40: {  	[tilespmem:s16+$0x240] =	vst v1  }
0x41: {  	[tilespmem:s16+$0x250] =	vst v1  }
0x42: {  	[tilespmem:s16+$0x260] =	vst v1  }
.Ltmp2:
0x43: {  	[tilespmem:s16+$0x270] =	vst v1;
	(pc) =	sbr.rel @p2 .LBB2_6-.Ltmp2, $4  }
0x44: {  	[tilespmem:s16+$0x280] =	vst v1  }
0x45: {  	[tilespmem:s16+$0x290] =	vst v1  }
0x46: {  	[tilespmem:s16+$0x2A0] =	vst v1  }
0x47: {  	[tilespmem:s16+$0x2B0] =	vst v1;
	s16 =	sshra.s32 s17, $0x2;
	s17 =	sadd.s32 $0x280, s17  }
0x48: {  	[tilespmem:s16+$0x2C0] =	vst v1  }
0x49: {  	[tilespmem:s16+$0x230] =	vst v1  }
0x4a: {  	[tilespmem:s16+$0x240] =	vst v1  }
0x4b: {  	[tilespmem:s16+$0x250] =	vst v1  }
0x4c: {  	[tilespmem:s16+$0x260] =	vst v1  }
0x4d: {  	[tilespmem:s16+$0x270] =	vst v1  }
0x4e: {  	[tilespmem:s16+$0x280] =	vst v1  }
0x4f: {  	[tilespmem:s16+$0x290] =	vst v1  }
0x50: {  	[tilespmem:s16+$0x2A0] =	vst v1  }
0x51: {  	[tilespmem:s16+$0x2B0] =	vst v1;
	s16 =	simm.s32 @!p0 $0x230;
	s17 =	simm.s32 @!p0 $0x2  }
0x52: {  	[spmem:s28] =	stream.linear.scatter @!p0 [tilespmem:s16], [sflag:$0x2], $0x3200, $0x38;
	[tilespmem:$0x1C238] =	vst v63  }
0x53: {  	_ =	swait.ge @!p0 [sflag:s17], $0x3200  }
0x54: {  	[sflag:s17] =	ssyncset.done @!p0 $0x0  }
0x55: {  	s14 =	rddreg [dreg:$0x14];
	[sflag:s17] =	ssyncadd.s32 @!p0 $0xFFFFCE00  }
0x56: {  	[spmem:s14] =	stream.linear.scatter @!p0 [tilespmem:s16], [sflag:$0x2], $0x3200, $0x38;
	[tilespmem:$0x1C238] =	vst v63  }
0x57: {  	_ =	swait.ge @!p0 [sflag:s17], $0x3200  }
0x58: {  	[sflag:s17] =	ssyncset.done @!p0 $0x0  }
0x59: {  	s14 =	rddreg [dreg:$0x15];
	[sflag:s17] =	ssyncadd.s32 @!p0 $0xFFFFCE00  }
0x5a: {  	[spmem:s14] =	stream.linear.scatter @!p0 [tilespmem:s16], [sflag:$0x2], $0x3200, $0x38;
	[tilespmem:$0x1C238] =	vst v63  }
0x5b: {  	_ =	swait.ge @!p0 [sflag:s17], $0x3200  }
0x5c: {  	[sflag:s17] =	ssyncset.done @!p0 $0x0  }
0x5d: {  	s28 =	rddreg [dreg:$0x12];
	[sflag:s17] =	ssyncadd.s32 @!p0 $0xFFFFCE00  }
0x5e: {  	[spmem:s28] =	stream.linear.scatter [tilespmem:s10], [sflag:$0x2], $0x3200, $0x38;
	[tilespmem:$0x1C238] =	vst v63  }
0x5f: {  	_ =	swait.ge [sflag:s1], $0x3200  }
0x60: {  	[sflag:s1] =	ssyncset.done $0x0  }
0x61: {  	s29 =	rddreg [dreg:$0xb];
	[sflag:s1] =	ssyncadd.s32 $0xFFFFCE00  }
0x62: {  	[spmem:s29] =	stream.linear.scatter [tilespmem:s10], [sflag:$0x2], $0x3200, $0x38;
	[tilespmem:$0x1C238] =	vst v63  }
0x63: {  	_ =	swait.ge [sflag:s1], $0x3200  }
0x64: {  	[sflag:s1] =	ssyncset.done $0x0  }
0x65: {  	s16 =	rddreg [dreg:$0xc];
	[sflag:s1] =	ssyncadd.s32 $0xFFFFCE00  }
0x66: {  	[spmem:s16] =	stream.linear.scatter [tilespmem:s10], [sflag:$0x2], $0x3200, $0x38;
	[tilespmem:$0x1C238] =	vst v63  }
0x67: {  	_ =	swait.ge [sflag:s1], $0x3200  }
0x68: {  	[sflag:s1] =	ssyncset.done $0x0  }
0x69: {  	s17 =	rddreg [dreg:$0xd];
	[sflag:s1] =	ssyncadd.s32 $0xFFFFCE00  }
0x6a: {  	[spmem:s17] =	stream.linear.scatter [tilespmem:s10], [sflag:$0x2], $0x3200, $0x38;
	[tilespmem:$0x1C238] =	vst v63  }
0x6b: {  	_ =	swait.ge [sflag:s1], $0x3200  }
0x6c: {  	[sflag:s1] =	ssyncset.done $0x0  }
0x6d: {  	s19 =	rddreg [dreg:$0xf];
	[sflag:s1] =	ssyncadd.s32 $0xFFFFCE00  }
0x6e: {  	[spmem:s19] =	stream.linear.scatter [tilespmem:s10], [sflag:$0x2], $0x3200, $0x38;
	[tilespmem:$0x1C238] =	vst v63  }
0x6f: {  	_ =	swait.ge [sflag:s1], $0x3200  }
0x70: {  	[sflag:s1] =	ssyncset.done $0x0  }
0x71: {  	[sflag:s1] =	ssyncadd.s32 $0xFFFFCE00  }
0x72: {  	s28 =	sadd.s32 $0x0, s25;
	[bflag:$0x0] =	sbarrier.arrive $0xFFFF  }
0x73: {  	[tilespmem:s7], [sflag:$0x2] =	stream.linear.gather [hbm4b:s28+s7], $0x50, $0x38;
	[tilespmem:$0x1C238] =	vst v63  }
0x74: {  	_ =	swait.ge [sflag:s1], $0x50  }
0x75: {  	[sflag:s1] =	ssyncset.done $0x0  }
0x76: {  	s29 =	sadd.s32 $0x0, s24;
	[sflag:s1] =	ssyncadd.s32 $0xFFFFFFB0  }
0x77: {  	[tilespmem:s11], [sflag:$0x2] =	stream.linear.gather [hbm4b:s29+s7], $0x50, $0x38;
	[tilespmem:$0x1C238] =	vst v63  }
0x78: {  	_ =	swait.ge [sflag:s1], $0x50  }
0x79: {  	[sflag:s1] =	ssyncset.done $0x0  }
0x7a: {  	[sflag:s1] =	ssyncadd.s32 $0xFFFFFFB0  }
0x7b: {  	[tilespmem:s18], [sflag:$0x1] =	stream.indirect.gather [spmem:s3], $0x1, s7, s11, $0xb8;
	[tilespmem:$0x1C238] =	vst v63  }
0x7c: {  	_ =	swait.ge [sflag:s22], $0x50  }
0x7d: {  	[sflag:s22] =	ssyncset.done $0x0  }
0x7e: {  	[sflag:s22] =	ssyncadd.s32 $0xFFFFFFB0  }
0x7f: {  	[tilespmem:s23], [sflag:$0x1] =	stream.indirect.gather [spmem:s4], $0x1, s11, s11, $0xb8;
	[tilespmem:$0x1C238] =	vst v63  }
0x80: {  	_ =	swait.ge [sflag:s22], $0x50  }
0x81: {  	[sflag:s22] =	ssyncset.done $0x0  }
0x82: {  	[sflag:s22] =	ssyncadd.s32 $0xFFFFFFB0  }
0x83: {  	v2 =	vld [tilespmem:$0x1A0]  }
0x84: {  	v3 =	vld [tilespmem:$0x140]  }
0x85: {  	v4 =	vld [tilespmem:$0x1B0]  }
0x86: {  	v5 =	vld [tilespmem:$0x150]  }
0x87: {  	v6 =	vld [tilespmem:$0x1C0]  }
0x88: {  	v7 =	vld [tilespmem:$0x170]  }
0x89: {  	v8 =	vld [tilespmem:$0x160]  }
0x8a: {  	v9 =	vld [tilespmem:$0x190];
	_ =	sdelay $0x3  }
0x8b: {  	v10 =	vld [tilespmem:$0x1D0];
	v2 =	vadd.f32 v2, v5;
	v4 =	vadd.f32 v4, v8  }
0x8c: {  	v5 =	vld [tilespmem:$0x180];
	v6 =	vadd.f32 v6, v7;
	v7 =	vadd.f32 v9, v3  }
0x8d: {  	v11 =	vmul.f32 $2.000000030e-01, v2;
	vm0 =	vgt.f32 v2, $0.0e+00;
	v63 =	vmul.f32 $2.000000030e-01, v4  }
0x8e: {  	v3 =	vmul.f32 $2.000000030e-01, v6;
	v8 =	vmul.f32 $2.000000030e-01, v7;
	vm1 =	vgt.f32 v4, $0.0e+00  }
0x8f: {  	v2 =	vsel vm0, v2, v11;
	vm0 =	vgt.f32 v6, $0.0e+00;
	v4 =	vsel vm1, v4, v63  }
0x90: {  	v2 =	vmul.f32 $1.442695020e+00, v2;
	v6 =	vsel vm0, v6, v3;
	vm0 =	vgt.f32 v7, $0.0e+00  }
0x91: {  	v3 =	vadd.f32 v10, v5;
	v5 =	vsel vm0, v7, v8;
	v7 =	vmul.f32 $1.442695020e+00, v6  }
0x92: {  	v4 =	vmul.f32 $1.442695020e+00, v4;
	v5 =	vmul.f32 $1.442695020e+00, v5  }
0x93: {  	s16 =	simm.s32 $0x0;
	s17 =	simm.s32 $0xA;
	vm0 =	vgt.f32 v3, $0.0e+00;
	v6 =	vmul.f32 $2.000000030e-01, v3;
	(erf) = vpow2.f32 v7  }
.LBB2_8:
0x94: {  	p2 =	sne.s32 s17, $0x137E;
	s19 =	smov.u32 s17;
	s17 =	sadd.s32 $0xA, s17  }
0x95: {  	v3 =	vsel vm0, v3, v6;
	(erf) = vpow2.f32 v5  }
0x96: {  	v3 =	vmul.f32 $1.442695020e+00, v3;
	(erf) = vpow2.f32 v2  }
0x97: {  	(erf) = vpow2.f32 v4  }
0x98: {  	(erf) = vpow2.f32 v3;
	_ =	sdelay $0x3  }
0x99: {  	v2 =	vpop (erf)  }
0x9a: {  	[tilespmem:$0x120] =	vst v2  }
0x9b: {  	v2 =	vpop (erf)  }
0x9c: {  	[tilespmem:$0xF0] =	vst v2;
	v2 =	vpop (erf)  }
0x9d: {  	[tilespmem:$0x100] =	vst v2;
	v2 =	vpop (erf)  }
0x9e: {  	[tilespmem:$0x110] =	vst v2;
	v2 =	vpop (erf)  }
0x9f: {  	[tilespmem:$0x130] =	vst v2  }
0xa0: {  	[spmem:s5] =	stream.indirect.scatter.add.f32 [tilespmem:s30], [sflag:$0x2], $0x1, s11, s11, $0xb8;
	[tilespmem:$0x1C238] =	vst v63  }
0xa1: {  	_ =	swait.ge [sflag:s1], $0x50  }
0xa2: {  	[sflag:s1] =	ssyncset.done $0x0  }
0xa3: {  	s28 =	sadd.s32 s16, s26;
	s16 =	smov.u32 s19;
	[sflag:s1] =	ssyncadd.s32 $0xFFFFFFB0  }
0xa4: {  	[hbm4b:s28+s7] =	stream.linear.scatter [tilespmem:s30], [sflag:$0x2], $0x50, $0x38;
	[tilespmem:$0x1C238] =	vst v63  }
0xa5: {  	_ =	swait.ge [sflag:s1], $0x50  }
0xa6: {  	[sflag:s1] =	ssyncset.done $0x0  }
0xa7: {  	s19 =	sadd.s32 s16, s25;
	[sflag:s1] =	ssyncadd.s32 $0xFFFFFFB0  }
0xa8: {  	[tilespmem:s7], [sflag:$0x2] =	stream.linear.gather [hbm4b:s19+s7], $0x50, $0x38;
	[tilespmem:$0x1C238] =	vst v63  }
0xa9: {  	_ =	swait.ge [sflag:s1], $0x50  }
0xaa: {  	[sflag:s1] =	ssyncset.done $0x0  }
0xab: {  	s19 =	sadd.s32 s16, s24;
	[sflag:s1] =	ssyncadd.s32 $0xFFFFFFB0  }
0xac: {  	[tilespmem:s11], [sflag:$0x2] =	stream.linear.gather [hbm4b:s19+s7], $0x50, $0x38;
	[tilespmem:$0x1C238] =	vst v63  }
0xad: {  	_ =	swait.ge [sflag:s1], $0x50  }
0xae: {  	[sflag:s1] =	ssyncset.done $0x0  }
0xaf: {  	[sflag:s1] =	ssyncadd.s32 $0xFFFFFFB0  }
0xb0: {  	[tilespmem:s18], [sflag:$0x1] =	stream.indirect.gather [spmem:s3], $0x1, s7, s11, $0xb8;
	[tilespmem:$0x1C238] =	vst v63  }
0xb1: {  	_ =	swait.ge [sflag:s22], $0x50  }
0xb2: {  	[sflag:s22] =	ssyncset.done $0x0  }
0xb3: {  	[sflag:s22] =	ssyncadd.s32 $0xFFFFFFB0  }
0xb4: {  	[tilespmem:s23], [sflag:$0x1] =	stream.indirect.gather [spmem:s4], $0x1, s11, s11, $0xb8;
	[tilespmem:$0x1C238] =	vst v63  }
0xb5: {  	_ =	swait.ge [sflag:s22], $0x50  }
0xb6: {  	[sflag:s22] =	ssyncset.done $0x0  }
0xb7: {  	[sflag:s22] =	ssyncadd.s32 $0xFFFFFFB0  }
0xb8: {  	v2 =	vld [tilespmem:$0x1A0]  }
0xb9: {  	v3 =	vld [tilespmem:$0x140]  }
0xba: {  	v4 =	vld [tilespmem:$0x1B0]  }
0xbb: {  	v5 =	vld [tilespmem:$0x150]  }
0xbc: {  	v6 =	vld [tilespmem:$0x1C0]  }
0xbd: {  	v7 =	vld [tilespmem:$0x170]  }
0xbe: {  	v8 =	vld [tilespmem:$0x160]  }
0xbf: {  	v9 =	vld [tilespmem:$0x190]  }
0xc0: {  	v2 =	vadd.f32 v2, v5;
	v5 =	vld [tilespmem:$0x180]  }
0xc1: {  	v10 =	vld [tilespmem:$0x1D0]  }
0xc2: {  	vm0 =	vgt.f32 v2, $0.0e+00;
	v11 =	vmul.f32 $2.000000030e-01, v2;
	v6 =	vadd.f32 v6, v7  }
0xc3: {  	v4 =	vadd.f32 v4, v8  }
0xc4: {  	v7 =	vadd.f32 v9, v3;
	v2 =	vsel vm0, v2, v11;
	v3 =	vmul.f32 $2.000000030e-01, v6  }
0xc5: {  	vm0 =	vgt.f32 v6, $0.0e+00;
	v2 =	vmul.f32 $1.442695020e+00, v2  }
.Ltmp3:
0xc6: {  	v9 =	vmul.f32 $2.000000030e-01, v4;
	v8 =	vmul.f32 $2.000000030e-01, v7;
	v6 =	vsel vm0, v6, v3;
	(pc) =	sbr.rel @p2 .LBB2_8-.Ltmp3, $4  }
0xc7: {  	vm1 =	vgt.f32 v4, $0.0e+00;
	vm0 =	vgt.f32 v7, $0.0e+00;
	v3 =	vadd.f32 v10, v5  }
0xc8: {  	v4 =	vsel vm1, v4, v9;
	v5 =	vsel vm0, v7, v8;
	v7 =	vmul.f32 $1.442695020e+00, v6  }
0xc9: {  	v4 =	vmul.f32 $1.442695020e+00, v4;
	vm0 =	vgt.f32 v3, $0.0e+00;
	v5 =	vmul.f32 $1.442695020e+00, v5  }
0xca: {  	v6 =	vmul.f32 $2.000000030e-01, v3;
	(erf) = vpow2.f32 v7  }
0xcb: {  	_ = 	snop  }
0xcc: {  	(erf) = vpow2.f32 v5;
	v3 =	vsel vm0, v3, v6  }
0xcd: {  	(erf) = vpow2.f32 v2;
	v3 =	vmul.f32 $1.442695020e+00, v3  }
0xce: {  	(erf) = vpow2.f32 v4  }
0xcf: {  	(erf) = vpow2.f32 v3;
	_ =	sdelay $0x4  }
0xd0: {  	v2 =	vpop (erf)  }
0xd1: {  	[tilespmem:$0x120] =	vst v2;
	v2 =	vpop (erf)  }
0xd2: {  	[tilespmem:$0xF0] =	vst v2;
	v2 =	vpop (erf)  }
0xd3: {  	[tilespmem:$0x100] =	vst v2;
	v2 =	vpop (erf)  }
0xd4: {  	[tilespmem:$0x110] =	vst v2;
	v2 =	vpop (erf)  }
0xd5: {  	[tilespmem:$0x130] =	vst v2  }
0xd6: {  	[spmem:s5] =	stream.indirect.scatter.add.f32 [tilespmem:s30], [sflag:$0x2], $0x1, s11, s11, $0xb8;
	[tilespmem:$0x1C238] =	vst v63  }
0xd7: {  	_ =	swait.ge [sflag:s1], $0x50  }
0xd8: {  	[sflag:s1] =	ssyncset.done $0x0  }
0xd9: {  	s16 =	sadd.s32 s16, s26;
	[sflag:s1] =	ssyncadd.s32 $0xFFFFFFB0  }
0xda: {  	[hbm4b:s16+s7] =	stream.linear.scatter [tilespmem:s30], [sflag:$0x2], $0x50, $0x38;
	[tilespmem:$0x1C238] =	vst v63  }
0xdb: {  	_ =	swait.ge [sflag:s1], $0x50  }
0xdc: {  	[sflag:s1] =	ssyncset.done $0x0  }
0xdd: {  	[sflag:s1] =	ssyncadd.s32 $0xFFFFFFB0  }
0xde: {  	s17 =	simm.s32 $0x0;
	s16 =	simm.s32 $0x0;
	[bflag:$0x0] =	sbarrier.arrive $0xFFFF  }
.LBB2_10:
0xdf: {  	s19 =	smul.u32 $0x50, s17;
	_ =	sdelay $0x1  }
0xe0: {  	s19 =	sadd.s32 s12, s19  }
0xe1: {  	s28 =	sshrl.u32 s19, $0x3  }
0xe2: {  	s29 =	sadd.s32 s8, s28  }
0xe3: {  	[tilespmem:s16], [sflag:$0x2] =	stream.linear.gather [hbm4b:s29+s16], $0x50, $0x38;
	[tilespmem:$0x1C238] =	vst v63  }
0xe4: {  	_ =	swait.ge [sflag:s1], $0x50  }
0xe5: {  	[sflag:s1] =	ssyncset.done $0x0  }
0xe6: {  	s29 =	sadd.s32 s9, s28;
	[sflag:s1] =	ssyncadd.s32 $0xFFFFFFB0  }
0xe7: {  	[tilespmem:s11], [sflag:$0x2] =	stream.linear.gather [hbm4b:s29+s16], $0x50, $0x38;
	[tilespmem:$0x1C238] =	vst v63  }
0xe8: {  	_ =	swait.ge [sflag:s1], $0x50  }
0xe9: {  	[sflag:s1] =	ssyncset.done $0x0  }
0xea: {  	s28 =	sadd.s32 s0, s28;
	[sflag:s1] =	ssyncadd.s32 $0xFFFFFFB0  }
0xeb: {  	[tilespmem:s2], [sflag:$0x2] =	stream.linear.gather [hbm4b:s28+s16], $0x50, $0x38;
	[tilespmem:$0x1C238] =	vst v63  }
0xec: {  	s19 =	sadd.s32 s20, s19;
	_ =	swait.ge [sflag:s1], $0x50  }
0xed: {  	s19 =	sshrl.u32 s19, $0x3;
	[sflag:s1] =	ssyncset.done $0x0  }
0xee: {  	s19 =	sadd.s32 s21, s19;
	[sflag:s1] =	ssyncadd.s32 $0xFFFFFFB0  }
0xef: {  	[tilespmem:s30], [sflag:$0x2] =	stream.linear.gather [hbm4b:s19+s16], $0x50, $0x38;
	[tilespmem:$0x1C238] =	vst v63  }
0xf0: {  	_ =	swait.ge [sflag:s1], $0x50  }
0xf1: {  	[sflag:s1] =	ssyncset.done $0x0  }
0xf2: {  	[sflag:s1] =	ssyncadd.s32 $0xFFFFFFB0  }
0xf3: {  	[tilespmem:s31], [sflag:$0x1] =	stream.indirect.gather [spmem:s5], $0x1, s11, s11, $0xb8;
	[tilespmem:$0x1C238] =	vst v63  }
0xf4: {  	_ =	swait.ge [sflag:s22], $0x50  }
0xf5: {  	[sflag:s22] =	ssyncset.done $0x0  }
0xf6: {  	[sflag:s22] =	ssyncadd.s32 $0xFFFFFFB0  }
0xf7: {  	v2 =	vld [tilespmem:$0x1E0];
	_ =	sdelay $0x1  }
0xf8: {  	v3 =	vld [tilespmem:$0x1F0];
	_ =	sdelay $0x1  }
0xf9: {  	v4 =	vld [tilespmem:$0x200]  }
0xfa: {  	v2 =	vadd.f32 $1.000000020e-16, v2  }
0xfb: {  	v5 =	vld [tilespmem:$0x210]  }
0xfc: {  	(erf) = vrcp.f32 v2;
	v2 =	vadd.f32 $1.000000020e-16, v3  }
0xfd: {  	v3 =	vld [tilespmem:$0x220]  }
0xfe: {  	(erf) = vrcp.f32 v2;
	v2 =	vadd.f32 $1.000000020e-16, v4  }
0xff: {  	v6 =	vld [tilespmem:$0xF0]  }
0x100: {  	v7 =	vld [tilespmem:$0x0];
	(erf) = vrcp.f32 v2;
	v2 =	vadd.f32 $1.000000020e-16, v5  }
0x101: {  	v8 =	vld [tilespmem:$0xB0]  }
0x102: {  	v9 =	vld [tilespmem:$0x110];
	(erf) = vrcp.f32 v2;
	v2 =	vadd.f32 $1.000000020e-16, v3  }
0x103: {  	v4 =	vld [tilespmem:$0xA0]  }
0x104: {  	v5 =	vld [tilespmem:$0x100]  }
0x105: {  	v3 =	vld [tilespmem:$0x10];
	(erf) = vrcp.f32 v2  }
0x106: {  	v10 =	vld [tilespmem:$0xC0];
	v2 =	vpop (erf)  }
0x107: {  	v12 =	vld [tilespmem:$0x120];
	v2 =	vmul.f32 v2, v6  }
0x108: {  	v13 =	vld [tilespmem:$0x130];
	v11 =	vpop (erf)  }
0x109: {  	v6 =	vld [tilespmem:$0x20];
	v2 =	vmul.f32 v2, v4;
	v4 =	vmul.f32 v11, v5  }
0x10a: {  	v3 =	vadd.s32 v0, v3;
	v5 =	vld [tilespmem:$0xD0];
	v11 =	vpop (erf)  }
0x10b: {  	[tilespmem:$0xF0] =	vst v2;
	v2 =	vadd.s32 v0, v7;
	v4 =	vmul.f32 v4, v8;
	v7 =	vmul.f32 v11, v9;
	v8 =	vld [tilespmem:$0x30]  }
0x10c: {  	v9 =	vpop (erf);
	[tilespmem:$0x0] =	vst v2;
	v2 =	vld [tilespmem:$0xE0]  }
0x10d: {  	[tilespmem:$0x100] =	vst v4;
	v4 =	vmul.f32 v7, v10;
	v7 =	vmul.f32 v9, v12  }
0x10e: {  	[tilespmem:$0x10] =	vst v3;
	v3 =	vpop (erf);
	v9 =	vld [tilespmem:$0x40]  }
0x10f: {  	v3 =	vmul.f32 v3, v13;
	[tilespmem:$0x110] =	vst v4;
	v4 =	vadd.s32 v0, v6;
	v5 =	vmul.f32 v7, v5  }
0x110: {  	[tilespmem:$0x20] =	vst v4  }
0x111: {  	v4 =	vadd.s32 v0, v8;
	[tilespmem:$0x120] =	vst v5;
	v2 =	vmul.f32 v3, v2  }
0x112: {  	[tilespmem:$0x30] =	vst v4  }
0x113: {  	[tilespmem:$0x130] =	vst v2;
	v2 =	vadd.s32 v0, v9  }
0x114: {  	[tilespmem:$0x40] =	vst v2  }
0x115: {  	[tilespmem:s10], [sflag:$0x1] =	stream.indirect.gather [hbm4b:s13+s11], $0xA0, s16, s11, $0xb8;
	[tilespmem:$0x1C238] =	vst v63  }
0x116: {  	_ =	swait.ge [sflag:s22], $0x3200  }
0x117: {  	[sflag:s22] =	ssyncset.done $0x0  }
0x118: {  	s19 =	simm.s32 $0x280;
	v3 =	vmov s16;
	[sflag:s22] =	ssyncadd.s32 $0xFFFFCE00  }
0x119: {  	v2 =	vld [tilespmem:s19+$0xFFFFFFF0]  }
0x11a: {  	v8 =	vld [tilespmem:s19+$0x40]  }
0x11b: {  	v11 =	vld [tilespmem:s19+$0x20]  }
0x11c: {  	v9 =	vld [tilespmem:s19+$0xFFFFFFB0]  }
0x11d: {  	v3 =	vld.idx.msk [tilespmem:v3+s30+$0x0], $0xffff  }
0x11e: {  	v13 =	vld [tilespmem:s19+$0xFFFFFFD0]  }
0x11f: {  	v5 =	vld [tilespmem:s19+$0x0]  }
0x120: {  	v4 =	vld [tilespmem:s19+$0x30]  }
0x121: {  	v7 =	vld [tilespmem:s19+$0xFFFFFFC0]  }
0x122: {  	v6 =	vld [tilespmem:s19+$0xFFFFFFE0]  }
0x123: {  	v10 =	vmul.f32 v9, v3;
	v12 =	vmul.f32 v8, v3;
	v8 =	vld [tilespmem:s19+$0x10]  }
0x124: {  	s29 =	simm.s32 $0x1;
	s28 =	simm.s32 $0x280;
	v9 =	vmul.f32 v13, v3;
	v11 =	vmul.f32 v11, v3  }
.LBB2_11:
0x125: {  	p2 =	sne.s32 s29, $0x4F  }
0x126: {  	v7 =	vmul.f32 v7, v3;
	v5 =	vmul.f32 v5, v3;
	[tilespmem:s19+$0x40] =	vst v12;
	s28 =	sadd.s32 $0xA0, s28;
	s14 =	smov.u32 s29;
	s29 =	sadd.s32 $0x1, s29  }
0x127: {  	[tilespmem:s19+$0xFFFFFFB0] =	vst v10;
	v6 =	vmul.f32 v6, v3;
	v10 =	vmul.f32 v2, v3  }
0x128: {  	v8 =	vmul.f32 v8, v3;
	[tilespmem:s19+$0x20] =	vst v11;
	v3 =	vmul.f32 v4, v3  }
0x129: {  	[tilespmem:s19+$0x0] =	vst v5  }
0x12a: {  	[tilespmem:s19+$0xFFFFFFD0] =	vst v9  }
0x12b: {  	v4 =	vmov s14;
	v2 =	vld [tilespmem:s28+$0xFFFFFFF0];
	[tilespmem:s19+$0xFFFFFFF0] =	vst v10  }
0x12c: {  	v9 =	vld [tilespmem:s28+$0x40];
	[tilespmem:s19+$0x30] =	vst v3  }
0x12d: {  	v5 =	vld [tilespmem:s28+$0x0];
	[tilespmem:s19+$0x10] =	vst v8  }
0x12e: {  	v11 =	vld [tilespmem:s28+$0x20];
	[tilespmem:s19+$0xFFFFFFE0] =	vst v6  }
0x12f: {  	v10 =	vld [tilespmem:s28+$0xFFFFFFB0];
	[tilespmem:s19+$0xFFFFFFC0] =	vst v7;
	s19 =	smov.u32 s28  }
0x130: {  	v3 =	vld.idx.msk [tilespmem:v4+s30+$0x0], $0xffff  }
0x131: {  	v4 =	vld [tilespmem:s28+$0x30]  }
0x132: {  	v13 =	vld [tilespmem:s28+$0xFFFFFFD0]  }
.Ltmp4:
0x133: {  	v7 =	vld [tilespmem:s28+$0xFFFFFFC0];
	(pc) =	sbr.rel @p2 .LBB2_11-.Ltmp4, $4  }
0x134: {  	v6 =	vld [tilespmem:s28+$0xFFFFFFE0]  }
0x135: {  	v8 =	vld [tilespmem:s28+$0x10]  }
0x136: {  	v10 =	vmul.f32 v10, v3;
	v12 =	vmul.f32 v9, v3  }
0x137: {  	v11 =	vmul.f32 v11, v3;
	v9 =	vmul.f32 v13, v3  }
0x138: {  	[tilespmem:s19+$0x40] =	vst v12  }
0x139: {  	[tilespmem:s19+$0xFFFFFFB0] =	vst v10  }
0x13a: {  	v5 =	vmul.f32 v5, v3;
	[tilespmem:s19+$0x20] =	vst v11  }
0x13b: {  	v2 =	vmul.f32 v2, v3;
	[tilespmem:s19+$0xFFFFFFD0] =	vst v9  }
0x13c: {  	v4 =	vmul.f32 v4, v3;
	[tilespmem:s19+$0x0] =	vst v5  }
0x13d: {  	v63 =	vmul.f32 v8, v3;
	[tilespmem:s19+$0xFFFFFFF0] =	vst v2  }
0x13e: {  	v2 =	vmul.f32 v6, v3;
	[tilespmem:s19+$0x30] =	vst v4  }
0x13f: {  	s17 =	sadd.s32 $0x1, s17;
	v3 =	vmul.f32 v7, v3;
	[tilespmem:s19+$0x10] =	vst v63  }
0x140: {  	p2 =	sne.s32 s17, $0x1F4;
	[tilespmem:s19+$0xFFFFFFE0] =	vst v2  }
.Ltmp5:
0x141: {  	[tilespmem:s19+$0xFFFFFFC0] =	vst v3;
	(pc) =	sbr.rel @p2 .LBB2_10-.Ltmp5, $4  }
0x142: {  	[spmem:s6] =	stream.indirect.scatter.add.f32 [tilespmem:s10], [sflag:$0x2], $0xA0, s11, s11, $0xb8;
	[tilespmem:$0x1C238] =	vst v63  }
0x143: {  	_ =	swait.ge [sflag:s1], $0x3200  }
0x144: {  	[sflag:s1] =	ssyncset.done $0x0  }
0x145: {  	[sflag:s1] =	ssyncadd.s32 $0xFFFFCE00  }
0x146: {  	[bflag:$0x0] =	sbarrier.arrive $0xFFFF  }
0x147: {  	s14 =	rddreg [dreg:$0x13]  }
0x148: {  	s16 =	simm.s32 @p0 $0x1FC2;
	s17 =	rddreg [dreg:$0x10];
	s14 =	sshrl.u32 @p0 s14, $0x3  }
0x149: {  	[hbm:s17], [sflag:s16] =	dma.local @p0 [spmem:s14], $0x1F40  }
0x14a: {  	s14 =	simm.s32 @p0 $0x2  }
0x14b: {  	_ =	swait.ge @p0 [sflag:s14], $0x1F40  }
0x14c: {  	s16 =	stileid.u32;
	s28 =	rddreg [dreg:$0xa]  }
0x14d: {  	s16 =	sshll.u32 @!p0 s16, $0x6;
	[sflag:s14] =	ssyncset.done @p0 $0x0;
	s17 =	rddreg [dreg:$0xe]  }
0x14e: {  	[sflag:s14] =	ssyncadd.s32 @p0 $0xFFFFE0C0;
	s14 =	sor.u32 @!p0 $0x1C02, s16;
	s16 =	sshrl.u32 @!p0 s28, $0x3  }
0x14f: {  	[hbm:s17], [sflag:s14] =	dma.local @!p0 [spmem:s16], $0x3200  }
0x150: {  	s14 =	simm.s32 @!p0 $0x2  }
0x151: {  	_ =	swait.ge @!p0 [sflag:s14], $0x3200  }
0x152: {  	s15 =	sadd.s32 $0x1, s15;
	s29 =	rddreg [dreg:$0x11]  }
0x153: {  	p2 =	sne.s32 s15, s29  }
.Ltmp6:
0x154: {  	_ = 	snop;
	(pc) =	sbr.rel @p2 .LBB2_1-.Ltmp6, $3  }
0x155: {  	_ =	sdelay $0x1  }
0x156: {  	[sflag:s14] =	ssyncset.done @!p0 $0x0  }
0x157: {  	[sflag:s14] =	ssyncadd.s32 @!p0 $0xFFFFCE00  }
0x158: {  	_ =	sfence.sel $0x180000  }
0x159: {  	[bflag:$0x0] =	sbarrier.arrive $0xFFFF  }
0x15a: {  	_ =	strace $0x9000004A  }
0x15b: {  	[bflag:$0x2] =	sbarrier.arrive $0xFFFF  }
0x15c: {  	s0 =	rddreg [dreg:$0x7]  }
0x15d: {  	s0 =	sadd.s32 @!p1 $0x100000, s0  }
0x15e: {  	[sflag:s0] =	ssyncadd.tile.s32 @!p1 $0x1;
	_ =	shalt  }
.Lfunc_end2:
_tile_overlayer_lowered:
.L_overlay_start_2:
0x15f: {  	(tag) =	ssettag $0x2  }
0x160: {  	s0 =	rddreg [dreg:$0x0];
	s2 =	stileid.u32  }
0x161: {  	s1 =	rddreg [dreg:$0x1];
	p0 =	sne.s32 s2, $0x0  }
0x162: {  	s3 =	rddreg [dreg:$0x2];
	[bflag:$0x3] =	sbarrier.arrive $0xFFFF;
	s2 =	simm.s32 @!p0 $0x1C02  }
0x163: {  	[timem:s3], [sflag:s2] =	dma.local @!p0 [hbm:s0], s1  }
0x164: {  	s0 =	simm.s32 @!p0 $0x2  }
0x165: {  	_ =	swait.ge @!p0 [sflag:s0], s1  }
0x166: {  	s1 =	ssub.s32 @!p0 $0x0, s1;
	[sflag:s0] =	ssyncset.done @!p0 $0x0  }
0x167: {  	[sflag:s0] =	ssyncadd.s32 @!p0 s1  }
0x168: {  	[bflag:$0x3] =	sbarrier.arrive $0xFFFF  }
0x169: {  	_ =	shalt  }

// kernel: kernel.7.cloned.1.call-start
scs
__scs_entry_jumppad:
0x0: {  	(pc) =	sbr.rel $0x88, $3  }
0x1: {  	(tag) =	ssettag $0x0;
	lr =	simm.s32 $0x1  }
0x2: {  	[smem:$0x3F91] =	sst lr;
	_ =	strace $0xD0000000  }
0x3: {  	_ = 	snop  }
0x4: {  	_ = 	snop  }
0x5: {  	_ = 	snop  }
0x6: {  	_ = 	snop  }
0x7: {  	_ = 	snop  }
__scs_overlays_trampoline_lowered:
0x8: {  	[smem:$0x3FA0] =	sst s0  }
0x9: {  	[smem:$0x3FA1] =	sst s1  }
0xa: {  	[smem:$0x3FA2] =	sst s2  }
0xb: {  	[smem:$0x3FA3] =	sst s3  }
0xc: {  	[smem:$0x3FA4] =	sst s4  }
0xd: {  	[smem:$0x3FA5] =	sst s5  }
0xe: {  	[smem:$0x3FA6] =	sst s6  }
0xf: {  	[smem:$0x3FA7] =	sst s7  }
0x10: {  	[smem:$0x3FA8] =	sst s8  }
0x11: {  	[smem:$0x3FA9] =	sst s9;
	s0 =	simm.s32 @!p0 $0x0  }
0x12: {  	s1 =	sld [smem:$0x3F8F];
	s0 =	simm.s32 @p0 $0x1  }
0x13: {  	[smem:$0x3FAA] =	sst s0;
	s0 =	simm.s32 @!p1 $0x0  }
0x14: {  	s2 =	sld [smem:$0x3F8E];
	s0 =	simm.s32 @p1 $0x1  }
0x15: {  	[smem:$0x3FAB] =	sst s0;
	s0 =	simm.s32 @!p2 $0x0  }
0x16: {  	s3 =	sld [smem:$0x3FDB];
	s0 =	simm.s32 @p2 $0x1  }
0x17: {  	s4 =	simm.s32 $0x1BF5;
	[smem:$0x3FAD] =	sst s0  }
0x18: {  	s0 =	sld [smem:$0x3F90];
	_ =	swait.ge [sflag:s4], $0x0  }
0x19: {  	s7 =	sld [smem:$0x3F91]  }
0x1a: {  	s8 =	sadd.s32 $0xFFFFE003, lr  }
0x1b: {  	s9 =	sadd.s32 $0xFFFFFEF7, lr;
	s5 =	simm.s32 $0xFFFFFFFF;
	p2 =	slt.u32 s8, $0xFFFFF086  }
0x1c: {  	p1 =	slt.u32 s9, $0xF7A;
	s5 =	simm.s32 @!p2 $0x0  }
0x1d: {  	s5 =	simm.s32 @p1 $0x1;
	p0 =	seq.s32 s7, s2  }
0x1e: {  	s7 =	smul.u32 @!p0 $0xF7A, s2;
	p2 =	seq.s32 @!p0 s5, $0x0  }
0x1f: {  	s9 =	smul.u32 $0xF7A, s1;
	s8 =	simm.s32 @!p0 $0x1BF5;
	p2 =	por !p2, p0  }
0x20: {  	[sflag:s8] =	ssyncset.s32 @!p0 $0xFFFFF086;
	s6 =	sadd.s32 @!p0 s3, s7;
	s7 =	simm.s32 @!p0 $0x108  }
0x21: {  	s3 =	sadd.s32 s3, s9;
	s6 =	sadd.s32 @!p0 $0x88, s6;
	s7 =	simm.s32 @p2 $0x1082  }
0x22: {  	[simem:s7], [sflag:s8] =	dma.local @!p0 [hbm:s6], $0xF7A  }
0x23: {  	s9 =	sor.u32 $0xD0000000, s2;
	s6 =	simm.s32 $0x108;
	_ =	swait.ge @!p0 [sflag:s8], $0x0  }
0x24: {  	s3 =	sadd.s32 $0x88, s3;
	s6 =	simm.s32 @!p1 $0x1082;
	[sflag:s4] =	ssyncset.s32 $0xFFFFF086  }
0x25: {  	[simem:s6], [sflag:s4] =	dma.local [hbm:s3], $0xF7A  }
0x26: {  	[smem:$0x3F91] =	sst s1;
	(tag) =	ssettag s2;
	_ =	strace s9  }
0x27: {  	s1 =	sld [smem:$0x3FA1]  }
0x28: {  	s2 =	sld [smem:$0x3FA2]  }
0x29: {  	s4 =	sld [smem:$0x3FA4]  }
0x2a: {  	p0 =	seq.s32 s5, $0x0;
	s5 =	sld [smem:$0x3FA5]  }
0x2b: {  	s6 =	sld [smem:$0x3FA6]  }
0x2c: {  	s7 =	sld [smem:$0x3FA7]  }
0x2d: {  	s3 =	simm.s32 $0x108;
	s8 =	sld [smem:$0x3FA8]  }
0x2e: {  	s3 =	simm.s32 @!p0 $0x1082;
	s9 =	sld [smem:$0x3FA9]  }
0x2f: {  	lr =	sadd.s32 s0, s3;
	s0 =	sld [smem:$0x3FA0]  }
0x30: {  	s3 =	sld [smem:$0x3FA3]  }
0x31: {  	[smem:$0x3FAC] =	sst s10  }
0x32: {  	s10 =	sld [smem:$0x3FAA];
	_ =	sdelay $0x3  }
0x33: {  	p0 =	seq.s32 s10, $0x1;
	s10 =	sld [smem:$0x3FAC];
	_ =	sdelay $0x3  }
0x34: {  	[smem:$0x3FAC] =	sst s10  }
0x35: {  	s10 =	sld [smem:$0x3FAB];
	_ =	sdelay $0x3  }
0x36: {  	p1 =	seq.s32 s10, $0x1;
	s10 =	sld [smem:$0x3FAC];
	_ =	sdelay $0x3  }
0x37: {  	[smem:$0x3FAC] =	sst s10  }
0x38: {  	s10 =	sld [smem:$0x3FAD]  }
0x39: {  	_ = 	snop;
	(pc) =	sbr.ind lr, $3  }
0x3a: {  	_ = 	snop  }
0x3b: {  	_ = 	snop  }
0x3c: {  	p2 =	seq.s32 s10, $0x1;
	s10 =	sld [smem:$0x3FAC]  }
0x3d: {  	_ =	shalt  }
0x3e: {  	_ =	shalt  }
0x3f: {  	_ =	shalt  }
0x40: {  	_ =	shalt  }
0x41: {  	_ =	shalt  }
0x42: {  	_ =	shalt  }
0x43: {  	_ =	shalt  }
0x44: {  	_ =	shalt  }
0x45: {  	_ =	shalt  }
0x46: {  	_ =	shalt  }
0x47: {  	_ =	shalt  }
0x48: {  	_ =	shalt  }
0x49: {  	_ =	shalt  }
0x4a: {  	_ =	shalt  }
0x4b: {  	_ =	shalt  }
0x4c: {  	_ =	shalt  }
0x4d: {  	_ =	shalt  }
0x4e: {  	_ =	shalt  }
0x4f: {  	_ =	shalt  }
0x50: {  	_ =	shalt  }
0x51: {  	_ =	shalt  }
0x52: {  	_ =	shalt  }
0x53: {  	_ =	shalt  }
0x54: {  	_ =	shalt  }
0x55: {  	_ =	shalt  }
0x56: {  	_ =	shalt  }
0x57: {  	_ =	shalt  }
0x58: {  	_ =	shalt  }
0x59: {  	_ =	shalt  }
0x5a: {  	_ =	shalt  }
0x5b: {  	_ =	shalt  }
0x5c: {  	_ =	shalt  }
0x5d: {  	_ =	shalt  }
0x5e: {  	_ =	shalt  }
0x5f: {  	_ =	shalt  }
0x60: {  	_ =	shalt  }
0x61: {  	_ =	shalt  }
0x62: {  	_ =	shalt  }
0x63: {  	_ =	shalt  }
0x64: {  	_ =	shalt  }
0x65: {  	_ =	shalt  }
0x66: {  	_ =	shalt  }
0x67: {  	_ =	shalt  }
0x68: {  	_ =	shalt  }
0x69: {  	_ =	shalt  }
0x6a: {  	_ =	shalt  }
0x6b: {  	_ =	shalt  }
0x6c: {  	_ =	shalt  }
0x6d: {  	_ =	shalt  }
0x6e: {  	_ =	shalt  }
0x6f: {  	_ =	shalt  }
0x70: {  	_ =	shalt  }
0x71: {  	_ =	shalt  }
0x72: {  	_ =	shalt  }
0x73: {  	_ =	shalt  }
0x74: {  	_ =	shalt  }
0x75: {  	_ =	shalt  }
0x76: {  	_ =	shalt  }
0x77: {  	_ =	shalt  }
0x78: {  	_ =	shalt  }
0x79: {  	_ =	shalt  }
0x7a: {  	_ =	shalt  }
0x7b: {  	_ =	shalt  }
0x7c: {  	_ =	shalt  }
0x7d: {  	_ =	shalt  }
0x7e: {  	_ =	shalt  }
0x7f: {  	_ =	shalt  }
0x80: {  	_ =	shalt  }
0x81: {  	_ =	shalt  }
0x82: {  	_ =	shalt  }
0x83: {  	_ =	shalt  }
0x84: {  	_ =	shalt  }
0x85: {  	_ =	shalt  }
0x86: {  	_ =	shalt  }
0x87: {  	_ =	shalt  }
.Lfunc_end0:
.L_simem_size_0:
called_computation_lowered:
.L_overlay_start_0:
0x88: {  	s2 =	sld [smem:$0x3FD9]  }
0x89: {  	s3 =	sld [smem:$0x3FFE];
	_ =	sdelay $0x1  }
0x8a: {  	s1 =	srdreg.scid  }
0x8b: {  	s0 =	sand.u32 $0x1, s1  }
0x8c: {  	s17 =	sshll.u32 s0, $0xA;
	s2 =	sadd.s32 s3, s2  }
0x8d: {  	s2 =	sadd.s32 s2, s17  }
0x8e: {  	[smem:$0x3FB8] =	sst s2  }
0x8f: {  	_ = 	snop  }
0x90: {  	s2 =	sld [smem:$0x3FC7]  }
0x91: {  	s18 =	sld [smem:$0x3FD0];
	(tm) =	ssettm $0x1  }
0x92: {  	s4 =	sld [smem:$0x3FFB];
	_ =	sdelay $0x3  }
0x93: {  	_ =	strace s4  }
0x94: {  	s4 =	sld [smem:$0x3FFC];
	_ =	sdelay $0x3  }
0x95: {  	_ =	strace s4  }
0x96: {  	s4 =	sld [smem:$0x3FFD];
	_ =	sdelay $0x3  }
0x97: {  	_ =	strace s4  }
0x98: {  	_ =	strace $0x8FFFFFFF  }
0x99: {  	s19 =	sld [smem:$0x3FDB];
	_ =	sdelay $0x1  }
0x9a: {  	s5 =	simm.s32 $_scs_section_size  }
0x9b: {  	s6 =	simm.s32 $_size__tile_overlayer_lowered;
	s7 =	simm.s32 $_tile_overlayer_lowered  }
0x9c: {  	s22 =	simm.s32 $0x1BFF;
	s21 =	sshll.u32 s7, $0x1;
	s4 =	sadd.s32 s5, s19  }
0x9d: {  	s8 =	simm.s32 $0x0;
	s20 =	sshll.u32 s6, $0x1;
	s6 =	sadd.s32 s21, s4  }
0x9e: {  	[timem:s8], [sflag:s22] =	dma.local [hbm:s6], s20  }
0x9f: {  	_ =	swait.ge [sflag:s22], s20  }
0xa0: {  	s5 =	ssub.s32 $0x0, s20;
	[sflag:s22] =	ssyncset.done $0x0  }
0xa1: {  	[sflag:s22] =	ssyncadd.s32 s5;
	_ =	sdelay $0x1  }
0xa2: {  	s23 =	simm.s32 $0x1B8B  }
0xa3: {  	_ =	swait.ge [sflag:s23], $0x1  }
0xa4: {  	[sflag:s23] =	ssyncset.done $0x0  }
0xa5: {  	s25 =	simm.s32 $0x1B8E;
	s24 =	sld [smem:$0x3FFE];
	[sflag:s23] =	ssyncadd.s32 $0xFFFFFFFF  }
0xa6: {  	s26 =	simm.s32 $execute0_lowered;
	[smem:$0x3FD2] =	sst s25  }
0xa7: {  	s6 =	sshll.u32 s26, $0x1;
	_ =	strace $0x80000046;
	[dreg:$0x1] =	wrdreg $0xFFFFFFFF  }
0xa8: {  	s28 =	simm.s32 $_size_execute0_lowered;
	s4 =	sadd.s32 s4, s6;
	[dreg:$0x0] =	wrdreg $0x0  }
0xa9: {  	s6 =	sshll.u32 s28, $0x1;
	[dreg:$0x2] =	wrdreg s4  }
0xaa: {  	[dreg:$0x3] =	wrdreg s6  }
0xab: {  	[dreg:$0x4] =	wrdreg $0xC0  }
0xac: {  	_ =	task [dreg:s8], $0x5FFFF  }
0xad: {  	[dreg:$0x1] =	wrdreg $0xFFFFFFFF  }
0xae: {  	[dreg:$0x0] =	wrdreg $0x60  }
0xaf: {  	[dreg:$0x2] =	wrdreg s24  }
0xb0: {  	[dreg:$0x3] =	wrdreg s2  }
0xb1: {  	[dreg:$0x4] =	wrdreg s18  }
0xb2: {  	[dreg:$0x5] =	wrdreg $0x34300  }
0xb3: {  	[dreg:$0x6] =	wrdreg $0x36A80  }
0xb4: {  	[dreg:$0x7] =	wrdreg $0x39200  }
0xb5: {  	[dreg:$0x8] =	wrdreg $0x3B980  }
0xb6: {  	[dreg:$0x9] =	wrdreg $0x9  }
0xb7: {  	_ =	task.clear_ibuf [dreg:s8], $0xAFFFF;
	_ =	strace $0x90000046  }
0xb8: {  	s29 =	simm.s32 $0x9;
	_ =	strace $0x80000048  }
0xb9: {  	_ =	swait.ge [sflag:s29], $0x1  }
0xba: {  	[sflag:s29] =	ssyncadd.s32 $0xFFFFFFFF  }
0xbb: {  	_ =	strace $0x90000048  }
0xbc: {  	_ =	sfence  }
0xbd: {  	s30 =	sld [smem:$0x0];
	_ =	sdelay $0x2  }
0xbe: {  	s31 =	sshll.u32 s1, $0xD;
	s1 =	sshrl.u32 s1, $0x2  }
0xbf: {  	s3 =	sand.u32 $0x4000, s31;
	s1 =	sadd.s32 s1, s30  }
0xc0: {  	s0 =	sor.u32 s3, s0;
	s1 =	sshll.u32 s1, $0x11  }
0xc1: {  	s0 =	sor.u32 s1, s0  }
0xc2: {  	s0 =	sadd.s32 $0x8F2B, s0  }
0xc3: {  	[sflag:s0] =	ssyncadd.remote.s32 $0x1  }
0xc4: {  	_ =	sfence.sel $0xFFFF  }
0xc5: {  	[dreg:$0x0] =	wrdreg $0xFFFFFFFF;
	(pc) =	sbr.abs _section_cstart, $3  }
0xc6: {  	[dreg:$0x1] =	wrdreg $0xFFFFFFFF  }
0xc7: {  	_ =	task.clear_ibuf [dreg:s8], $0x2FFFF;
	_ =	strace $0x9FFFFFFF  }
0xc8: {  	(tm) =	ssettm $0x7FFFFFFF  }
0xc9: {  	_ =	shalt  }
tec
execute0_lowered:
.L_overlay_start_1:
0x0: {  	(tag) =	ssettag $0x1  }
0x1: {  	s1 =	rddreg [dreg:$0x0]  }
0x2: {  	s0 =	rddreg [dreg:$0x1]  }
0x3: {  	s20 =	rddreg [dreg:$0x2]  }
0x4: {  	s3 =	rddreg [dreg:$0x3]  }
0x5: {  	s4 =	rddreg [dreg:$0x4]  }
0x6: {  	s5 =	rddreg [dreg:$0x5]  }
0x7: {  	s6 =	rddreg [dreg:$0x6]  }
0x8: {  	s7 =	simm.s32 $0x0;
	s22 =	stileid.u32;
	s11 =	srdreg.scid  }
0x9: {  	s30 =	simm.s32 $0xF0;
	s31 =	simm.s32 $0x1E0;
	[smem:$0x7FF] =	sst s7  }
0xa: {  	s8 =	sadd.s32 $0x76C00, s1;
	s9 =	sadd.s32 $0x63200, s1;
	s2 =	sadd.s32 $0x62000, s1  }
0xb: {  	s21 =	sadd.s32 $0x62C00, s1;
	s10 =	sadd.s32 $0x62600, s1;
	s12 =	smul.u32 $0x9C40, s22  }
0xc: {  	s13 =	sadd.s32 $0x400, s1;
	s11 =	sand.u32 $0x1, s11;
	s14 =	smul.u32 $0x64000, s22  }
0xd: {  	s15 =	sadd.s32 $0xB1800, s1;
	s19 =	smul.u32 $0x3200, s22;
	p0 =	seq.s32 s22, $0xF  }
0xe: {  	_ =	strace $0x80000047;
	s16 =	ssub.s32 $0x2, s11;
	s17 =	smul.u32 $0x30D40, s11  }
0xf: {  	s29 =	smul.u32 $0x186A00, s11;
	p1 =	seq.s32 s11, $0x1;
	s18 =	sshrl.u32 s16, $0x1  }
0x10: {  	s14 =	sshrl.u32 s14, $0x2;
	s20 =	smov.u32 @p1 s2;
	s2 =	sadd.s32 $0x17A200, s6  }
0x11: {  	s21 =	smov.u32 @p1 s10;
	s10 =	sadd.s32 $0x17D400, s6;
	p1 =	sne.s32 s22, $0x0  }
0x12: {  	s16 =	ssub.s32 s16, s18;
	s28 =	sadd.s32 s14, s6;
	[dreg:$0x8] =	wrdreg s20  }
0x13: {  	s17 =	sadd.s32 s19, s17;
	s18 =	sshrl.u32 s29, $0x3;
	[dreg:$0x9] =	wrdreg s21  }
0x14: {  	s20 =	smul.u32 $0x9C400, s11;
	s21 =	sadd.s32 $0x8A600, s1;
	s14 =	sadd.s32 $0xC800, s28  }
0x15: {  	s23 =	sadd.s32 $0xFA00, s28;
	s19 =	sadd.s32 $0x12C00, s28;
	s17 =	sadd.s32 s15, s17  }
0x16: {  	s15 =	sadd.s32 s15, s18;
	s18 =	sadd.s32 $0x15E00, s28;
	[dreg:$0xa] =	wrdreg s28  }
0x17: {  	s16 =	smax.u32 s16, $0x1;
	s1 =	sadd.s32 $0x9600, s28;
	[dreg:$0xe] =	wrdreg s17  }
0x18: {  	s29 =	sadd.s32 $0x6400, s28;
	s14 =	smov.u32 @p0 s2;
	[dreg:$0x11] =	wrdreg s16  }
0x19: {  	s2 =	sadd.s32 $0x180600, s6;
	s23 =	smov.u32 @p0 s10;
	[dreg:$0x15] =	wrdreg s29  }
0x1a: {  	s17 =	smul.u32 $0x2710, s11;
	s15 =	sadd.s32 $0x2EE00, s15;
	[dreg:$0xb] =	wrdreg s14  }
0x1b: {  	s10 =	simm.s32 $0x230;
	s11 =	simm.s32 $0x50;
	[dreg:$0xc] =	wrdreg s23  }
0x1c: {  	s19 =	smov.u32 @p0 s2;
	s2 =	sadd.s32 $0x183800, s6;
	s14 =	smul.u32 $0x1388, s22  }
0x1d: {  	[dreg:$0x10] =	wrdreg s15;
	s23 =	sadd.s32 $0x3200, s28;
	s22 =	simm.s32 $0x1  }
0x1e: {  	s15 =	simm.s32 $0x0;
	[dreg:$0xd] =	wrdreg s19;
	s18 =	smov.u32 @p0 s2  }
0x1f: {  	s2 =	sadd.s32 $0x177000, s6;
	[dreg:$0x14] =	wrdreg s23;
	s23 =	simm.s32 $0x190  }
0x20: {  	[dreg:$0xf] =	wrdreg s18;
	s18 =	sadd.s32 s12, s20;
	s24 =	sadd.s32 s14, s9  }
0x21: {  	s25 =	sadd.s32 s14, s8;
	[dreg:$0x13] =	wrdreg s2;
	s1 =	smov.u32 @p0 s2  }
0x22: {  	s2 =	simm.s32 $0xA0;
	s19 =	sshrl.u32 s18, $0x3;
	[dreg:$0x12] =	wrdreg s1  }
0x23: {  	v1 =	vimm.f32 $0.0e+00;
	v0 =	vmov s17;
	s1 =	simm.s32 $0x2;
	s18 =	simm.s32 $0x140;
	s26 =	sadd.s32 s19, s21  }
.LBB2_1:
.Ltmp0:
0x24: {  	(pc) =	sbr.rel @p1 .LBB2_5-.Ltmp0, $1  }
0x25: {  	_ =	sdelay $0x3  }
0x26: {  	s16 =	sshrl.u32 s3, $0x3;
	s14 =	rddreg [dreg:$0x8];
	s17 =	simm.s32 $0x1C02  }
0x27: {  	[spmem:s16], [sflag:s17] =	dma.local [hbm:s14], $0x4E2  }
0x28: {  	_ =	swait.ge [sflag:s1], $0x4E2  }
0x29: {  	[sflag:s1] =	ssyncset.done $0x0  }
0x2a: {  	s14 =	sshrl.u32 s4, $0x3;
	s19 =	rddreg [dreg:$0x9];
	[sflag:s1] =	ssyncadd.s32 $0xFFFFFB1E  }
0x2b: {  	[spmem:s14], [sflag:s17] =	dma.local [hbm:s19], $0x4E2  }
0x2c: {  	_ =	swait.ge [sflag:s1], $0x4E2  }
0x2d: {  	[sflag:s1] =	ssyncset.done $0x0  }
0x2e: {  	[sflag:s1] =	ssyncadd.s32 $0xFFFFFB1E  }
0x2f: {  	[tilespmem:$0xA0] =	vst v1  }
0x30: {  	[tilespmem:$0xB0] =	vst v1  }
0x31: {  	[tilespmem:$0xC0] =	vst v1  }
0x32: {  	[tilespmem:$0xD0] =	vst v1  }
0x33: {  	s29 =	sadd.s32 $0x0, s5;
	[tilespmem:$0xE0] =	vst v1  }
0x34: {  	[spmem:s29] =	stream.linear.scatter [tilespmem:s2], [sflag:$0x2], $0x50, $0x38;
	[tilespmem:$0x1C238] =	vst v63  }
0x35: {  	s16 =	simm.s32 $0x140;
	_ =	swait.ge [sflag:s1], $0x50  }
.LBB2_3:
0x36: {  	s17 =	sshra.s32 s16, $0x2;
	[sflag:s1] =	ssyncset.done $0x0;
	p2 =	sne.s32 s16, $0x9B00  }
.Ltmp1:
0x37: {  	s17 =	sadd.s32 s17, s5;
	[sflag:s1] =	ssyncadd.s32 $0xFFFFFFB0;
	(pc) =	sbr.rel @p2 .LBB2_3-.Ltmp1, $3  }
0x38: {  	[spmem:s17] =	stream.linear.scatter [tilespmem:s2], [sflag:$0x2], $0x50, $0x38;
	[tilespmem:$0x1C238] =	vst v63  }
0x39: {  	s16 =	sadd.s32 $0x140, s16;
	_ =	sdelay $0x1  }
0x3a: {  	_ =	swait.ge [sflag:s1], $0x50  }
0x3b: {  	[sflag:s1] =	ssyncset.done $0x0  }
0x3c: {  	[sflag:s1] =	ssyncadd.s32 $0xFFFFFFB0  }
.LBB2_5:
0x3d: {  	s16 =	simm.s32 $0x0;
	s17 =	simm.s32 $0x280  }
.LBB2_6:
0x3e: {  	p2 =	sne.s32 s17, $0xC580;
	[tilespmem:s16+$0x2C0] =	vst v1  }
0x3f: {  	[tilespmem:s16+$0x230] =	vst v1  }
0x40: {  	[tilespmem:s16+$0x240] =	vst v1  }
0x41: {  	[tilespmem:s16+$0x250] =	vst v1  }
0x42: {  	[tilespmem:s16+$0x260] =	vst v1  }
.Ltmp2:
0x43: {  	[tilespmem:s16+$0x270] =	vst v1;
	(pc) =	sbr.rel @p2 .LBB2_6-.Ltmp2, $4  }
0x44: {  	[tilespmem:s16+$0x280] =	vst v1  }
0x45: {  	[tilespmem:s16+$0x290] =	vst v1  }
0x46: {  	[tilespmem:s16+$0x2A0] =	vst v1  }
0x47: {  	[tilespmem:s16+$0x2B0] =	vst v1;
	s16 =	sshra.s32 s17, $0x2;
	s17 =	sadd.s32 $0x280, s17  }
0x48: {  	[tilespmem:s16+$0x2C0] =	vst v1  }
0x49: {  	[tilespmem:s16+$0x230] =	vst v1  }
0x4a: {  	[tilespmem:s16+$0x240] =	vst v1  }
0x4b: {  	[tilespmem:s16+$0x250] =	vst v1  }
0x4c: {  	[tilespmem:s16+$0x260] =	vst v1  }
0x4d: {  	[tilespmem:s16+$0x270] =	vst v1  }
0x4e: {  	[tilespmem:s16+$0x280] =	vst v1  }
0x4f: {  	[tilespmem:s16+$0x290] =	vst v1  }
0x50: {  	[tilespmem:s16+$0x2A0] =	vst v1  }
0x51: {  	[tilespmem:s16+$0x2B0] =	vst v1;
	s16 =	simm.s32 @!p0 $0x230;
	s17 =	simm.s32 @!p0 $0x2  }
0x52: {  	[spmem:s28] =	stream.linear.scatter @!p0 [tilespmem:s16], [sflag:$0x2], $0x3200, $0x38;
	[tilespmem:$0x1C238] =	vst v63  }
0x53: {  	_ =	swait.ge @!p0 [sflag:s17], $0x3200  }
0x54: {  	[sflag:s17] =	ssyncset.done @!p0 $0x0  }
0x55: {  	s14 =	rddreg [dreg:$0x14];
	[sflag:s17] =	ssyncadd.s32 @!p0 $0xFFFFCE00  }
0x56: {  	[spmem:s14] =	stream.linear.scatter @!p0 [tilespmem:s16], [sflag:$0x2], $0x3200, $0x38;
	[tilespmem:$0x1C238] =	vst v63  }
0x57: {  	_ =	swait.ge @!p0 [sflag:s17], $0x3200  }
0x58: {  	[sflag:s17] =	ssyncset.done @!p0 $0x0  }
0x59: {  	s14 =	rddreg [dreg:$0x15];
	[sflag:s17] =	ssyncadd.s32 @!p0 $0xFFFFCE00  }
0x5a: {  	[spmem:s14] =	stream.linear.scatter @!p0 [tilespmem:s16], [sflag:$0x2], $0x3200, $0x38;
	[tilespmem:$0x1C238] =	vst v63  }
0x5b: {  	_ =	swait.ge @!p0 [sflag:s17], $0x3200  }
0x5c: {  	[sflag:s17] =	ssyncset.done @!p0 $0x0  }
0x5d: {  	s28 =	rddreg [dreg:$0x12];
	[sflag:s17] =	ssyncadd.s32 @!p0 $0xFFFFCE00  }
0x5e: {  	[spmem:s28] =	stream.linear.scatter [tilespmem:s10], [sflag:$0x2], $0x3200, $0x38;
	[tilespmem:$0x1C238] =	vst v63  }
0x5f: {  	_ =	swait.ge [sflag:s1], $0x3200  }
0x60: {  	[sflag:s1] =	ssyncset.done $0x0  }
0x61: {  	s29 =	rddreg [dreg:$0xb];
	[sflag:s1] =	ssyncadd.s32 $0xFFFFCE00  }
0x62: {  	[spmem:s29] =	stream.linear.scatter [tilespmem:s10], [sflag:$0x2], $0x3200, $0x38;
	[tilespmem:$0x1C238] =	vst v63  }
0x63: {  	_ =	swait.ge [sflag:s1], $0x3200  }
0x64: {  	[sflag:s1] =	ssyncset.done $0x0  }
0x65: {  	s16 =	rddreg [dreg:$0xc];
	[sflag:s1] =	ssyncadd.s32 $0xFFFFCE00  }
0x66: {  	[spmem:s16] =	stream.linear.scatter [tilespmem:s10], [sflag:$0x2], $0x3200, $0x38;
	[tilespmem:$0x1C238] =	vst v63  }
0x67: {  	_ =	swait.ge [sflag:s1], $0x3200  }
0x68: {  	[sflag:s1] =	ssyncset.done $0x0  }
0x69: {  	s17 =	rddreg [dreg:$0xd];
	[sflag:s1] =	ssyncadd.s32 $0xFFFFCE00  }
0x6a: {  	[spmem:s17] =	stream.linear.scatter [tilespmem:s10], [sflag:$0x2], $0x3200, $0x38;
	[tilespmem:$0x1C238] =	vst v63  }
0x6b: {  	_ =	swait.ge [sflag:s1], $0x3200  }
0x6c: {  	[sflag:s1] =	ssyncset.done $0x0  }
0x6d: {  	s19 =	rddreg [dreg:$0xf];
	[sflag:s1] =	ssyncadd.s32 $0xFFFFCE00  }
0x6e: {  	[spmem:s19] =	stream.linear.scatter [tilespmem:s10], [sflag:$0x2], $0x3200, $0x38;
	[tilespmem:$0x1C238] =	vst v63  }
0x6f: {  	_ =	swait.ge [sflag:s1], $0x3200  }
0x70: {  	[sflag:s1] =	ssyncset.done $0x0  }
0x71: {  	[sflag:s1] =	ssyncadd.s32 $0xFFFFCE00  }
0x72: {  	s28 =	sadd.s32 $0x0, s25;
	[bflag:$0x0] =	sbarrier.arrive $0xFFFF  }
0x73: {  	[tilespmem:s7], [sflag:$0x2] =	stream.linear.gather [hbm4b:s28+s7], $0x50, $0x38;
	[tilespmem:$0x1C238] =	vst v63  }
0x74: {  	_ =	swait.ge [sflag:s1], $0x50  }
0x75: {  	[sflag:s1] =	ssyncset.done $0x0  }
0x76: {  	s29 =	sadd.s32 $0x0, s24;
	[sflag:s1] =	ssyncadd.s32 $0xFFFFFFB0  }
0x77: {  	[tilespmem:s11], [sflag:$0x2] =	stream.linear.gather [hbm4b:s29+s7], $0x50, $0x38;
	[tilespmem:$0x1C238] =	vst v63  }
0x78: {  	_ =	swait.ge [sflag:s1], $0x50  }
0x79: {  	[sflag:s1] =	ssyncset.done $0x0  }
0x7a: {  	[sflag:s1] =	ssyncadd.s32 $0xFFFFFFB0  }
0x7b: {  	[tilespmem:s18], [sflag:$0x1] =	stream.indirect.gather [spmem:s3], $0x1, s7, s11, $0xb8;
	[tilespmem:$0x1C238] =	vst v63  }
0x7c: {  	_ =	swait.ge [sflag:s22], $0x50  }
0x7d: {  	[sflag:s22] =	ssyncset.done $0x0  }
0x7e: {  	[sflag:s22] =	ssyncadd.s32 $0xFFFFFFB0  }
0x7f: {  	[tilespmem:s23], [sflag:$0x1] =	stream.indirect.gather [spmem:s4], $0x1, s11, s11, $0xb8;
	[tilespmem:$0x1C238] =	vst v63  }
0x80: {  	_ =	swait.ge [sflag:s22], $0x50  }
0x81: {  	[sflag:s22] =	ssyncset.done $0x0  }
0x82: {  	[sflag:s22] =	ssyncadd.s32 $0xFFFFFFB0  }
0x83: {  	v2 =	vld [tilespmem:$0x1A0]  }
0x84: {  	v3 =	vld [tilespmem:$0x140]  }
0x85: {  	v4 =	vld [tilespmem:$0x1B0]  }
0x86: {  	v5 =	vld [tilespmem:$0x150]  }
0x87: {  	v6 =	vld [tilespmem:$0x1C0]  }
0x88: {  	v7 =	vld [tilespmem:$0x170]  }
0x89: {  	v8 =	vld [tilespmem:$0x160]  }
0x8a: {  	v9 =	vld [tilespmem:$0x190];
	_ =	sdelay $0x3  }
0x8b: {  	v10 =	vld [tilespmem:$0x1D0];
	v2 =	vadd.f32 v2, v5;
	v4 =	vadd.f32 v4, v8  }
0x8c: {  	v5 =	vld [tilespmem:$0x180];
	v6 =	vadd.f32 v6, v7;
	v7 =	vadd.f32 v9, v3  }
0x8d: {  	v11 =	vmul.f32 $2.000000030e-01, v2;
	vm0 =	vgt.f32 v2, $0.0e+00;
	v63 =	vmul.f32 $2.000000030e-01, v4  }
0x8e: {  	v3 =	vmul.f32 $2.000000030e-01, v6;
	v8 =	vmul.f32 $2.000000030e-01, v7;
	vm1 =	vgt.f32 v4, $0.0e+00  }
0x8f: {  	v2 =	vsel vm0, v2, v11;
	vm0 =	vgt.f32 v6, $0.0e+00;
	v4 =	vsel vm1, v4, v63  }
0x90: {  	v2 =	vmul.f32 $1.442695020e+00, v2;
	v6 =	vsel vm0, v6, v3;
	vm0 =	vgt.f32 v7, $0.0e+00  }
0x91: {  	v3 =	vadd.f32 v10, v5;
	v5 =	vsel vm0, v7, v8;
	v7 =	vmul.f32 $1.442695020e+00, v6  }
0x92: {  	v4 =	vmul.f32 $1.442695020e+00, v4;
	v5 =	vmul.f32 $1.442695020e+00, v5  }
0x93: {  	s16 =	simm.s32 $0x0;
	s17 =	simm.s32 $0xA;
	vm0 =	vgt.f32 v3, $0.0e+00;
	v6 =	vmul.f32 $2.000000030e-01, v3;
	(erf) = vpow2.f32 v7  }
.LBB2_8:
0x94: {  	p2 =	sne.s32 s17, $0x137E;
	s19 =	smov.u32 s17;
	s17 =	sadd.s32 $0xA, s17  }
0x95: {  	v3 =	vsel vm0, v3, v6;
	(erf) = vpow2.f32 v5  }
0x96: {  	v3 =	vmul.f32 $1.442695020e+00, v3;
	(erf) = vpow2.f32 v2  }
0x97: {  	(erf) = vpow2.f32 v4  }
0x98: {  	(erf) = vpow2.f32 v3;
	_ =	sdelay $0x3  }
0x99: {  	v2 =	vpop (erf)  }
0x9a: {  	[tilespmem:$0x120] =	vst v2  }
0x9b: {  	v2 =	vpop (erf)  }
0x9c: {  	[tilespmem:$0xF0] =	vst v2;
	v2 =	vpop (erf)  }
0x9d: {  	[tilespmem:$0x100] =	vst v2;
	v2 =	vpop (erf)  }
0x9e: {  	[tilespmem:$0x110] =	vst v2;
	v2 =	vpop (erf)  }
0x9f: {  	[tilespmem:$0x130] =	vst v2  }
0xa0: {  	[spmem:s5] =	stream.indirect.scatter.add.f32 [tilespmem:s30], [sflag:$0x2], $0x1, s11, s11, $0xb8;
	[tilespmem:$0x1C238] =	vst v63  }
0xa1: {  	_ =	swait.ge [sflag:s1], $0x50  }
0xa2: {  	[sflag:s1] =	ssyncset.done $0x0  }
0xa3: {  	s28 =	sadd.s32 s16, s26;
	s16 =	smov.u32 s19;
	[sflag:s1] =	ssyncadd.s32 $0xFFFFFFB0  }
0xa4: {  	[hbm4b:s28+s7] =	stream.linear.scatter [tilespmem:s30], [sflag:$0x2], $0x50, $0x38;
	[tilespmem:$0x1C238] =	vst v63  }
0xa5: {  	_ =	swait.ge [sflag:s1], $0x50  }
0xa6: {  	[sflag:s1] =	ssyncset.done $0x0  }
0xa7: {  	s19 =	sadd.s32 s16, s25;
	[sflag:s1] =	ssyncadd.s32 $0xFFFFFFB0  }
0xa8: {  	[tilespmem:s7], [sflag:$0x2] =	stream.linear.gather [hbm4b:s19+s7], $0x50, $0x38;
	[tilespmem:$0x1C238] =	vst v63  }
0xa9: {  	_ =	swait.ge [sflag:s1], $0x50  }
0xaa: {  	[sflag:s1] =	ssyncset.done $0x0  }
0xab: {  	s19 =	sadd.s32 s16, s24;
	[sflag:s1] =	ssyncadd.s32 $0xFFFFFFB0  }
0xac: {  	[tilespmem:s11], [sflag:$0x2] =	stream.linear.gather [hbm4b:s19+s7], $0x50, $0x38;
	[tilespmem:$0x1C238] =	vst v63  }
0xad: {  	_ =	swait.ge [sflag:s1], $0x50  }
0xae: {  	[sflag:s1] =	ssyncset.done $0x0  }
0xaf: {  	[sflag:s1] =	ssyncadd.s32 $0xFFFFFFB0  }
0xb0: {  	[tilespmem:s18], [sflag:$0x1] =	stream.indirect.gather [spmem:s3], $0x1, s7, s11, $0xb8;
	[tilespmem:$0x1C238] =	vst v63  }
0xb1: {  	_ =	swait.ge [sflag:s22], $0x50  }
0xb2: {  	[sflag:s22] =	ssyncset.done $0x0  }
0xb3: {  	[sflag:s22] =	ssyncadd.s32 $0xFFFFFFB0  }
0xb4: {  	[tilespmem:s23], [sflag:$0x1] =	stream.indirect.gather [spmem:s4], $0x1, s11, s11, $0xb8;
	[tilespmem:$0x1C238] =	vst v63  }
0xb5: {  	_ =	swait.ge [sflag:s22], $0x50  }
0xb6: {  	[sflag:s22] =	ssyncset.done $0x0  }
0xb7: {  	[sflag:s22] =	ssyncadd.s32 $0xFFFFFFB0  }
0xb8: {  	v2 =	vld [tilespmem:$0x1A0]  }
0xb9: {  	v3 =	vld [tilespmem:$0x140]  }
0xba: {  	v4 =	vld [tilespmem:$0x1B0]  }
0xbb: {  	v5 =	vld [tilespmem:$0x150]  }
0xbc: {  	v6 =	vld [tilespmem:$0x1C0]  }
0xbd: {  	v7 =	vld [tilespmem:$0x170]  }
0xbe: {  	v8 =	vld [tilespmem:$0x160]  }
0xbf: {  	v9 =	vld [tilespmem:$0x190]  }
0xc0: {  	v2 =	vadd.f32 v2, v5;
	v5 =	vld [tilespmem:$0x180]  }
0xc1: {  	v10 =	vld [tilespmem:$0x1D0]  }
0xc2: {  	vm0 =	vgt.f32 v2, $0.0e+00;
	v11 =	vmul.f32 $2.000000030e-01, v2;
	v6 =	vadd.f32 v6, v7  }
0xc3: {  	v4 =	vadd.f32 v4, v8  }
0xc4: {  	v7 =	vadd.f32 v9, v3;
	v2 =	vsel vm0, v2, v11;
	v3 =	vmul.f32 $2.000000030e-01, v6  }
0xc5: {  	vm0 =	vgt.f32 v6, $0.0e+00;
	v2 =	vmul.f32 $1.442695020e+00, v2  }
.Ltmp3:
0xc6: {  	v9 =	vmul.f32 $2.000000030e-01, v4;
	v8 =	vmul.f32 $2.000000030e-01, v7;
	v6 =	vsel vm0, v6, v3;
	(pc) =	sbr.rel @p2 .LBB2_8-.Ltmp3, $4  }
0xc7: {  	vm1 =	vgt.f32 v4, $0.0e+00;
	vm0 =	vgt.f32 v7, $0.0e+00;
	v3 =	vadd.f32 v10, v5  }
0xc8: {  	v4 =	vsel vm1, v4, v9;
	v5 =	vsel vm0, v7, v8;
	v7 =	vmul.f32 $1.442695020e+00, v6  }
0xc9: {  	v4 =	vmul.f32 $1.442695020e+00, v4;
	vm0 =	vgt.f32 v3, $0.0e+00;
	v5 =	vmul.f32 $1.442695020e+00, v5  }
0xca: {  	v6 =	vmul.f32 $2.000000030e-01, v3;
	(erf) = vpow2.f32 v7  }
0xcb: {  	_ = 	snop  }
0xcc: {  	(erf) = vpow2.f32 v5;
	v3 =	vsel vm0, v3, v6  }
0xcd: {  	(erf) = vpow2.f32 v2;
	v3 =	vmul.f32 $1.442695020e+00, v3  }
0xce: {  	(erf) = vpow2.f32 v4  }
0xcf: {  	(erf) = vpow2.f32 v3;
	_ =	sdelay $0x4  }
0xd0: {  	v2 =	vpop (erf)  }
0xd1: {  	[tilespmem:$0x120] =	vst v2;
	v2 =	vpop (erf)  }
0xd2: {  	[tilespmem:$0xF0] =	vst v2;
	v2 =	vpop (erf)  }
0xd3: {  	[tilespmem:$0x100] =	vst v2;
	v2 =	vpop (erf)  }
0xd4: {  	[tilespmem:$0x110] =	vst v2;
	v2 =	vpop (erf)  }
0xd5: {  	[tilespmem:$0x130] =	vst v2  }
0xd6: {  	[spmem:s5] =	stream.indirect.scatter.add.f32 [tilespmem:s30], [sflag:$0x2], $0x1, s11, s11, $0xb8;
	[tilespmem:$0x1C238] =	vst v63  }
0xd7: {  	_ =	swait.ge [sflag:s1], $0x50  }
0xd8: {  	[sflag:s1] =	ssyncset.done $0x0  }
0xd9: {  	s16 =	sadd.s32 s16, s26;
	[sflag:s1] =	ssyncadd.s32 $0xFFFFFFB0  }
0xda: {  	[hbm4b:s16+s7] =	stream.linear.scatter [tilespmem:s30], [sflag:$0x2], $0x50, $0x38;
	[tilespmem:$0x1C238] =	vst v63  }
0xdb: {  	_ =	swait.ge [sflag:s1], $0x50  }
0xdc: {  	[sflag:s1] =	ssyncset.done $0x0  }
0xdd: {  	[sflag:s1] =	ssyncadd.s32 $0xFFFFFFB0  }
0xde: {  	s17 =	simm.s32 $0x0;
	s16 =	simm.s32 $0x0;
	[bflag:$0x0] =	sbarrier.arrive $0xFFFF  }
.LBB2_10:
0xdf: {  	s19 =	smul.u32 $0x50, s17;
	_ =	sdelay $0x1  }
0xe0: {  	s19 =	sadd.s32 s12, s19  }
0xe1: {  	s28 =	sshrl.u32 s19, $0x3  }
0xe2: {  	s29 =	sadd.s32 s8, s28  }
0xe3: {  	[tilespmem:s16], [sflag:$0x2] =	stream.linear.gather [hbm4b:s29+s16], $0x50, $0x38;
	[tilespmem:$0x1C238] =	vst v63  }
0xe4: {  	_ =	swait.ge [sflag:s1], $0x50  }
0xe5: {  	[sflag:s1] =	ssyncset.done $0x0  }
0xe6: {  	s29 =	sadd.s32 s9, s28;
	[sflag:s1] =	ssyncadd.s32 $0xFFFFFFB0  }
0xe7: {  	[tilespmem:s11], [sflag:$0x2] =	stream.linear.gather [hbm4b:s29+s16], $0x50, $0x38;
	[tilespmem:$0x1C238] =	vst v63  }
0xe8: {  	_ =	swait.ge [sflag:s1], $0x50  }
0xe9: {  	[sflag:s1] =	ssyncset.done $0x0  }
0xea: {  	s28 =	sadd.s32 s0, s28;
	[sflag:s1] =	ssyncadd.s32 $0xFFFFFFB0  }
0xeb: {  	[tilespmem:s2], [sflag:$0x2] =	stream.linear.gather [hbm4b:s28+s16], $0x50, $0x38;
	[tilespmem:$0x1C238] =	vst v63  }
0xec: {  	s19 =	sadd.s32 s20, s19;
	_ =	swait.ge [sflag:s1], $0x50  }
0xed: {  	s19 =	sshrl.u32 s19, $0x3;
	[sflag:s1] =	ssyncset.done $0x0  }
0xee: {  	s19 =	sadd.s32 s21, s19;
	[sflag:s1] =	ssyncadd.s32 $0xFFFFFFB0  }
0xef: {  	[tilespmem:s30], [sflag:$0x2] =	stream.linear.gather [hbm4b:s19+s16], $0x50, $0x38;
	[tilespmem:$0x1C238] =	vst v63  }
0xf0: {  	_ =	swait.ge [sflag:s1], $0x50  }
0xf1: {  	[sflag:s1] =	ssyncset.done $0x0  }
0xf2: {  	[sflag:s1] =	ssyncadd.s32 $0xFFFFFFB0  }
0xf3: {  	[tilespmem:s31], [sflag:$0x1] =	stream.indirect.gather [spmem:s5], $0x1, s11, s11, $0xb8;
	[tilespmem:$0x1C238] =	vst v63  }
0xf4: {  	_ =	swait.ge [sflag:s22], $0x50  }
0xf5: {  	[sflag:s22] =	ssyncset.done $0x0  }
0xf6: {  	[sflag:s22] =	ssyncadd.s32 $0xFFFFFFB0  }
0xf7: {  	v2 =	vld [tilespmem:$0x1E0];
	_ =	sdelay $0x1  }
0xf8: {  	v3 =	vld [tilespmem:$0x1F0];
	_ =	sdelay $0x1  }
0xf9: {  	v4 =	vld [tilespmem:$0x200]  }
0xfa: {  	v2 =	vadd.f32 $1.000000020e-16, v2  }
0xfb: {  	v5 =	vld [tilespmem:$0x210]  }
0xfc: {  	(erf) = vrcp.f32 v2;
	v2 =	vadd.f32 $1.000000020e-16, v3  }
0xfd: {  	v3 =	vld [tilespmem:$0x220]  }
0xfe: {  	(erf) = vrcp.f32 v2;
	v2 =	vadd.f32 $1.000000020e-16, v4  }
0xff: {  	v6 =	vld [tilespmem:$0xF0]  }
0x100: {  	v7 =	vld [tilespmem:$0x0];
	(erf) = vrcp.f32 v2;
	v2 =	vadd.f32 $1.000000020e-16, v5  }
0x101: {  	v8 =	vld [tilespmem:$0xB0]  }
0x102: {  	v9 =	vld [tilespmem:$0x110];
	(erf) = vrcp.f32 v2;
	v2 =	vadd.f32 $1.000000020e-16, v3  }
0x103: {  	v4 =	vld [tilespmem:$0xA0]  }
0x104: {  	v5 =	vld [tilespmem:$0x100]  }
0x105: {  	v3 =	vld [tilespmem:$0x10];
	(erf) = vrcp.f32 v2  }
0x106: {  	v10 =	vld [tilespmem:$0xC0];
	v2 =	vpop (erf)  }
0x107: {  	v12 =	vld [tilespmem:$0x120];
	v2 =	vmul.f32 v2, v6  }
0x108: {  	v13 =	vld [tilespmem:$0x130];
	v11 =	vpop (erf)  }
0x109: {  	v6 =	vld [tilespmem:$0x20];
	v2 =	vmul.f32 v2, v4;
	v4 =	vmul.f32 v11, v5  }
0x10a: {  	v3 =	vadd.s32 v0, v3;
	v5 =	vld [tilespmem:$0xD0];
	v11 =	vpop (erf)  }
0x10b: {  	[tilespmem:$0xF0] =	vst v2;
	v2 =	vadd.s32 v0, v7;
	v4 =	vmul.f32 v4, v8;
	v7 =	vmul.f32 v11, v9;
	v8 =	vld [tilespmem:$0x30]  }
0x10c: {  	v9 =	vpop (erf);
	[tilespmem:$0x0] =	vst v2;
	v2 =	vld [tilespmem:$0xE0]  }
0x10d: {  	[tilespmem:$0x100] =	vst v4;
	v4 =	vmul.f32 v7, v10;
	v7 =	vmul.f32 v9, v12  }
0x10e: {  	[tilespmem:$0x10] =	vst v3;
	v3 =	vpop (erf);
	v9 =	vld [tilespmem:$0x40]  }
0x10f: {  	v3 =	vmul.f32 v3, v13;
	[tilespmem:$0x110] =	vst v4;
	v4 =	vadd.s32 v0, v6;
	v5 =	vmul.f32 v7, v5  }
0x110: {  	[tilespmem:$0x20] =	vst v4  }
0x111: {  	v4 =	vadd.s32 v0, v8;
	[tilespmem:$0x120] =	vst v5;
	v2 =	vmul.f32 v3, v2  }
0x112: {  	[tilespmem:$0x30] =	vst v4  }
0x113: {  	[tilespmem:$0x130] =	vst v2;
	v2 =	vadd.s32 v0, v9  }
0x114: {  	[tilespmem:$0x40] =	vst v2  }
0x115: {  	[tilespmem:s10], [sflag:$0x1] =	stream.indirect.gather [hbm4b:s13+s11], $0xA0, s16, s11, $0xb8;
	[tilespmem:$0x1C238] =	vst v63  }
0x116: {  	_ =	swait.ge [sflag:s22], $0x3200  }
0x117: {  	[sflag:s22] =	ssyncset.done $0x0  }
0x118: {  	s19 =	simm.s32 $0x280;
	v3 =	vmov s16;
	[sflag:s22] =	ssyncadd.s32 $0xFFFFCE00  }
0x119: {  	v2 =	vld [tilespmem:s19+$0xFFFFFFF0]  }
0x11a: {  	v8 =	vld [tilespmem:s19+$0x40]  }
0x11b: {  	v11 =	vld [tilespmem:s19+$0x20]  }
0x11c: {  	v9 =	vld [tilespmem:s19+$0xFFFFFFB0]  }
0x11d: {  	v3 =	vld.idx.msk [tilespmem:v3+s30+$0x0], $0xffff  }
0x11e: {  	v13 =	vld [tilespmem:s19+$0xFFFFFFD0]  }
0x11f: {  	v5 =	vld [tilespmem:s19+$0x0]  }
0x120: {  	v4 =	vld [tilespmem:s19+$0x30]  }
0x121: {  	v7 =	vld [tilespmem:s19+$0xFFFFFFC0]  }
0x122: {  	v6 =	vld [tilespmem:s19+$0xFFFFFFE0]  }
0x123: {  	v10 =	vmul.f32 v9, v3;
	v12 =	vmul.f32 v8, v3;
	v8 =	vld [tilespmem:s19+$0x10]  }
0x124: {  	s29 =	simm.s32 $0x1;
	s28 =	simm.s32 $0x280;
	v9 =	vmul.f32 v13, v3;
	v11 =	vmul.f32 v11, v3  }
.LBB2_11:
0x125: {  	p2 =	sne.s32 s29, $0x4F  }
0x126: {  	v7 =	vmul.f32 v7, v3;
	v5 =	vmul.f32 v5, v3;
	[tilespmem:s19+$0x40] =	vst v12;
	s28 =	sadd.s32 $0xA0, s28;
	s14 =	smov.u32 s29;
	s29 =	sadd.s32 $0x1, s29  }
0x127: {  	[tilespmem:s19+$0xFFFFFFB0] =	vst v10;
	v6 =	vmul.f32 v6, v3;
	v10 =	vmul.f32 v2, v3  }
0x128: {  	v8 =	vmul.f32 v8, v3;
	[tilespmem:s19+$0x20] =	vst v11;
	v3 =	vmul.f32 v4, v3  }
0x129: {  	[tilespmem:s19+$0x0] =	vst v5  }
0x12a: {  	[tilespmem:s19+$0xFFFFFFD0] =	vst v9  }
0x12b: {  	v4 =	vmov s14;
	v2 =	vld [tilespmem:s28+$0xFFFFFFF0];
	[tilespmem:s19+$0xFFFFFFF0] =	vst v10  }
0x12c: {  	v9 =	vld [tilespmem:s28+$0x40];
	[tilespmem:s19+$0x30] =	vst v3  }
0x12d: {  	v5 =	vld [tilespmem:s28+$0x0];
	[tilespmem:s19+$0x10] =	vst v8  }
0x12e: {  	v11 =	vld [tilespmem:s28+$0x20];
	[tilespmem:s19+$0xFFFFFFE0] =	vst v6  }
0x12f: {  	v10 =	vld [tilespmem:s28+$0xFFFFFFB0];
	[tilespmem:s19+$0xFFFFFFC0] =	vst v7;
	s19 =	smov.u32 s28  }
0x130: {  	v3 =	vld.idx.msk [tilespmem:v4+s30+$0x0], $0xffff  }
0x131: {  	v4 =	vld [tilespmem:s28+$0x30]  }
0x132: {  	v13 =	vld [tilespmem:s28+$0xFFFFFFD0]  }
.Ltmp4:
0x133: {  	v7 =	vld [tilespmem:s28+$0xFFFFFFC0];
	(pc) =	sbr.rel @p2 .LBB2_11-.Ltmp4, $4  }
0x134: {  	v6 =	vld [tilespmem:s28+$0xFFFFFFE0]  }
0x135: {  	v8 =	vld [tilespmem:s28+$0x10]  }
0x136: {  	v10 =	vmul.f32 v10, v3;
	v12 =	vmul.f32 v9, v3  }
0x137: {  	v11 =	vmul.f32 v11, v3;
	v9 =	vmul.f32 v13, v3  }
0x138: {  	[tilespmem:s19+$0x40] =	vst v12  }
0x139: {  	[tilespmem:s19+$0xFFFFFFB0] =	vst v10  }
0x13a: {  	v5 =	vmul.f32 v5, v3;
	[tilespmem:s19+$0x20] =	vst v11  }
0x13b: {  	v2 =	vmul.f32 v2, v3;
	[tilespmem:s19+$0xFFFFFFD0] =	vst v9  }
0x13c: {  	v4 =	vmul.f32 v4, v3;
	[tilespmem:s19+$0x0] =	vst v5  }
0x13d: {  	v63 =	vmul.f32 v8, v3;
	[tilespmem:s19+$0xFFFFFFF0] =	vst v2  }
0x13e: {  	v2 =	vmul.f32 v6, v3;
	[tilespmem:s19+$0x30] =	vst v4  }
0x13f: {  	s17 =	sadd.s32 $0x1, s17;
	v3 =	vmul.f32 v7, v3;
	[tilespmem:s19+$0x10] =	vst v63  }
0x140: {  	p2 =	sne.s32 s17, $0x1F4;
	[tilespmem:s19+$0xFFFFFFE0] =	vst v2  }
.Ltmp5:
0x141: {  	[tilespmem:s19+$0xFFFFFFC0] =	vst v3;
	(pc) =	sbr.rel @p2 .LBB2_10-.Ltmp5, $4  }
0x142: {  	[spmem:s6] =	stream.indirect.scatter.add.f32 [tilespmem:s10], [sflag:$0x2], $0xA0, s11, s11, $0xb8;
	[tilespmem:$0x1C238] =	vst v63  }
0x143: {  	_ =	swait.ge [sflag:s1], $0x3200  }
0x144: {  	[sflag:s1] =	ssyncset.done $0x0  }
0x145: {  	[sflag:s1] =	ssyncadd.s32 $0xFFFFCE00  }
0x146: {  	[bflag:$0x0] =	sbarrier.arrive $0xFFFF  }
0x147: {  	s14 =	rddreg [dreg:$0x13]  }
0x148: {  	s16 =	simm.s32 @p0 $0x1FC2;
	s17 =	rddreg [dreg:$0x10];
	s14 =	sshrl.u32 @p0 s14, $0x3  }
0x149: {  	[hbm:s17], [sflag:s16] =	dma.local @p0 [spmem:s14], $0x1F40  }
0x14a: {  	s14 =	simm.s32 @p0 $0x2  }
0x14b: {  	_ =	swait.ge @p0 [sflag:s14], $0x1F40  }
0x14c: {  	s16 =	stileid.u32;
	s28 =	rddreg [dreg:$0xa]  }
0x14d: {  	s16 =	sshll.u32 @!p0 s16, $0x6;
	[sflag:s14] =	ssyncset.done @p0 $0x0;
	s17 =	rddreg [dreg:$0xe]  }
0x14e: {  	[sflag:s14] =	ssyncadd.s32 @p0 $0xFFFFE0C0;
	s14 =	sor.u32 @!p0 $0x1C02, s16;
	s16 =	sshrl.u32 @!p0 s28, $0x3  }
0x14f: {  	[hbm:s17], [sflag:s14] =	dma.local @!p0 [spmem:s16], $0x3200  }
0x150: {  	s14 =	simm.s32 @!p0 $0x2  }
0x151: {  	_ =	swait.ge @!p0 [sflag:s14], $0x3200  }
0x152: {  	s15 =	sadd.s32 $0x1, s15;
	s29 =	rddreg [dreg:$0x11]  }
0x153: {  	p2 =	sne.s32 s15, s29  }
.Ltmp6:
0x154: {  	_ = 	snop;
	(pc) =	sbr.rel @p2 .LBB2_1-.Ltmp6, $3  }
0x155: {  	_ =	sdelay $0x1  }
0x156: {  	[sflag:s14] =	ssyncset.done @!p0 $0x0  }
0x157: {  	[sflag:s14] =	ssyncadd.s32 @!p0 $0xFFFFCE00  }
0x158: {  	_ =	sfence.sel $0x180000  }
0x159: {  	[bflag:$0x0] =	sbarrier.arrive $0xFFFF  }
0x15a: {  	_ =	strace $0x90000047  }
0x15b: {  	[bflag:$0x2] =	sbarrier.arrive $0xFFFF  }
0x15c: {  	s0 =	rddreg [dreg:$0x7]  }
0x15d: {  	s0 =	sadd.s32 @!p1 $0x100000, s0  }
0x15e: {  	[sflag:s0] =	ssyncadd.tile.s32 @!p1 $0x1;
	_ =	shalt  }
.Lfunc_end2:
_tile_overlayer_lowered:
.L_overlay_start_2:
0x15f: {  	(tag) =	ssettag $0x2  }
0x160: {  	s0 =	rddreg [dreg:$0x0];
	s2 =	stileid.u32  }
0x161: {  	s1 =	rddreg [dreg:$0x1];
	p0 =	sne.s32 s2, $0x0  }
0x162: {  	s3 =	rddreg [dreg:$0x2];
	[bflag:$0x3] =	sbarrier.arrive $0xFFFF;
	s2 =	simm.s32 @!p0 $0x1C02  }
0x163: {  	[timem:s3], [sflag:s2] =	dma.local @!p0 [hbm:s0], s1  }
0x164: {  	s0 =	simm.s32 @!p0 $0x2  }
0x165: {  	_ =	swait.ge @!p0 [sflag:s0], s1  }
0x166: {  	s1 =	ssub.s32 @!p0 $0x0, s1;
	[sflag:s0] =	ssyncset.done @!p0 $0x0  }
0x167: {  	[sflag:s0] =	ssyncadd.s32 @!p0 s1  }
0x168: {  	[bflag:$0x3] =	sbarrier.arrive $0xFFFF  }
0x169: {  	_ =	shalt  }

</sc_bundles>
